<compile_context>
chip_gen: v7x
topology: tpu7x:2x2x1
jax: 0.10.2.dev20260603
libtpu: 0.0.44.dev20260713+nightly
codegen_flags: <defaults>
</compile_context>

<pallas_src>
import functools

import jax
import jax.numpy as jnp
from jax import lax
from jax.experimental import pallas as pl
from jax.experimental.pallas import tpu as pltpu
from jax.experimental.pallas import tpu_sc as plsc


def _prep_body(lab_row_ref, lab_col_ref, idx_row_ref, idx_col_ref,
               keep_ref, minv_ref):
    lab_row = lab_row_ref[...]
    lab_col = lab_col_ref[...]
    idx_row = idx_row_ref[...]
    idx_col = idx_col_ref[...]
    b = lab_row.shape[1]
    eq_lab = lab_col == lab_row
    eq_idx = idx_col == idx_row
    ia = lax.broadcasted_iota(jnp.int32, (b, b), 0)
    ij = lax.broadcasted_iota(jnp.int32, (b, b), 1)
    dup = eq_lab & eq_idx & (ia < ij)
    keep = jnp.where(jnp.any(dup, axis=0, keepdims=True), 0.0, 1.0)
    m = jnp.sum(eq_lab.astype(jnp.float32) * keep, axis=1, keepdims=True)
    keep_ref[...] = keep
    minv_ref[...] = 1.0 / m


def _prep(labels, indices):
    b = labels.shape[0]
    keep, minv = pl.pallas_call(
        _prep_body,
        out_shape=[jax.ShapeDtypeStruct((1, b), jnp.float32),
                   jax.ShapeDtypeStruct((b, 1), jnp.float32)],
    )(labels.reshape(1, b), labels.reshape(b, 1),
      indices.reshape(1, b), indices.reshape(b, 1))
    return keep.reshape(b), minv


def _make_sc_route(b, bt):
    info = plsc.get_sparse_core_info()
    nc, ns, lanes = info.num_cores, info.num_subcores, info.num_lanes
    nw = nc * ns
    nch = b // lanes
    mesh = plsc.VectorSubcoreMesh(core_axis_name="c", subcore_axis_name="s")

    @functools.partial(
        pl.kernel, mesh=mesh,
        out_type=[jax.ShapeDtypeStruct((nw, lanes), jnp.int32),
                  jax.ShapeDtypeStruct((nw, b), jnp.int32),
                  jax.ShapeDtypeStruct((nw, b), jnp.int32)],
        scratch_types=[
            pltpu.VMEM((b,), jnp.int32),
            pltpu.VMEM((b + 16,), jnp.int32),
            pltpu.VMEM((b,), jnp.float32),
            pltpu.VMEM((b + 16,), jnp.int32),
            pltpu.VMEM((b + 16,), jnp.int32),
            pltpu.VMEM((lanes,), jnp.int32),
        ],
    )
    def sc_route(idx_hbm, lab_hbm, keep_hbm, cnt_hbm, cj_hbm, lj_hbm,
                 idx_v, lab_v, keep_v, cj_v, lj_v, cnt_v):
        wid = lax.axis_index("s") * nc + lax.axis_index("c")
        pltpu.sync_copy(idx_hbm, idx_v)
        pltpu.sync_copy(lab_hbm, lab_v.at[pl.ds(0, b)])
        pltpu.sync_copy(keep_hbm, keep_v)

        base = wid * bt
        bl = [jnp.full((lanes,), lab_v[pl.ds(base + t, lanes)][0], jnp.int32)
              for t in range(bt)]

        def chunk_body(c, cur):
            lc = lab_v[pl.ds(c * lanes, lanes)]
            ic = idx_v[pl.ds(c * lanes, lanes)]
            kc = keep_v[pl.ds(c * lanes, lanes)]
            mem = jnp.where(lc == bl[0], 1, 0)
            for t in range(1, bt):
                mem = jnp.maximum(mem, jnp.where(lc == bl[t], 1, 0))
            mski = jnp.where(kc > 0.0, mem, 0)
            for t in range(lanes):
                cj_v[pl.ds(cur, lanes)] = jnp.full((lanes,), ic[t], jnp.int32)
                lj_v[pl.ds(cur, lanes)] = jnp.full((lanes,), lc[t], jnp.int32)
                cur = cur + mski[t]
            return cur

        total = lax.fori_loop(0, nch, chunk_body, jnp.int32(0))
        cnt_v[...] = jnp.full((lanes,), total, jnp.int32)
        pltpu.sync_copy(cnt_v, cnt_hbm.at[wid])
        pltpu.sync_copy(cj_v.at[pl.ds(0, b)], cj_hbm.at[wid])
        pltpu.sync_copy(lj_v.at[pl.ds(0, b)], lj_hbm.at[wid])

    return sc_route


def _main_body(cnt_ref, cj_ref, lj_ref, lab_ref, minv_ref, x_ref,
               out_ref, acc_ref):
    bt = x_ref.shape[0]
    r = pl.program_id(0)
    nblk = pl.num_programs(0)

    @pl.when(r == 0)
    def _():
        acc_ref[0, 0] = 0.0

    x = x_ref[...]
    mx = jnp.max(x, axis=1, keepdims=True)
    ssum = jnp.sum(jnp.exp(x - mx), axis=1, keepdims=True)
    logz = mx + jnp.log(ssum)

    lab_blk = lab_ref[...]
    minv_blk = minv_ref[...]
    lane_iota = lax.broadcasted_iota(jnp.int32, (bt, 128), 1)
    row_iota = lax.broadcasted_iota(jnp.int32, (bt, 1), 0)
    nlists = cnt_ref.shape[0]
    sub = bt // nlists

    unroll = 16

    def make_body(q, n):
        inrows = (row_iota >= q * sub) & (row_iota < (q + 1) * sub)

        def body_t(t, acc):
            for i in range(unroll):
                k = t * unroll + i
                kc = jnp.minimum(k, n - 1)
                c = cj_ref[q, 0, kc]
                lab_j = lj_ref[q, 0, kc]
                start = pl.multiple_of((c // 128) * 128, 128)
                xt = x_ref[:, pl.ds(start, 128)]
                wcol = jnp.where((lab_blk == lab_j) & inrows & (k < n),
                                 minv_blk, 0.0)
                acc = acc + jnp.where(lane_iota == c % 128, xt * wcol, 0.0)
            return acc
        return body_t

    acc = jnp.zeros((bt, 128), jnp.float32)
    for q in range(nlists):
        n = cnt_ref[q, 0, 0]
        acc = lax.fori_loop(0, (n + unroll - 1) // unroll,
                            make_body(q, n), acc)
    acc_ref[0, 0] = acc_ref[0, 0] + jnp.sum(logz) - jnp.sum(acc)

    @pl.when(r == nblk - 1)
    def _():
        out_ref[...] = jnp.full((1, 1), acc_ref[0, 0] / (bt * nblk))


def _main(features, counts, cj, lj, labels, minv, bt, lt):
    b, v = features.shape
    nblk = b // bt
    nl = b // lt
    npl = bt // lt
    return pl.pallas_call(
        _main_body,
        grid=(nblk,),
        in_specs=[
            pl.BlockSpec((npl, 1, 16), lambda r: (r, 0, 0),
                         memory_space=pltpu.SMEM),
            pl.BlockSpec((npl, 1, b), lambda r: (r, 0, 0),
                         memory_space=pltpu.SMEM),
            pl.BlockSpec((npl, 1, b), lambda r: (r, 0, 0),
                         memory_space=pltpu.SMEM),
            pl.BlockSpec((bt, 1), lambda r: (r, 0)),
            pl.BlockSpec((bt, 1), lambda r: (r, 0)),
            pl.BlockSpec((bt, v), lambda r: (r, 0)),
        ],
        out_specs=pl.BlockSpec((1, 1), lambda r: (0, 0)),
        out_shape=jax.ShapeDtypeStruct((1, 1), jnp.float32),
        scratch_shapes=[pltpu.SMEM((1, 1), jnp.float32)],
    )(counts.reshape(nl, 1, 16), cj.reshape(nl, 1, b),
      lj.reshape(nl, 1, b), labels.reshape(b, 1), minv, features)


def kernel(features, indices, labels):
    b, v = features.shape
    lt = 32
    bt = 32
    keep, minv = _prep(labels, indices)
    counts, cj, lj = _make_sc_route(b, lt)(indices, labels, keep)
    loss = _main(features, counts, cj, lj, labels, minv, bt, lt)
    return loss.reshape(())

# --- scband reference (transcript-rebuilt; emitter-appended) ---
"""Pipeline reference for scband-sup-instance-discrimination-9912784519354 (READ-ONLY COPY).

The authoritative reference and input builder live on the scoring server;
editing this copy changes nothing except your own understanding.
"""

import jax, jax.numpy as jnp
import numpy as np


def setup_inputs(seed: int = 0) -> dict:
    key = jax.random.key(seed)
    k1, k2, k3 = jax.random.split(key, 3)
    B, V, C = 1024, 100000, 1000
    features = jax.random.normal(k1, (B, V), dtype=jnp.float32)
    # indices >= 1 so each sample's own positive slot is never nullified by the mask[:,0]=0 rule
    indices = jax.random.randint(k2, (B,), 1, V, dtype=jnp.int32)
    labels = jax.random.randint(k3, (B,), 0, C, dtype=jnp.int32)
    return {"features": features, "indices": indices, "labels": labels}


def reference(features, indices, labels):
    B = features.shape[0]
    lab = labels.reshape(-1, 1)
    label_mask = (lab == lab.T).astype(jnp.float32)
    log_probs = jax.nn.log_softmax(features, axis=-1)
    repeat_indices = jnp.tile(indices[None, :], (B, 1))
    # torch: (long * float).long() -> promote to float, multiply, truncate back to int
    index_label_mat = (repeat_indices.astype(jnp.float32) * label_mask).astype(jnp.int32)
    rows = jnp.arange(B)[:, None]
    mask = jnp.zeros_like(log_probs)
    mask = mask.at[rows, index_label_mat].set(1.0)
    mask = mask.at[:, 0].set(0.0)
    mask_selected_mean_log_probs = log_probs * mask / jnp.sum(mask, axis=1, keepdims=True)
    loss = -mask_selected_mean_log_probs
    loss = jnp.sum(loss) / B
    return loss

if __name__ == "__main__":
    import jax
    _d = setup_inputs()
    print(jax.jit(kernel)(*tuple(_d.values())))

</pallas_src>

<mosaic_0001>
#map = affine_map<(d0, d1) -> (0)>
#map1 = affine_map<(d0, d1) -> (0, 0)>
module attributes {stable_mosaic.version = 14 : i64} {
  func.func @sc_route(%arg0: i32, %arg1: i32, %arg2: memref<1024xi32, #tpu.memory_space<hbm>>, %arg3: memref<1024xi32, #tpu.memory_space<hbm>>, %arg4: memref<1024xf32, #tpu.memory_space<hbm>>, %arg5: memref<32x16xi32, #tpu.memory_space<hbm>>, %arg6: memref<32x1024xi32, #tpu.memory_space<hbm>>, %arg7: memref<32x1024xi32, #tpu.memory_space<hbm>>, %arg8: memref<1024xi32, #tpu.memory_space<vmem>>, %arg9: memref<1040xi32, #tpu.memory_space<vmem>>, %arg10: memref<1024xf32, #tpu.memory_space<vmem>>, %arg11: memref<1040xi32, #tpu.memory_space<vmem>>, %arg12: memref<1040xi32, #tpu.memory_space<vmem>>, %arg13: memref<16xi32, #tpu.memory_space<vmem>>) attributes {dimension_semantics = [#tpu.dimension_semantics<core_parallel>, #tpu.dimension_semantics<subcore_parallel>], iteration_bounds = array<i64: 2, 16>, scalar_prefetch = 0 : i64, scratch_operands = 6 : i64, tpu.core_type = #tpu.core_type<sc_vector_subcore>, window_params = [{transform_indices = #map}, {transform_indices = #map}, {transform_indices = #map}, {transform_indices = #map1}, {transform_indices = #map1}, {transform_indices = #map1}]} {
    %mul3A = arith.constant 2 : i32
    %mul3A_0 = arith.muli %arg1, %mul3A : i32
    %add3A = arith.addi %mul3A_0, %arg0 : i32
    "tpu.region"() ({
      %run_scoped3A = tpu.sem_alloc : memref<!tpu.dma_semaphore, #tpu.memory_space<semaphore_mem>>
      tpu.enqueue_dma source(%arg2 : memref<1024xi32, #tpu.memory_space<hbm>>) target(%arg8 : memref<1024xi32, #tpu.memory_space<vmem>>) target_semaphore(%run_scoped3A : memref<!tpu.dma_semaphore, #tpu.memory_space<semaphore_mem>>)
      tpu.wait_dma2 semaphore(%run_scoped3A : memref<!tpu.dma_semaphore, #tpu.memory_space<semaphore_mem>>) src(%arg2 : memref<1024xi32, #tpu.memory_space<hbm>>) dst(%arg8 : memref<1024xi32, #tpu.memory_space<vmem>>)
      tpu.yield
    }) : () -> ()
    "tpu.region"() ({
      %run_scoped3A = tpu.sem_alloc : memref<!tpu.dma_semaphore, #tpu.memory_space<semaphore_mem>>
      %dma_start3A = arith.constant 0 : i32
      %dma_start3A_265 = tpu.memref_slice %arg9[%dma_start3A] : memref<1040xi32, #tpu.memory_space<vmem>> -> memref<1024xi32, #tpu.memory_space<vmem>>
      %dma_start3A_266 = arith.constant 0 : i32
      %dma_start3A_267 = tpu.memref_slice %arg9[%dma_start3A_266] : memref<1040xi32, #tpu.memory_space<vmem>> -> memref<1024xi32, #tpu.memory_space<vmem>>
      tpu.enqueue_dma source(%arg3 : memref<1024xi32, #tpu.memory_space<hbm>>) target(%dma_start3A_267 : memref<1024xi32, #tpu.memory_space<vmem>>) target_semaphore(%run_scoped3A : memref<!tpu.dma_semaphore, #tpu.memory_space<semaphore_mem>>)
      %dma_wait3A = arith.constant 0 : i32
      %dma_wait3A_268 = tpu.memref_slice %arg9[%dma_wait3A] : memref<1040xi32, #tpu.memory_space<vmem>> -> memref<1024xi32, #tpu.memory_space<vmem>>
      %dma_wait3A_269 = arith.constant 0 : i32
      %dma_wait3A_270 = tpu.memref_slice %arg9[%dma_wait3A_269] : memref<1040xi32, #tpu.memory_space<vmem>> -> memref<1024xi32, #tpu.memory_space<vmem>>
      tpu.wait_dma2 semaphore(%run_scoped3A : memref<!tpu.dma_semaphore, #tpu.memory_space<semaphore_mem>>) src(%arg3 : memref<1024xi32, #tpu.memory_space<hbm>>) dst(%dma_wait3A_270 : memref<1024xi32, #tpu.memory_space<vmem>>)
      tpu.yield
    }) : () -> ()
    "tpu.region"() ({
      %run_scoped3A = tpu.sem_alloc : memref<!tpu.dma_semaphore, #tpu.memory_space<semaphore_mem>>
      tpu.enqueue_dma source(%arg4 : memref<1024xf32, #tpu.memory_space<hbm>>) target(%arg10 : memref<1024xf32, #tpu.memory_space<vmem>>) target_semaphore(%run_scoped3A : memref<!tpu.dma_semaphore, #tpu.memory_space<semaphore_mem>>)
      tpu.wait_dma2 semaphore(%run_scoped3A : memref<!tpu.dma_semaphore, #tpu.memory_space<semaphore_mem>>) src(%arg4 : memref<1024xf32, #tpu.memory_space<hbm>>) dst(%arg10 : memref<1024xf32, #tpu.memory_space<vmem>>)
      tpu.yield
    }) : () -> ()
    %mul3A_1 = arith.constant 32 : i32
    %mul3A_2 = arith.muli %add3A, %mul3A_1 : i32
    %add3A_3 = arith.constant 0 : i32
    %add3A_4 = arith.addi %mul3A_2, %add3A_3 : i32
    %get3A = arith.index_cast %add3A_4 : i32 to index
    %get3A_5 = tpu.vector_load %arg9[%get3A] {strides = array<i32>} : memref<1040xi32, #tpu.memory_space<vmem>>, vector<16xi32>,
    %get3A_6 = vector.shape_cast %get3A_5 : vector<16xi32> to vector<16xi32>
    %slice3A = vector.extract_strided_slice %get3A_6 {offsets = [0], sizes = [1], strides = [1]} : vector<16xi32> to vector<1xi32>
    %squeeze3A = vector.extract %slice3A[0] : i32 from vector<1xi32>
    %broadcast_in_dim3A = vector.broadcast %squeeze3A : i32 to vector<16xi32>
    %add3A_7 = arith.constant 1 : i32
    %add3A_8 = arith.addi %mul3A_2, %add3A_7 : i32
    %get3A_9 = arith.index_cast %add3A_8 : i32 to index
    %get3A_10 = tpu.vector_load %arg9[%get3A_9] {strides = array<i32>} : memref<1040xi32, #tpu.memory_space<vmem>>, vector<16xi32>,
    %get3A_11 = vector.shape_cast %get3A_10 : vector<16xi32> to vector<16xi32>
    %slice3A_12 = vector.extract_strided_slice %get3A_11 {offsets = [0], sizes = [1], strides = [1]} : vector<16xi32> to vector<1xi32>
    %squeeze3A_13 = vector.extract %slice3A_12[0] : i32 from vector<1xi32>
    %broadcast_in_dim3A_14 = vector.broadcast %squeeze3A_13 : i32 to vector<16xi32>
    %add3A_15 = arith.constant 2 : i32
    %add3A_16 = arith.addi %mul3A_2, %add3A_15 : i32
    %get3A_17 = arith.index_cast %add3A_16 : i32 to index
    %get3A_18 = tpu.vector_load %arg9[%get3A_17] {strides = array<i32>} : memref<1040xi32, #tpu.memory_space<vmem>>, vector<16xi32>,
    %get3A_19 = vector.shape_cast %get3A_18 : vector<16xi32> to vector<16xi32>
    %slice3A_20 = vector.extract_strided_slice %get3A_19 {offsets = [0], sizes = [1], strides = [1]} : vector<16xi32> to vector<1xi32>
    %squeeze3A_21 = vector.extract %slice3A_20[0] : i32 from vector<1xi32>
    %broadcast_in_dim3A_22 = vector.broadcast %squeeze3A_21 : i32 to vector<16xi32>
    %add3A_23 = arith.constant 3 : i32
    %add3A_24 = arith.addi %mul3A_2, %add3A_23 : i32
    %get3A_25 = arith.index_cast %add3A_24 : i32 to index
    %get3A_26 = tpu.vector_load %arg9[%get3A_25] {strides = array<i32>} : memref<1040xi32, #tpu.memory_space<vmem>>, vector<16xi32>,
    %get3A_27 = vector.shape_cast %get3A_26 : vector<16xi32> to vector<16xi32>
    %slice3A_28 = vector.extract_strided_slice %get3A_27 {offsets = [0], sizes = [1], strides = [1]} : vector<16xi32> to vector<1xi32>
    %squeeze3A_29 = vector.extract %slice3A_28[0] : i32 from vector<1xi32>
    %broadcast_in_dim3A_30 = vector.broadcast %squeeze3A_29 : i32 to vector<16xi32>
    %add3A_31 = arith.constant 4 : i32
    %add3A_32 = arith.addi %mul3A_2, %add3A_31 : i32
    %get3A_33 = arith.index_cast %add3A_32 : i32 to index
    %get3A_34 = tpu.vector_load %arg9[%get3A_33] {strides = array<i32>} : memref<1040xi32, #tpu.memory_space<vmem>>, vector<16xi32>,
    %get3A_35 = vector.shape_cast %get3A_34 : vector<16xi32> to vector<16xi32>
    %slice3A_36 = vector.extract_strided_slice %get3A_35 {offsets = [0], sizes = [1], strides = [1]} : vector<16xi32> to vector<1xi32>
    %squeeze3A_37 = vector.extract %slice3A_36[0] : i32 from vector<1xi32>
    %broadcast_in_dim3A_38 = vector.broadcast %squeeze3A_37 : i32 to vector<16xi32>
    %add3A_39 = arith.constant 5 : i32
    %add3A_40 = arith.addi %mul3A_2, %add3A_39 : i32
    %get3A_41 = arith.index_cast %add3A_40 : i32 to index
    %get3A_42 = tpu.vector_load %arg9[%get3A_41] {strides = array<i32>} : memref<1040xi32, #tpu.memory_space<vmem>>, vector<16xi32>,
    %get3A_43 = vector.shape_cast %get3A_42 : vector<16xi32> to vector<16xi32>
    %slice3A_44 = vector.extract_strided_slice %get3A_43 {offsets = [0], sizes = [1], strides = [1]} : vector<16xi32> to vector<1xi32>
    %squeeze3A_45 = vector.extract %slice3A_44[0] : i32 from vector<1xi32>
    %broadcast_in_dim3A_46 = vector.broadcast %squeeze3A_45 : i32 to vector<16xi32>
    %add3A_47 = arith.constant 6 : i32
    %add3A_48 = arith.addi %mul3A_2, %add3A_47 : i32
    %get3A_49 = arith.index_cast %add3A_48 : i32 to index
    %get3A_50 = tpu.vector_load %arg9[%get3A_49] {strides = array<i32>} : memref<1040xi32, #tpu.memory_space<vmem>>, vector<16xi32>,
    %get3A_51 = vector.shape_cast %get3A_50 : vector<16xi32> to vector<16xi32>
    %slice3A_52 = vector.extract_strided_slice %get3A_51 {offsets = [0], sizes = [1], strides = [1]} : vector<16xi32> to vector<1xi32>
    %squeeze3A_53 = vector.extract %slice3A_52[0] : i32 from vector<1xi32>
    %broadcast_in_dim3A_54 = vector.broadcast %squeeze3A_53 : i32 to vector<16xi32>
    %add3A_55 = arith.constant 7 : i32
    %add3A_56 = arith.addi %mul3A_2, %add3A_55 : i32
    %get3A_57 = arith.index_cast %add3A_56 : i32 to index
    %get3A_58 = tpu.vector_load %arg9[%get3A_57] {strides = array<i32>} : memref<1040xi32, #tpu.memory_space<vmem>>, vector<16xi32>,
    %get3A_59 = vector.shape_cast %get3A_58 : vector<16xi32> to vector<16xi32>
    %slice3A_60 = vector.extract_strided_slice %get3A_59 {offsets = [0], sizes = [1], strides = [1]} : vector<16xi32> to vector<1xi32>
    %squeeze3A_61 = vector.extract %slice3A_60[0] : i32 from vector<1xi32>
    %broadcast_in_dim3A_62 = vector.broadcast %squeeze3A_61 : i32 to vector<16xi32>
    %add3A_63 = arith.constant 8 : i32
    %add3A_64 = arith.addi %mul3A_2, %add3A_63 : i32
    %get3A_65 = arith.index_cast %add3A_64 : i32 to index
    %get3A_66 = tpu.vector_load %arg9[%get3A_65] {strides = array<i32>} : memref<1040xi32, #tpu.memory_space<vmem>>, vector<16xi32>,
    %get3A_67 = vector.shape_cast %get3A_66 : vector<16xi32> to vector<16xi32>
    %slice3A_68 = vector.extract_strided_slice %get3A_67 {offsets = [0], sizes = [1], strides = [1]} : vector<16xi32> to vector<1xi32>
    %squeeze3A_69 = vector.extract %slice3A_68[0] : i32 from vector<1xi32>
    %broadcast_in_dim3A_70 = vector.broadcast %squeeze3A_69 : i32 to vector<16xi32>
    %add3A_71 = arith.constant 9 : i32
    %add3A_72 = arith.addi %mul3A_2, %add3A_71 : i32
    %get3A_73 = arith.index_cast %add3A_72 : i32 to index
    %get3A_74 = tpu.vector_load %arg9[%get3A_73] {strides = array<i32>} : memref<1040xi32, #tpu.memory_space<vmem>>, vector<16xi32>,
    %get3A_75 = vector.shape_cast %get3A_74 : vector<16xi32> to vector<16xi32>
    %slice3A_76 = vector.extract_strided_slice %get3A_75 {offsets = [0], sizes = [1], strides = [1]} : vector<16xi32> to vector<1xi32>
    %squeeze3A_77 = vector.extract %slice3A_76[0] : i32 from vector<1xi32>
    %broadcast_in_dim3A_78 = vector.broadcast %squeeze3A_77 : i32 to vector<16xi32>
    %add3A_79 = arith.constant 10 : i32
    %add3A_80 = arith.addi %mul3A_2, %add3A_79 : i32
    %get3A_81 = arith.index_cast %add3A_80 : i32 to index
    %get3A_82 = tpu.vector_load %arg9[%get3A_81] {strides = array<i32>} : memref<1040xi32, #tpu.memory_space<vmem>>, vector<16xi32>,
    %get3A_83 = vector.shape_cast %get3A_82 : vector<16xi32> to vector<16xi32>
    %slice3A_84 = vector.extract_strided_slice %get3A_83 {offsets = [0], sizes = [1], strides = [1]} : vector<16xi32> to vector<1xi32>
    %squeeze3A_85 = vector.extract %slice3A_84[0] : i32 from vector<1xi32>
    %broadcast_in_dim3A_86 = vector.broadcast %squeeze3A_85 : i32 to vector<16xi32>
    %add3A_87 = arith.constant 11 : i32
    %add3A_88 = arith.addi %mul3A_2, %add3A_87 : i32
    %get3A_89 = arith.index_cast %add3A_88 : i32 to index
    %get3A_90 = tpu.vector_load %arg9[%get3A_89] {strides = array<i32>} : memref<1040xi32, #tpu.memory_space<vmem>>, vector<16xi32>,
    %get3A_91 = vector.shape_cast %get3A_90 : vector<16xi32> to vector<16xi32>
    %slice3A_92 = vector.extract_strided_slice %get3A_91 {offsets = [0], sizes = [1], strides = [1]} : vector<16xi32> to vector<1xi32>
    %squeeze3A_93 = vector.extract %slice3A_92[0] : i32 from vector<1xi32>
    %broadcast_in_dim3A_94 = vector.broadcast %squeeze3A_93 : i32 to vector<16xi32>
    %add3A_95 = arith.constant 12 : i32
    %add3A_96 = arith.addi %mul3A_2, %add3A_95 : i32
    %get3A_97 = arith.index_cast %add3A_96 : i32 to index
    %get3A_98 = tpu.vector_load %arg9[%get3A_97] {strides = array<i32>} : memref<1040xi32, #tpu.memory_space<vmem>>, vector<16xi32>,
    %get3A_99 = vector.shape_cast %get3A_98 : vector<16xi32> to vector<16xi32>
    %slice3A_100 = vector.extract_strided_slice %get3A_99 {offsets = [0], sizes = [1], strides = [1]} : vector<16xi32> to vector<1xi32>
    %squeeze3A_101 = vector.extract %slice3A_100[0] : i32 from vector<1xi32>
    %broadcast_in_dim3A_102 = vector.broadcast %squeeze3A_101 : i32 to vector<16xi32>
    %add3A_103 = arith.constant 13 : i32
    %add3A_104 = arith.addi %mul3A_2, %add3A_103 : i32
    %get3A_105 = arith.index_cast %add3A_104 : i32 to index
    %get3A_106 = tpu.vector_load %arg9[%get3A_105] {strides = array<i32>} : memref<1040xi32, #tpu.memory_space<vmem>>, vector<16xi32>,
    %get3A_107 = vector.shape_cast %get3A_106 : vector<16xi32> to vector<16xi32>
    %slice3A_108 = vector.extract_strided_slice %get3A_107 {offsets = [0], sizes = [1], strides = [1]} : vector<16xi32> to vector<1xi32>
    %squeeze3A_109 = vector.extract %slice3A_108[0] : i32 from vector<1xi32>
    %broadcast_in_dim3A_110 = vector.broadcast %squeeze3A_109 : i32 to vector<16xi32>
    %add3A_111 = arith.constant 14 : i32
    %add3A_112 = arith.addi %mul3A_2, %add3A_111 : i32
    %get3A_113 = arith.index_cast %add3A_112 : i32 to index
    %get3A_114 = tpu.vector_load %arg9[%get3A_113] {strides = array<i32>} : memref<1040xi32, #tpu.memory_space<vmem>>, vector<16xi32>,
    %get3A_115 = vector.shape_cast %get3A_114 : vector<16xi32> to vector<16xi32>
    %slice3A_116 = vector.extract_strided_slice %get3A_115 {offsets = [0], sizes = [1], strides = [1]} : vector<16xi32> to vector<1xi32>
    %squeeze3A_117 = vector.extract %slice3A_116[0] : i32 from vector<1xi32>
    %broadcast_in_dim3A_118 = vector.broadcast %squeeze3A_117 : i32 to vector<16xi32>
    %add3A_119 = arith.constant 15 : i32
    %add3A_120 = arith.addi %mul3A_2, %add3A_119 : i32
    %get3A_121 = arith.index_cast %add3A_120 : i32 to index
    %get3A_122 = tpu.vector_load %arg9[%get3A_121] {strides = array<i32>} : memref<1040xi32, #tpu.memory_space<vmem>>, vector<16xi32>,
    %get3A_123 = vector.shape_cast %get3A_122 : vector<16xi32> to vector<16xi32>
    %slice3A_124 = vector.extract_strided_slice %get3A_123 {offsets = [0], sizes = [1], strides = [1]} : vector<16xi32> to vector<1xi32>
    %squeeze3A_125 = vector.extract %slice3A_124[0] : i32 from vector<1xi32>
    %broadcast_in_dim3A_126 = vector.broadcast %squeeze3A_125 : i32 to vector<16xi32>
    %add3A_127 = arith.constant 16 : i32
    %add3A_128 = arith.addi %mul3A_2, %add3A_127 : i32
    %get3A_129 = arith.index_cast %add3A_128 : i32 to index
    %get3A_130 = tpu.vector_load %arg9[%get3A_129] {strides = array<i32>} : memref<1040xi32, #tpu.memory_space<vmem>>, vector<16xi32>,
    %get3A_131 = vector.shape_cast %get3A_130 : vector<16xi32> to vector<16xi32>
    %slice3A_132 = vector.extract_strided_slice %get3A_131 {offsets = [0], sizes = [1], strides = [1]} : vector<16xi32> to vector<1xi32>
    %squeeze3A_133 = vector.extract %slice3A_132[0] : i32 from vector<1xi32>
    %broadcast_in_dim3A_134 = vector.broadcast %squeeze3A_133 : i32 to vector<16xi32>
    %add3A_135 = arith.constant 17 : i32
    %add3A_136 = arith.addi %mul3A_2, %add3A_135 : i32
    %get3A_137 = arith.index_cast %add3A_136 : i32 to index
    %get3A_138 = tpu.vector_load %arg9[%get3A_137] {strides = array<i32>} : memref<1040xi32, #tpu.memory_space<vmem>>, vector<16xi32>,
    %get3A_139 = vector.shape_cast %get3A_138 : vector<16xi32> to vector<16xi32>
    %slice3A_140 = vector.extract_strided_slice %get3A_139 {offsets = [0], sizes = [1], strides = [1]} : vector<16xi32> to vector<1xi32>
    %squeeze3A_141 = vector.extract %slice3A_140[0] : i32 from vector<1xi32>
    %broadcast_in_dim3A_142 = vector.broadcast %squeeze3A_141 : i32 to vector<16xi32>
    %add3A_143 = arith.constant 18 : i32
    %add3A_144 = arith.addi %mul3A_2, %add3A_143 : i32
    %get3A_145 = arith.index_cast %add3A_144 : i32 to index
    %get3A_146 = tpu.vector_load %arg9[%get3A_145] {strides = array<i32>} : memref<1040xi32, #tpu.memory_space<vmem>>, vector<16xi32>,
    %get3A_147 = vector.shape_cast %get3A_146 : vector<16xi32> to vector<16xi32>
    %slice3A_148 = vector.extract_strided_slice %get3A_147 {offsets = [0], sizes = [1], strides = [1]} : vector<16xi32> to vector<1xi32>
    %squeeze3A_149 = vector.extract %slice3A_148[0] : i32 from vector<1xi32>
    %broadcast_in_dim3A_150 = vector.broadcast %squeeze3A_149 : i32 to vector<16xi32>
    %add3A_151 = arith.constant 19 : i32
    %add3A_152 = arith.addi %mul3A_2, %add3A_151 : i32
    %get3A_153 = arith.index_cast %add3A_152 : i32 to index
    %get3A_154 = tpu.vector_load %arg9[%get3A_153] {strides = array<i32>} : memref<1040xi32, #tpu.memory_space<vmem>>, vector<16xi32>,
    %get3A_155 = vector.shape_cast %get3A_154 : vector<16xi32> to vector<16xi32>
    %slice3A_156 = vector.extract_strided_slice %get3A_155 {offsets = [0], sizes = [1], strides = [1]} : vector<16xi32> to vector<1xi32>
    %squeeze3A_157 = vector.extract %slice3A_156[0] : i32 from vector<1xi32>
    %broadcast_in_dim3A_158 = vector.broadcast %squeeze3A_157 : i32 to vector<16xi32>
    %add3A_159 = arith.constant 20 : i32
    %add3A_160 = arith.addi %mul3A_2, %add3A_159 : i32
    %get3A_161 = arith.index_cast %add3A_160 : i32 to index
    %get3A_162 = tpu.vector_load %arg9[%get3A_161] {strides = array<i32>} : memref<1040xi32, #tpu.memory_space<vmem>>, vector<16xi32>,
    %get3A_163 = vector.shape_cast %get3A_162 : vector<16xi32> to vector<16xi32>
    %slice3A_164 = vector.extract_strided_slice %get3A_163 {offsets = [0], sizes = [1], strides = [1]} : vector<16xi32> to vector<1xi32>
    %squeeze3A_165 = vector.extract %slice3A_164[0] : i32 from vector<1xi32>
    %broadcast_in_dim3A_166 = vector.broadcast %squeeze3A_165 : i32 to vector<16xi32>
    %add3A_167 = arith.constant 21 : i32
    %add3A_168 = arith.addi %mul3A_2, %add3A_167 : i32
    %get3A_169 = arith.index_cast %add3A_168 : i32 to index
    %get3A_170 = tpu.vector_load %arg9[%get3A_169] {strides = array<i32>} : memref<1040xi32, #tpu.memory_space<vmem>>, vector<16xi32>,
    %get3A_171 = vector.shape_cast %get3A_170 : vector<16xi32> to vector<16xi32>
    %slice3A_172 = vector.extract_strided_slice %get3A_171 {offsets = [0], sizes = [1], strides = [1]} : vector<16xi32> to vector<1xi32>
    %squeeze3A_173 = vector.extract %slice3A_172[0] : i32 from vector<1xi32>
    %broadcast_in_dim3A_174 = vector.broadcast %squeeze3A_173 : i32 to vector<16xi32>
    %add3A_175 = arith.constant 22 : i32
    %add3A_176 = arith.addi %mul3A_2, %add3A_175 : i32
    %get3A_177 = arith.index_cast %add3A_176 : i32 to index
    %get3A_178 = tpu.vector_load %arg9[%get3A_177] {strides = array<i32>} : memref<1040xi32, #tpu.memory_space<vmem>>, vector<16xi32>,
    %get3A_179 = vector.shape_cast %get3A_178 : vector<16xi32> to vector<16xi32>
    %slice3A_180 = vector.extract_strided_slice %get3A_179 {offsets = [0], sizes = [1], strides = [1]} : vector<16xi32> to vector<1xi32>
    %squeeze3A_181 = vector.extract %slice3A_180[0] : i32 from vector<1xi32>
    %broadcast_in_dim3A_182 = vector.broadcast %squeeze3A_181 : i32 to vector<16xi32>
    %add3A_183 = arith.constant 23 : i32
    %add3A_184 = arith.addi %mul3A_2, %add3A_183 : i32
    %get3A_185 = arith.index_cast %add3A_184 : i32 to index
    %get3A_186 = tpu.vector_load %arg9[%get3A_185] {strides = array<i32>} : memref<1040xi32, #tpu.memory_space<vmem>>, vector<16xi32>,
    %get3A_187 = vector.shape_cast %get3A_186 : vector<16xi32> to vector<16xi32>
    %slice3A_188 = vector.extract_strided_slice %get3A_187 {offsets = [0], sizes = [1], strides = [1]} : vector<16xi32> to vector<1xi32>
    %squeeze3A_189 = vector.extract %slice3A_188[0] : i32 from vector<1xi32>
    %broadcast_in_dim3A_190 = vector.broadcast %squeeze3A_189 : i32 to vector<16xi32>
    %add3A_191 = arith.constant 24 : i32
    %add3A_192 = arith.addi %mul3A_2, %add3A_191 : i32
    %get3A_193 = arith.index_cast %add3A_192 : i32 to index
    %get3A_194 = tpu.vector_load %arg9[%get3A_193] {strides = array<i32>} : memref<1040xi32, #tpu.memory_space<vmem>>, vector<16xi32>,
    %get3A_195 = vector.shape_cast %get3A_194 : vector<16xi32> to vector<16xi32>
    %slice3A_196 = vector.extract_strided_slice %get3A_195 {offsets = [0], sizes = [1], strides = [1]} : vector<16xi32> to vector<1xi32>
    %squeeze3A_197 = vector.extract %slice3A_196[0] : i32 from vector<1xi32>
    %broadcast_in_dim3A_198 = vector.broadcast %squeeze3A_197 : i32 to vector<16xi32>
    %add3A_199 = arith.constant 25 : i32
    %add3A_200 = arith.addi %mul3A_2, %add3A_199 : i32
    %get3A_201 = arith.index_cast %add3A_200 : i32 to index
    %get3A_202 = tpu.vector_load %arg9[%get3A_201] {strides = array<i32>} : memref<1040xi32, #tpu.memory_space<vmem>>, vector<16xi32>,
    %get3A_203 = vector.shape_cast %get3A_202 : vector<16xi32> to vector<16xi32>
    %slice3A_204 = vector.extract_strided_slice %get3A_203 {offsets = [0], sizes = [1], strides = [1]} : vector<16xi32> to vector<1xi32>
    %squeeze3A_205 = vector.extract %slice3A_204[0] : i32 from vector<1xi32>
    %broadcast_in_dim3A_206 = vector.broadcast %squeeze3A_205 : i32 to vector<16xi32>
    %add3A_207 = arith.constant 26 : i32
    %add3A_208 = arith.addi %mul3A_2, %add3A_207 : i32
    %get3A_209 = arith.index_cast %add3A_208 : i32 to index
    %get3A_210 = tpu.vector_load %arg9[%get3A_209] {strides = array<i32>} : memref<1040xi32, #tpu.memory_space<vmem>>, vector<16xi32>,
    %get3A_211 = vector.shape_cast %get3A_210 : vector<16xi32> to vector<16xi32>
    %slice3A_212 = vector.extract_strided_slice %get3A_211 {offsets = [0], sizes = [1], strides = [1]} : vector<16xi32> to vector<1xi32>
    %squeeze3A_213 = vector.extract %slice3A_212[0] : i32 from vector<1xi32>
    %broadcast_in_dim3A_214 = vector.broadcast %squeeze3A_213 : i32 to vector<16xi32>
    %add3A_215 = arith.constant 27 : i32
    %add3A_216 = arith.addi %mul3A_2, %add3A_215 : i32
    %get3A_217 = arith.index_cast %add3A_216 : i32 to index
    %get3A_218 = tpu.vector_load %arg9[%get3A_217] {strides = array<i32>} : memref<1040xi32, #tpu.memory_space<vmem>>, vector<16xi32>,
    %get3A_219 = vector.shape_cast %get3A_218 : vector<16xi32> to vector<16xi32>
    %slice3A_220 = vector.extract_strided_slice %get3A_219 {offsets = [0], sizes = [1], strides = [1]} : vector<16xi32> to vector<1xi32>
    %squeeze3A_221 = vector.extract %slice3A_220[0] : i32 from vector<1xi32>
    %broadcast_in_dim3A_222 = vector.broadcast %squeeze3A_221 : i32 to vector<16xi32>
    %add3A_223 = arith.constant 28 : i32
    %add3A_224 = arith.addi %mul3A_2, %add3A_223 : i32
    %get3A_225 = arith.index_cast %add3A_224 : i32 to index
    %get3A_226 = tpu.vector_load %arg9[%get3A_225] {strides = array<i32>} : memref<1040xi32, #tpu.memory_space<vmem>>, vector<16xi32>,
    %get3A_227 = vector.shape_cast %get3A_226 : vector<16xi32> to vector<16xi32>
    %slice3A_228 = vector.extract_strided_slice %get3A_227 {offsets = [0], sizes = [1], strides = [1]} : vector<16xi32> to vector<1xi32>
    %squeeze3A_229 = vector.extract %slice3A_228[0] : i32 from vector<1xi32>
    %broadcast_in_dim3A_230 = vector.broadcast %squeeze3A_229 : i32 to vector<16xi32>
    %add3A_231 = arith.constant 29 : i32
    %add3A_232 = arith.addi %mul3A_2, %add3A_231 : i32
    %get3A_233 = arith.index_cast %add3A_232 : i32 to index
    %get3A_234 = tpu.vector_load %arg9[%get3A_233] {strides = array<i32>} : memref<1040xi32, #tpu.memory_space<vmem>>, vector<16xi32>,
    %get3A_235 = vector.shape_cast %get3A_234 : vector<16xi32> to vector<16xi32>
    %slice3A_236 = vector.extract_strided_slice %get3A_235 {offsets = [0], sizes = [1], strides = [1]} : vector<16xi32> to vector<1xi32>
    %squeeze3A_237 = vector.extract %slice3A_236[0] : i32 from vector<1xi32>
    %broadcast_in_dim3A_238 = vector.broadcast %squeeze3A_237 : i32 to vector<16xi32>
    %add3A_239 = arith.constant 30 : i32
    %add3A_240 = arith.addi %mul3A_2, %add3A_239 : i32
    %get3A_241 = arith.index_cast %add3A_240 : i32 to index
    %get3A_242 = tpu.vector_load %arg9[%get3A_241] {strides = array<i32>} : memref<1040xi32, #tpu.memory_space<vmem>>, vector<16xi32>,
    %get3A_243 = vector.shape_cast %get3A_242 : vector<16xi32> to vector<16xi32>
    %slice3A_244 = vector.extract_strided_slice %get3A_243 {offsets = [0], sizes = [1], strides = [1]} : vector<16xi32> to vector<1xi32>
    %squeeze3A_245 = vector.extract %slice3A_244[0] : i32 from vector<1xi32>
    %broadcast_in_dim3A_246 = vector.broadcast %squeeze3A_245 : i32 to vector<16xi32>
    %add3A_247 = arith.constant 31 : i32
    %add3A_248 = arith.addi %mul3A_2, %add3A_247 : i32
    %get3A_249 = arith.index_cast %add3A_248 : i32 to index
    %get3A_250 = tpu.vector_load %arg9[%get3A_249] {strides = array<i32>} : memref<1040xi32, #tpu.memory_space<vmem>>, vector<16xi32>,
    %get3A_251 = vector.shape_cast %get3A_250 : vector<16xi32> to vector<16xi32>
    %slice3A_252 = vector.extract_strided_slice %get3A_251 {offsets = [0], sizes = [1], strides = [1]} : vector<16xi32> to vector<1xi32>
    %squeeze3A_253 = vector.extract %slice3A_252[0] : i32 from vector<1xi32>
    %broadcast_in_dim3A_254 = vector.broadcast %squeeze3A_253 : i32 to vector<16xi32>
    %scan3A = arith.constant 0 : i32
    %scan3A_255 = arith.constant 0 : i32
    %scan3A_256 = arith.constant 64 : i32
    %scan3A_257 = arith.addi %scan3A_255, %scan3A_256 : i32
    %scan3A_258 = arith.constant 1 : i32
    %scan3A_259 = scf.for %scan3A_265 = %scan3A_255 to %scan3A_257 step %scan3A_258 iter_args(%scan3A_266 = %scan3A) -> (i32)  : i32 {
      %mul3A_267 = arith.constant 16 : i32
      %mul3A_268 = arith.muli %scan3A_265, %mul3A_267 : i32
      %get3A_269 = arith.index_cast %mul3A_268 : i32 to index
      %get3A_270 = tpu.vector_load %arg9[%get3A_269] {strides = array<i32>} : memref<1040xi32, #tpu.memory_space<vmem>>, vector<16xi32>,
      %get3A_271 = vector.shape_cast %get3A_270 : vector<16xi32> to vector<16xi32>
      %mul3A_272 = arith.constant 16 : i32
      %mul3A_273 = arith.muli %scan3A_265, %mul3A_272 : i32
      %get3A_274 = arith.index_cast %mul3A_273 : i32 to index
      %get3A_275 = tpu.vector_load %arg8[%get3A_274] {strides = array<i32>} : memref<1024xi32, #tpu.memory_space<vmem>>, vector<16xi32>,
      %get3A_276 = vector.shape_cast %get3A_275 : vector<16xi32> to vector<16xi32>
      %mul3A_277 = arith.constant 16 : i32
      %mul3A_278 = arith.muli %scan3A_265, %mul3A_277 : i32
      %get3A_279 = arith.index_cast %mul3A_278 : i32 to index
      %get3A_280 = tpu.vector_load %arg10[%get3A_279] {strides = array<i32>} : memref<1024xf32, #tpu.memory_space<vmem>>, vector<16xf32>,
      %get3A_281 = vector.shape_cast %get3A_280 : vector<16xf32> to vector<16xf32>
      %eq3A = arith.cmpi eq, %get3A_271, %broadcast_in_dim3A : vector<16xi32>
      %jit3A = arith.constant 1 : i32
      %jit3A_282 = arith.constant 0 : i32
      %broadcast_in_dim3A_283 = vector.broadcast %jit3A : i32 to vector<16xi32>
      %broadcast_in_dim3A_284 = vector.broadcast %jit3A_282 : i32 to vector<16xi32>
      %select_n3A = arith.select %eq3A, %broadcast_in_dim3A_283, %broadcast_in_dim3A_284 : vector<16xi1>, vector<16xi32>
      %eq3A_285 = arith.cmpi eq, %get3A_271, %broadcast_in_dim3A_14 : vector<16xi32>
      %jit3A_286 = arith.constant 1 : i32
      %jit3A_287 = arith.constant 0 : i32
      %broadcast_in_dim3A_288 = vector.broadcast %jit3A_286 : i32 to vector<16xi32>
      %broadcast_in_dim3A_289 = vector.broadcast %jit3A_287 : i32 to vector<16xi32>
      %select_n3A_290 = arith.select %eq3A_285, %broadcast_in_dim3A_288, %broadcast_in_dim3A_289 : vector<16xi1>, vector<16xi32>
      %max3A = arith.maxsi %select_n3A, %select_n3A_290 : vector<16xi32>
      %eq3A_291 = arith.cmpi eq, %get3A_271, %broadcast_in_dim3A_22 : vector<16xi32>
      %jit3A_292 = arith.constant 1 : i32
      %jit3A_293 = arith.constant 0 : i32
      %broadcast_in_dim3A_294 = vector.broadcast %jit3A_292 : i32 to vector<16xi32>
      %broadcast_in_dim3A_295 = vector.broadcast %jit3A_293 : i32 to vector<16xi32>
      %select_n3A_296 = arith.select %eq3A_291, %broadcast_in_dim3A_294, %broadcast_in_dim3A_295 : vector<16xi1>, vector<16xi32>
      %max3A_297 = arith.maxsi %max3A, %select_n3A_296 : vector<16xi32>
      %eq3A_298 = arith.cmpi eq, %get3A_271, %broadcast_in_dim3A_30 : vector<16xi32>
      %jit3A_299 = arith.constant 1 : i32
      %jit3A_300 = arith.constant 0 : i32
      %broadcast_in_dim3A_301 = vector.broadcast %jit3A_299 : i32 to vector<16xi32>
      %broadcast_in_dim3A_302 = vector.broadcast %jit3A_300 : i32 to vector<16xi32>
      %select_n3A_303 = arith.select %eq3A_298, %broadcast_in_dim3A_301, %broadcast_in_dim3A_302 : vector<16xi1>, vector<16xi32>
      %max3A_304 = arith.maxsi %max3A_297, %select_n3A_303 : vector<16xi32>
      %eq3A_305 = arith.cmpi eq, %get3A_271, %broadcast_in_dim3A_38 : vector<16xi32>
      %jit3A_306 = arith.constant 1 : i32
      %jit3A_307 = arith.constant 0 : i32
      %broadcast_in_dim3A_308 = vector.broadcast %jit3A_306 : i32 to vector<16xi32>
      %broadcast_in_dim3A_309 = vector.broadcast %jit3A_307 : i32 to vector<16xi32>
      %select_n3A_310 = arith.select %eq3A_305, %broadcast_in_dim3A_308, %broadcast_in_dim3A_309 : vector<16xi1>, vector<16xi32>
      %max3A_311 = arith.maxsi %max3A_304, %select_n3A_310 : vector<16xi32>
      %eq3A_312 = arith.cmpi eq, %get3A_271, %broadcast_in_dim3A_46 : vector<16xi32>
      %jit3A_313 = arith.constant 1 : i32
      %jit3A_314 = arith.constant 0 : i32
      %broadcast_in_dim3A_315 = vector.broadcast %jit3A_313 : i32 to vector<16xi32>
      %broadcast_in_dim3A_316 = vector.broadcast %jit3A_314 : i32 to vector<16xi32>
      %select_n3A_317 = arith.select %eq3A_312, %broadcast_in_dim3A_315, %broadcast_in_dim3A_316 : vector<16xi1>, vector<16xi32>
      %max3A_318 = arith.maxsi %max3A_311, %select_n3A_317 : vector<16xi32>
      %eq3A_319 = arith.cmpi eq, %get3A_271, %broadcast_in_dim3A_54 : vector<16xi32>
      %jit3A_320 = arith.constant 1 : i32
      %jit3A_321 = arith.constant 0 : i32
      %broadcast_in_dim3A_322 = vector.broadcast %jit3A_320 : i32 to vector<16xi32>
      %broadcast_in_dim3A_323 = vector.broadcast %jit3A_321 : i32 to vector<16xi32>
      %select_n3A_324 = arith.select %eq3A_319, %broadcast_in_dim3A_322, %broadcast_in_dim3A_323 : vector<16xi1>, vector<16xi32>
      %max3A_325 = arith.maxsi %max3A_318, %select_n3A_324 : vector<16xi32>
      %eq3A_326 = arith.cmpi eq, %get3A_271, %broadcast_in_dim3A_62 : vector<16xi32>
      %jit3A_327 = arith.constant 1 : i32
      %jit3A_328 = arith.constant 0 : i32
      %broadcast_in_dim3A_329 = vector.broadcast %jit3A_327 : i32 to vector<16xi32>
      %broadcast_in_dim3A_330 = vector.broadcast %jit3A_328 : i32 to vector<16xi32>
      %select_n3A_331 = arith.select %eq3A_326, %broadcast_in_dim3A_329, %broadcast_in_dim3A_330 : vector<16xi1>, vector<16xi32>
      %max3A_332 = arith.maxsi %max3A_325, %select_n3A_331 : vector<16xi32>
      %eq3A_333 = arith.cmpi eq, %get3A_271, %broadcast_in_dim3A_70 : vector<16xi32>
      %jit3A_334 = arith.constant 1 : i32
      %jit3A_335 = arith.constant 0 : i32
      %broadcast_in_dim3A_336 = vector.broadcast %jit3A_334 : i32 to vector<16xi32>
      %broadcast_in_dim3A_337 = vector.broadcast %jit3A_335 : i32 to vector<16xi32>
      %select_n3A_338 = arith.select %eq3A_333, %broadcast_in_dim3A_336, %broadcast_in_dim3A_337 : vector<16xi1>, vector<16xi32>
      %max3A_339 = arith.maxsi %max3A_332, %select_n3A_338 : vector<16xi32>
      %eq3A_340 = arith.cmpi eq, %get3A_271, %broadcast_in_dim3A_78 : vector<16xi32>
      %jit3A_341 = arith.constant 1 : i32
      %jit3A_342 = arith.constant 0 : i32
      %broadcast_in_dim3A_343 = vector.broadcast %jit3A_341 : i32 to vector<16xi32>
      %broadcast_in_dim3A_344 = vector.broadcast %jit3A_342 : i32 to vector<16xi32>
      %select_n3A_345 = arith.select %eq3A_340, %broadcast_in_dim3A_343, %broadcast_in_dim3A_344 : vector<16xi1>, vector<16xi32>
      %max3A_346 = arith.maxsi %max3A_339, %select_n3A_345 : vector<16xi32>
      %eq3A_347 = arith.cmpi eq, %get3A_271, %broadcast_in_dim3A_86 : vector<16xi32>
      %jit3A_348 = arith.constant 1 : i32
      %jit3A_349 = arith.constant 0 : i32
      %broadcast_in_dim3A_350 = vector.broadcast %jit3A_348 : i32 to vector<16xi32>
      %broadcast_in_dim3A_351 = vector.broadcast %jit3A_349 : i32 to vector<16xi32>
      %select_n3A_352 = arith.select %eq3A_347, %broadcast_in_dim3A_350, %broadcast_in_dim3A_351 : vector<16xi1>, vector<16xi32>
      %max3A_353 = arith.maxsi %max3A_346, %select_n3A_352 : vector<16xi32>
      %eq3A_354 = arith.cmpi eq, %get3A_271, %broadcast_in_dim3A_94 : vector<16xi32>
      %jit3A_355 = arith.constant 1 : i32
      %jit3A_356 = arith.constant 0 : i32
      %broadcast_in_dim3A_357 = vector.broadcast %jit3A_355 : i32 to vector<16xi32>
      %broadcast_in_dim3A_358 = vector.broadcast %jit3A_356 : i32 to vector<16xi32>
      %select_n3A_359 = arith.select %eq3A_354, %broadcast_in_dim3A_357, %broadcast_in_dim3A_358 : vector<16xi1>, vector<16xi32>
      %max3A_360 = arith.maxsi %max3A_353, %select_n3A_359 : vector<16xi32>
      %eq3A_361 = arith.cmpi eq, %get3A_271, %broadcast_in_dim3A_102 : vector<16xi32>
      %jit3A_362 = arith.constant 1 : i32
      %jit3A_363 = arith.constant 0 : i32
      %broadcast_in_dim3A_364 = vector.broadcast %jit3A_362 : i32 to vector<16xi32>
      %broadcast_in_dim3A_365 = vector.broadcast %jit3A_363 : i32 to vector<16xi32>
      %select_n3A_366 = arith.select %eq3A_361, %broadcast_in_dim3A_364, %broadcast_in_dim3A_365 : vector<16xi1>, vector<16xi32>
      %max3A_367 = arith.maxsi %max3A_360, %select_n3A_366 : vector<16xi32>
      %eq3A_368 = arith.cmpi eq, %get3A_271, %broadcast_in_dim3A_110 : vector<16xi32>
      %jit3A_369 = arith.constant 1 : i32
      %jit3A_370 = arith.constant 0 : i32
      %broadcast_in_dim3A_371 = vector.broadcast %jit3A_369 : i32 to vector<16xi32>
      %broadcast_in_dim3A_372 = vector.broadcast %jit3A_370 : i32 to vector<16xi32>
      %select_n3A_373 = arith.select %eq3A_368, %broadcast_in_dim3A_371, %broadcast_in_dim3A_372 : vector<16xi1>, vector<16xi32>
      %max3A_374 = arith.maxsi %max3A_367, %select_n3A_373 : vector<16xi32>
      %eq3A_375 = arith.cmpi eq, %get3A_271, %broadcast_in_dim3A_118 : vector<16xi32>
      %jit3A_376 = arith.constant 1 : i32
      %jit3A_377 = arith.constant 0 : i32
      %broadcast_in_dim3A_378 = vector.broadcast %jit3A_376 : i32 to vector<16xi32>
      %broadcast_in_dim3A_379 = vector.broadcast %jit3A_377 : i32 to vector<16xi32>
      %select_n3A_380 = arith.select %eq3A_375, %broadcast_in_dim3A_378, %broadcast_in_dim3A_379 : vector<16xi1>, vector<16xi32>
      %max3A_381 = arith.maxsi %max3A_374, %select_n3A_380 : vector<16xi32>
      %eq3A_382 = arith.cmpi eq, %get3A_271, %broadcast_in_dim3A_126 : vector<16xi32>
      %jit3A_383 = arith.constant 1 : i32
      %jit3A_384 = arith.constant 0 : i32
      %broadcast_in_dim3A_385 = vector.broadcast %jit3A_383 : i32 to vector<16xi32>
      %broadcast_in_dim3A_386 = vector.broadcast %jit3A_384 : i32 to vector<16xi32>
      %select_n3A_387 = arith.select %eq3A_382, %broadcast_in_dim3A_385, %broadcast_in_dim3A_386 : vector<16xi1>, vector<16xi32>
      %max3A_388 = arith.maxsi %max3A_381, %select_n3A_387 : vector<16xi32>
      %eq3A_389 = arith.cmpi eq, %get3A_271, %broadcast_in_dim3A_134 : vector<16xi32>
      %jit3A_390 = arith.constant 1 : i32
      %jit3A_391 = arith.constant 0 : i32
      %broadcast_in_dim3A_392 = vector.broadcast %jit3A_390 : i32 to vector<16xi32>
      %broadcast_in_dim3A_393 = vector.broadcast %jit3A_391 : i32 to vector<16xi32>
      %select_n3A_394 = arith.select %eq3A_389, %broadcast_in_dim3A_392, %broadcast_in_dim3A_393 : vector<16xi1>, vector<16xi32>
      %max3A_395 = arith.maxsi %max3A_388, %select_n3A_394 : vector<16xi32>
      %eq3A_396 = arith.cmpi eq, %get3A_271, %broadcast_in_dim3A_142 : vector<16xi32>
      %jit3A_397 = arith.constant 1 : i32
      %jit3A_398 = arith.constant 0 : i32
      %broadcast_in_dim3A_399 = vector.broadcast %jit3A_397 : i32 to vector<16xi32>
      %broadcast_in_dim3A_400 = vector.broadcast %jit3A_398 : i32 to vector<16xi32>
      %select_n3A_401 = arith.select %eq3A_396, %broadcast_in_dim3A_399, %broadcast_in_dim3A_400 : vector<16xi1>, vector<16xi32>
      %max3A_402 = arith.maxsi %max3A_395, %select_n3A_401 : vector<16xi32>
      %eq3A_403 = arith.cmpi eq, %get3A_271, %broadcast_in_dim3A_150 : vector<16xi32>
      %jit3A_404 = arith.constant 1 : i32
      %jit3A_405 = arith.constant 0 : i32
      %broadcast_in_dim3A_406 = vector.broadcast %jit3A_404 : i32 to vector<16xi32>
      %broadcast_in_dim3A_407 = vector.broadcast %jit3A_405 : i32 to vector<16xi32>
      %select_n3A_408 = arith.select %eq3A_403, %broadcast_in_dim3A_406, %broadcast_in_dim3A_407 : vector<16xi1>, vector<16xi32>
      %max3A_409 = arith.maxsi %max3A_402, %select_n3A_408 : vector<16xi32>
      %eq3A_410 = arith.cmpi eq, %get3A_271, %broadcast_in_dim3A_158 : vector<16xi32>
      %jit3A_411 = arith.constant 1 : i32
      %jit3A_412 = arith.constant 0 : i32
      %broadcast_in_dim3A_413 = vector.broadcast %jit3A_411 : i32 to vector<16xi32>
      %broadcast_in_dim3A_414 = vector.broadcast %jit3A_412 : i32 to vector<16xi32>
      %select_n3A_415 = arith.select %eq3A_410, %broadcast_in_dim3A_413, %broadcast_in_dim3A_414 : vector<16xi1>, vector<16xi32>
      %max3A_416 = arith.maxsi %max3A_409, %select_n3A_415 : vector<16xi32>
      %eq3A_417 = arith.cmpi eq, %get3A_271, %broadcast_in_dim3A_166 : vector<16xi32>
      %jit3A_418 = arith.constant 1 : i32
      %jit3A_419 = arith.constant 0 : i32
      %broadcast_in_dim3A_420 = vector.broadcast %jit3A_418 : i32 to vector<16xi32>
      %broadcast_in_dim3A_421 = vector.broadcast %jit3A_419 : i32 to vector<16xi32>
      %select_n3A_422 = arith.select %eq3A_417, %broadcast_in_dim3A_420, %broadcast_in_dim3A_421 : vector<16xi1>, vector<16xi32>
      %max3A_423 = arith.maxsi %max3A_416, %select_n3A_422 : vector<16xi32>
      %eq3A_424 = arith.cmpi eq, %get3A_271, %broadcast_in_dim3A_174 : vector<16xi32>
      %jit3A_425 = arith.constant 1 : i32
      %jit3A_426 = arith.constant 0 : i32
      %broadcast_in_dim3A_427 = vector.broadcast %jit3A_425 : i32 to vector<16xi32>
      %broadcast_in_dim3A_428 = vector.broadcast %jit3A_426 : i32 to vector<16xi32>
      %select_n3A_429 = arith.select %eq3A_424, %broadcast_in_dim3A_427, %broadcast_in_dim3A_428 : vector<16xi1>, vector<16xi32>
      %max3A_430 = arith.maxsi %max3A_423, %select_n3A_429 : vector<16xi32>
      %eq3A_431 = arith.cmpi eq, %get3A_271, %broadcast_in_dim3A_182 : vector<16xi32>
      %jit3A_432 = arith.constant 1 : i32
      %jit3A_433 = arith.constant 0 : i32
      %broadcast_in_dim3A_434 = vector.broadcast %jit3A_432 : i32 to vector<16xi32>
      %broadcast_in_dim3A_435 = vector.broadcast %jit3A_433 : i32 to vector<16xi32>
      %select_n3A_436 = arith.select %eq3A_431, %broadcast_in_dim3A_434, %broadcast_in_dim3A_435 : vector<16xi1>, vector<16xi32>
      %max3A_437 = arith.maxsi %max3A_430, %select_n3A_436 : vector<16xi32>
      %eq3A_438 = arith.cmpi eq, %get3A_271, %broadcast_in_dim3A_190 : vector<16xi32>
      %jit3A_439 = arith.constant 1 : i32
      %jit3A_440 = arith.constant 0 : i32
      %broadcast_in_dim3A_441 = vector.broadcast %jit3A_439 : i32 to vector<16xi32>
      %broadcast_in_dim3A_442 = vector.broadcast %jit3A_440 : i32 to vector<16xi32>
      %select_n3A_443 = arith.select %eq3A_438, %broadcast_in_dim3A_441, %broadcast_in_dim3A_442 : vector<16xi1>, vector<16xi32>
      %max3A_444 = arith.maxsi %max3A_437, %select_n3A_443 : vector<16xi32>
      %eq3A_445 = arith.cmpi eq, %get3A_271, %broadcast_in_dim3A_198 : vector<16xi32>
      %jit3A_446 = arith.constant 1 : i32
      %jit3A_447 = arith.constant 0 : i32
      %broadcast_in_dim3A_448 = vector.broadcast %jit3A_446 : i32 to vector<16xi32>
      %broadcast_in_dim3A_449 = vector.broadcast %jit3A_447 : i32 to vector<16xi32>
      %select_n3A_450 = arith.select %eq3A_445, %broadcast_in_dim3A_448, %broadcast_in_dim3A_449 : vector<16xi1>, vector<16xi32>
      %max3A_451 = arith.maxsi %max3A_444, %select_n3A_450 : vector<16xi32>
      %eq3A_452 = arith.cmpi eq, %get3A_271, %broadcast_in_dim3A_206 : vector<16xi32>
      %jit3A_453 = arith.constant 1 : i32
      %jit3A_454 = arith.constant 0 : i32
      %broadcast_in_dim3A_455 = vector.broadcast %jit3A_453 : i32 to vector<16xi32>
      %broadcast_in_dim3A_456 = vector.broadcast %jit3A_454 : i32 to vector<16xi32>
      %select_n3A_457 = arith.select %eq3A_452, %broadcast_in_dim3A_455, %broadcast_in_dim3A_456 : vector<16xi1>, vector<16xi32>
      %max3A_458 = arith.maxsi %max3A_451, %select_n3A_457 : vector<16xi32>
      %eq3A_459 = arith.cmpi eq, %get3A_271, %broadcast_in_dim3A_214 : vector<16xi32>
      %jit3A_460 = arith.constant 1 : i32
      %jit3A_461 = arith.constant 0 : i32
      %broadcast_in_dim3A_462 = vector.broadcast %jit3A_460 : i32 to vector<16xi32>
      %broadcast_in_dim3A_463 = vector.broadcast %jit3A_461 : i32 to vector<16xi32>
      %select_n3A_464 = arith.select %eq3A_459, %broadcast_in_dim3A_462, %broadcast_in_dim3A_463 : vector<16xi1>, vector<16xi32>
      %max3A_465 = arith.maxsi %max3A_458, %select_n3A_464 : vector<16xi32>
      %eq3A_466 = arith.cmpi eq, %get3A_271, %broadcast_in_dim3A_222 : vector<16xi32>
      %jit3A_467 = arith.constant 1 : i32
      %jit3A_468 = arith.constant 0 : i32
      %broadcast_in_dim3A_469 = vector.broadcast %jit3A_467 : i32 to vector<16xi32>
      %broadcast_in_dim3A_470 = vector.broadcast %jit3A_468 : i32 to vector<16xi32>
      %select_n3A_471 = arith.select %eq3A_466, %broadcast_in_dim3A_469, %broadcast_in_dim3A_470 : vector<16xi1>, vector<16xi32>
      %max3A_472 = arith.maxsi %max3A_465, %select_n3A_471 : vector<16xi32>
      %eq3A_473 = arith.cmpi eq, %get3A_271, %broadcast_in_dim3A_230 : vector<16xi32>
      %jit3A_474 = arith.constant 1 : i32
      %jit3A_475 = arith.constant 0 : i32
      %broadcast_in_dim3A_476 = vector.broadcast %jit3A_474 : i32 to vector<16xi32>
      %broadcast_in_dim3A_477 = vector.broadcast %jit3A_475 : i32 to vector<16xi32>
      %select_n3A_478 = arith.select %eq3A_473, %broadcast_in_dim3A_476, %broadcast_in_dim3A_477 : vector<16xi1>, vector<16xi32>
      %max3A_479 = arith.maxsi %max3A_472, %select_n3A_478 : vector<16xi32>
      %eq3A_480 = arith.cmpi eq, %get3A_271, %broadcast_in_dim3A_238 : vector<16xi32>
      %jit3A_481 = arith.constant 1 : i32
      %jit3A_482 = arith.constant 0 : i32
      %broadcast_in_dim3A_483 = vector.broadcast %jit3A_481 : i32 to vector<16xi32>
      %broadcast_in_dim3A_484 = vector.broadcast %jit3A_482 : i32 to vector<16xi32>
      %select_n3A_485 = arith.select %eq3A_480, %broadcast_in_dim3A_483, %broadcast_in_dim3A_484 : vector<16xi1>, vector<16xi32>
      %max3A_486 = arith.maxsi %max3A_479, %select_n3A_485 : vector<16xi32>
      %eq3A_487 = arith.cmpi eq, %get3A_271, %broadcast_in_dim3A_246 : vector<16xi32>
      %jit3A_488 = arith.constant 1 : i32
      %jit3A_489 = arith.constant 0 : i32
      %broadcast_in_dim3A_490 = vector.broadcast %jit3A_488 : i32 to vector<16xi32>
      %broadcast_in_dim3A_491 = vector.broadcast %jit3A_489 : i32 to vector<16xi32>
      %select_n3A_492 = arith.select %eq3A_487, %broadcast_in_dim3A_490, %broadcast_in_dim3A_491 : vector<16xi1>, vector<16xi32>
      %max3A_493 = arith.maxsi %max3A_486, %select_n3A_492 : vector<16xi32>
      %eq3A_494 = arith.cmpi eq, %get3A_271, %broadcast_in_dim3A_254 : vector<16xi32>
      %jit3A_495 = arith.constant 1 : i32
      %jit3A_496 = arith.constant 0 : i32
      %broadcast_in_dim3A_497 = vector.broadcast %jit3A_495 : i32 to vector<16xi32>
      %broadcast_in_dim3A_498 = vector.broadcast %jit3A_496 : i32 to vector<16xi32>
      %select_n3A_499 = arith.select %eq3A_494, %broadcast_in_dim3A_497, %broadcast_in_dim3A_498 : vector<16xi1>, vector<16xi32>
      %max3A_500 = arith.maxsi %max3A_493, %select_n3A_499 : vector<16xi32>
      %gt3A = arith.constant 0.000000e+00 : f32
      %gt3A_501 = vector.broadcast %gt3A : f32 to vector<16xf32>
      %gt3A_502 = arith.cmpf ogt, %get3A_281, %gt3A_501 : vector<16xf32>
      %jit3A_503 = arith.constant 0 : i32
      %broadcast_in_dim3A_504 = vector.broadcast %jit3A_503 : i32 to vector<16xi32>
      %select_n3A_505 = arith.select %gt3A_502, %max3A_500, %broadcast_in_dim3A_504 : vector<16xi1>, vector<16xi32>
      %slice3A_506 = vector.extract_strided_slice %get3A_276 {offsets = [0], sizes = [1], strides = [1]} : vector<16xi32> to vector<1xi32>
      %squeeze3A_507 = vector.extract %slice3A_506[0] : i32 from vector<1xi32>
      %broadcast_in_dim3A_508 = vector.broadcast %squeeze3A_507 : i32 to vector<16xi32>
      %swap3A_509 = arith.index_cast %scan3A_266 : i32 to index
      %swap3A_510 = tpu.vector_load %arg11[%swap3A_509] {strides = array<i32>} : memref<1040xi32, #tpu.memory_space<vmem>>, vector<16xi32>,
      %swap3A_511 = vector.shape_cast %swap3A_510 : vector<16xi32> to vector<16xi32>
      %swap3A_512 = vector.shape_cast %broadcast_in_dim3A_508 : vector<16xi32> to vector<16xi32>
      tpu.vector_store %arg11[%swap3A_509], %swap3A_512 {strides = array<i32>} : memref<1040xi32, #tpu.memory_space<vmem>>, vector<16xi32>,
      %slice3A_513 = vector.extract_strided_slice %get3A_271 {offsets = [0], sizes = [1], strides = [1]} : vector<16xi32> to vector<1xi32>
      %squeeze3A_514 = vector.extract %slice3A_513[0] : i32 from vector<1xi32>
      %broadcast_in_dim3A_515 = vector.broadcast %squeeze3A_514 : i32 to vector<16xi32>
      %swap3A_516 = arith.index_cast %scan3A_266 : i32 to index
      %swap3A_517 = tpu.vector_load %arg12[%swap3A_516] {strides = array<i32>} : memref<1040xi32, #tpu.memory_space<vmem>>, vector<16xi32>,
      %swap3A_518 = vector.shape_cast %swap3A_517 : vector<16xi32> to vector<16xi32>
      %swap3A_519 = vector.shape_cast %broadcast_in_dim3A_515 : vector<16xi32> to vector<16xi32>
      tpu.vector_store %arg12[%swap3A_516], %swap3A_519 {strides = array<i32>} : memref<1040xi32, #tpu.memory_space<vmem>>, vector<16xi32>,
      %slice3A_520 = vector.extract_strided_slice %select_n3A_505 {offsets = [0], sizes = [1], strides = [1]} : vector<16xi32> to vector<1xi32>
      %squeeze3A_521 = vector.extract %slice3A_520[0] : i32 from vector<1xi32>
      %add3A_522 = arith.addi %scan3A_266, %squeeze3A_521 : i32
      %slice3A_523 = vector.extract_strided_slice %get3A_276 {offsets = [1], sizes = [1], strides = [1]} : vector<16xi32> to vector<1xi32>
      %squeeze3A_524 = vector.extract %slice3A_523[0] : i32 from vector<1xi32>
      %broadcast_in_dim3A_525 = vector.broadcast %squeeze3A_524 : i32 to vector<16xi32>
      %swap3A_526 = arith.index_cast %add3A_522 : i32 to index
      %swap3A_527 = tpu.vector_load %arg11[%swap3A_526] {strides = array<i32>} : memref<1040xi32, #tpu.memory_space<vmem>>, vector<16xi32>,
      %swap3A_528 = vector.shape_cast %swap3A_527 : vector<16xi32> to vector<16xi32>
      %swap3A_529 = vector.shape_cast %broadcast_in_dim3A_525 : vector<16xi32> to vector<16xi32>
      tpu.vector_store %arg11[%swap3A_526], %swap3A_529 {strides = array<i32>} : memref<1040xi32, #tpu.memory_space<vmem>>, vector<16xi32>,
      %slice3A_530 = vector.extract_strided_slice %get3A_271 {offsets = [1], sizes = [1], strides = [1]} : vector<16xi32> to vector<1xi32>
      %squeeze3A_531 = vector.extract %slice3A_530[0] : i32 from vector<1xi32>
      %broadcast_in_dim3A_532 = vector.broadcast %squeeze3A_531 : i32 to vector<16xi32>
      %swap3A_533 = arith.index_cast %add3A_522 : i32 to index
      %swap3A_534 = tpu.vector_load %arg12[%swap3A_533] {strides = array<i32>} : memref<1040xi32, #tpu.memory_space<vmem>>, vector<16xi32>,
      %swap3A_535 = vector.shape_cast %swap3A_534 : vector<16xi32> to vector<16xi32>
      %swap3A_536 = vector.shape_cast %broadcast_in_dim3A_532 : vector<16xi32> to vector<16xi32>
      tpu.vector_store %arg12[%swap3A_533], %swap3A_536 {strides = array<i32>} : memref<1040xi32, #tpu.memory_space<vmem>>, vector<16xi32>,
      %slice3A_537 = vector.extract_strided_slice %select_n3A_505 {offsets = [1], sizes = [1], strides = [1]} : vector<16xi32> to vector<1xi32>
      %squeeze3A_538 = vector.extract %slice3A_537[0] : i32 from vector<1xi32>
      %add3A_539 = arith.addi %add3A_522, %squeeze3A_538 : i32
      %slice3A_540 = vector.extract_strided_slice %get3A_276 {offsets = [2], sizes = [1], strides = [1]} : vector<16xi32> to vector<1xi32>
      %squeeze3A_541 = vector.extract %slice3A_540[0] : i32 from vector<1xi32>
      %broadcast_in_dim3A_542 = vector.broadcast %squeeze3A_541 : i32 to vector<16xi32>
      %swap3A_543 = arith.index_cast %add3A_539 : i32 to index
      %swap3A_544 = tpu.vector_load %arg11[%swap3A_543] {strides = array<i32>} : memref<1040xi32, #tpu.memory_space<vmem>>, vector<16xi32>,
      %swap3A_545 = vector.shape_cast %swap3A_544 : vector<16xi32> to vector<16xi32>
      %swap3A_546 = vector.shape_cast %broadcast_in_dim3A_542 : vector<16xi32> to vector<16xi32>
      tpu.vector_store %arg11[%swap3A_543], %swap3A_546 {strides = array<i32>} : memref<1040xi32, #tpu.memory_space<vmem>>, vector<16xi32>,
      %slice3A_547 = vector.extract_strided_slice %get3A_271 {offsets = [2], sizes = [1], strides = [1]} : vector<16xi32> to vector<1xi32>
      %squeeze3A_548 = vector.extract %slice3A_547[0] : i32 from vector<1xi32>
      %broadcast_in_dim3A_549 = vector.broadcast %squeeze3A_548 : i32 to vector<16xi32>
      %swap3A_550 = arith.index_cast %add3A_539 : i32 to index
      %swap3A_551 = tpu.vector_load %arg12[%swap3A_550] {strides = array<i32>} : memref<1040xi32, #tpu.memory_space<vmem>>, vector<16xi32>,
      %swap3A_552 = vector.shape_cast %swap3A_551 : vector<16xi32> to vector<16xi32>
      %swap3A_553 = vector.shape_cast %broadcast_in_dim3A_549 : vector<16xi32> to vector<16xi32>
      tpu.vector_store %arg12[%swap3A_550], %swap3A_553 {strides = array<i32>} : memref<1040xi32, #tpu.memory_space<vmem>>, vector<16xi32>,
      %slice3A_554 = vector.extract_strided_slice %select_n3A_505 {offsets = [2], sizes = [1], strides = [1]} : vector<16xi32> to vector<1xi32>
      %squeeze3A_555 = vector.extract %slice3A_554[0] : i32 from vector<1xi32>
      %add3A_556 = arith.addi %add3A_539, %squeeze3A_555 : i32
      %slice3A_557 = vector.extract_strided_slice %get3A_276 {offsets = [3], sizes = [1], strides = [1]} : vector<16xi32> to vector<1xi32>
      %squeeze3A_558 = vector.extract %slice3A_557[0] : i32 from vector<1xi32>
      %broadcast_in_dim3A_559 = vector.broadcast %squeeze3A_558 : i32 to vector<16xi32>
      %swap3A_560 = arith.index_cast %add3A_556 : i32 to index
      %swap3A_561 = tpu.vector_load %arg11[%swap3A_560] {strides = array<i32>} : memref<1040xi32, #tpu.memory_space<vmem>>, vector<16xi32>,
      %swap3A_562 = vector.shape_cast %swap3A_561 : vector<16xi32> to vector<16xi32>
      %swap3A_563 = vector.shape_cast %broadcast_in_dim3A_559 : vector<16xi32> to vector<16xi32>
      tpu.vector_store %arg11[%swap3A_560], %swap3A_563 {strides = array<i32>} : memref<1040xi32, #tpu.memory_space<vmem>>, vector<16xi32>,
      %slice3A_564 = vector.extract_strided_slice %get3A_271 {offsets = [3], sizes = [1], strides = [1]} : vector<16xi32> to vector<1xi32>
      %squeeze3A_565 = vector.extract %slice3A_564[0] : i32 from vector<1xi32>
      %broadcast_in_dim3A_566 = vector.broadcast %squeeze3A_565 : i32 to vector<16xi32>
      %swap3A_567 = arith.index_cast %add3A_556 : i32 to index
      %swap3A_568 = tpu.vector_load %arg12[%swap3A_567] {strides = array<i32>} : memref<1040xi32, #tpu.memory_space<vmem>>, vector<16xi32>,
      %swap3A_569 = vector.shape_cast %swap3A_568 : vector<16xi32> to vector<16xi32>
      %swap3A_570 = vector.shape_cast %broadcast_in_dim3A_566 : vector<16xi32> to vector<16xi32>
      tpu.vector_store %arg12[%swap3A_567], %swap3A_570 {strides = array<i32>} : memref<1040xi32, #tpu.memory_space<vmem>>, vector<16xi32>,
      %slice3A_571 = vector.extract_strided_slice %select_n3A_505 {offsets = [3], sizes = [1], strides = [1]} : vector<16xi32> to vector<1xi32>
      %squeeze3A_572 = vector.extract %slice3A_571[0] : i32 from vector<1xi32>
      %add3A_573 = arith.addi %add3A_556, %squeeze3A_572 : i32
      %slice3A_574 = vector.extract_strided_slice %get3A_276 {offsets = [4], sizes = [1], strides = [1]} : vector<16xi32> to vector<1xi32>
      %squeeze3A_575 = vector.extract %slice3A_574[0] : i32 from vector<1xi32>
      %broadcast_in_dim3A_576 = vector.broadcast %squeeze3A_575 : i32 to vector<16xi32>
      %swap3A_577 = arith.index_cast %add3A_573 : i32 to index
      %swap3A_578 = tpu.vector_load %arg11[%swap3A_577] {strides = array<i32>} : memref<1040xi32, #tpu.memory_space<vmem>>, vector<16xi32>,
      %swap3A_579 = vector.shape_cast %swap3A_578 : vector<16xi32> to vector<16xi32>
      %swap3A_580 = vector.shape_cast %broadcast_in_dim3A_576 : vector<16xi32> to vector<16xi32>
      tpu.vector_store %arg11[%swap3A_577], %swap3A_580 {strides = array<i32>} : memref<1040xi32, #tpu.memory_space<vmem>>, vector<16xi32>,
      %slice3A_581 = vector.extract_strided_slice %get3A_271 {offsets = [4], sizes = [1], strides = [1]} : vector<16xi32> to vector<1xi32>
      %squeeze3A_582 = vector.extract %slice3A_581[0] : i32 from vector<1xi32>
      %broadcast_in_dim3A_583 = vector.broadcast %squeeze3A_582 : i32 to vector<16xi32>
      %swap3A_584 = arith.index_cast %add3A_573 : i32 to index
      %swap3A_585 = tpu.vector_load %arg12[%swap3A_584] {strides = array<i32>} : memref<1040xi32, #tpu.memory_space<vmem>>, vector<16xi32>,
      %swap3A_586 = vector.shape_cast %swap3A_585 : vector<16xi32> to vector<16xi32>
      %swap3A_587 = vector.shape_cast %broadcast_in_dim3A_583 : vector<16xi32> to vector<16xi32>
      tpu.vector_store %arg12[%swap3A_584], %swap3A_587 {strides = array<i32>} : memref<1040xi32, #tpu.memory_space<vmem>>, vector<16xi32>,
      %slice3A_588 = vector.extract_strided_slice %select_n3A_505 {offsets = [4], sizes = [1], strides = [1]} : vector<16xi32> to vector<1xi32>
      %squeeze3A_589 = vector.extract %slice3A_588[0] : i32 from vector<1xi32>
      %add3A_590 = arith.addi %add3A_573, %squeeze3A_589 : i32
      %slice3A_591 = vector.extract_strided_slice %get3A_276 {offsets = [5], sizes = [1], strides = [1]} : vector<16xi32> to vector<1xi32>
      %squeeze3A_592 = vector.extract %slice3A_591[0] : i32 from vector<1xi32>
      %broadcast_in_dim3A_593 = vector.broadcast %squeeze3A_592 : i32 to vector<16xi32>
      %swap3A_594 = arith.index_cast %add3A_590 : i32 to index
      %swap3A_595 = tpu.vector_load %arg11[%swap3A_594] {strides = array<i32>} : memref<1040xi32, #tpu.memory_space<vmem>>, vector<16xi32>,
      %swap3A_596 = vector.shape_cast %swap3A_595 : vector<16xi32> to vector<16xi32>
      %swap3A_597 = vector.shape_cast %broadcast_in_dim3A_593 : vector<16xi32> to vector<16xi32>
      tpu.vector_store %arg11[%swap3A_594], %swap3A_597 {strides = array<i32>} : memref<1040xi32, #tpu.memory_space<vmem>>, vector<16xi32>,
      %slice3A_598 = vector.extract_strided_slice %get3A_271 {offsets = [5], sizes = [1], strides = [1]} : vector<16xi32> to vector<1xi32>
      %squeeze3A_599 = vector.extract %slice3A_598[0] : i32 from vector<1xi32>
      %broadcast_in_dim3A_600 = vector.broadcast %squeeze3A_599 : i32 to vector<16xi32>
      %swap3A_601 = arith.index_cast %add3A_590 : i32 to index
      %swap3A_602 = tpu.vector_load %arg12[%swap3A_601] {strides = array<i32>} : memref<1040xi32, #tpu.memory_space<vmem>>, vector<16xi32>,
      %swap3A_603 = vector.shape_cast %swap3A_602 : vector<16xi32> to vector<16xi32>
      %swap3A_604 = vector.shape_cast %broadcast_in_dim3A_600 : vector<16xi32> to vector<16xi32>
      tpu.vector_store %arg12[%swap3A_601], %swap3A_604 {strides = array<i32>} : memref<1040xi32, #tpu.memory_space<vmem>>, vector<16xi32>,
      %slice3A_605 = vector.extract_strided_slice %select_n3A_505 {offsets = [5], sizes = [1], strides = [1]} : vector<16xi32> to vector<1xi32>
      %squeeze3A_606 = vector.extract %slice3A_605[0] : i32 from vector<1xi32>
      %add3A_607 = arith.addi %add3A_590, %squeeze3A_606 : i32
      %slice3A_608 = vector.extract_strided_slice %get3A_276 {offsets = [6], sizes = [1], strides = [1]} : vector<16xi32> to vector<1xi32>
      %squeeze3A_609 = vector.extract %slice3A_608[0] : i32 from vector<1xi32>
      %broadcast_in_dim3A_610 = vector.broadcast %squeeze3A_609 : i32 to vector<16xi32>
      %swap3A_611 = arith.index_cast %add3A_607 : i32 to index
      %swap3A_612 = tpu.vector_load %arg11[%swap3A_611] {strides = array<i32>} : memref<1040xi32, #tpu.memory_space<vmem>>, vector<16xi32>,
      %swap3A_613 = vector.shape_cast %swap3A_612 : vector<16xi32> to vector<16xi32>
      %swap3A_614 = vector.shape_cast %broadcast_in_dim3A_610 : vector<16xi32> to vector<16xi32>
      tpu.vector_store %arg11[%swap3A_611], %swap3A_614 {strides = array<i32>} : memref<1040xi32, #tpu.memory_space<vmem>>, vector<16xi32>,
      %slice3A_615 = vector.extract_strided_slice %get3A_271 {offsets = [6], sizes = [1], strides = [1]} : vector<16xi32> to vector<1xi32>
      %squeeze3A_616 = vector.extract %slice3A_615[0] : i32 from vector<1xi32>
      %broadcast_in_dim3A_617 = vector.broadcast %squeeze3A_616 : i32 to vector<16xi32>
      %swap3A_618 = arith.index_cast %add3A_607 : i32 to index
      %swap3A_619 = tpu.vector_load %arg12[%swap3A_618] {strides = array<i32>} : memref<1040xi32, #tpu.memory_space<vmem>>, vector<16xi32>,
      %swap3A_620 = vector.shape_cast %swap3A_619 : vector<16xi32> to vector<16xi32>
      %swap3A_621 = vector.shape_cast %broadcast_in_dim3A_617 : vector<16xi32> to vector<16xi32>
      tpu.vector_store %arg12[%swap3A_618], %swap3A_621 {strides = array<i32>} : memref<1040xi32, #tpu.memory_space<vmem>>, vector<16xi32>,
      %slice3A_622 = vector.extract_strided_slice %select_n3A_505 {offsets = [6], sizes = [1], strides = [1]} : vector<16xi32> to vector<1xi32>
      %squeeze3A_623 = vector.extract %slice3A_622[0] : i32 from vector<1xi32>
      %add3A_624 = arith.addi %add3A_607, %squeeze3A_623 : i32
      %slice3A_625 = vector.extract_strided_slice %get3A_276 {offsets = [7], sizes = [1], strides = [1]} : vector<16xi32> to vector<1xi32>
      %squeeze3A_626 = vector.extract %slice3A_625[0] : i32 from vector<1xi32>
      %broadcast_in_dim3A_627 = vector.broadcast %squeeze3A_626 : i32 to vector<16xi32>
      %swap3A_628 = arith.index_cast %add3A_624 : i32 to index
      %swap3A_629 = tpu.vector_load %arg11[%swap3A_628] {strides = array<i32>} : memref<1040xi32, #tpu.memory_space<vmem>>, vector<16xi32>,
      %swap3A_630 = vector.shape_cast %swap3A_629 : vector<16xi32> to vector<16xi32>
      %swap3A_631 = vector.shape_cast %broadcast_in_dim3A_627 : vector<16xi32> to vector<16xi32>
      tpu.vector_store %arg11[%swap3A_628], %swap3A_631 {strides = array<i32>} : memref<1040xi32, #tpu.memory_space<vmem>>, vector<16xi32>,
      %slice3A_632 = vector.extract_strided_slice %get3A_271 {offsets = [7], sizes = [1], strides = [1]} : vector<16xi32> to vector<1xi32>
      %squeeze3A_633 = vector.extract %slice3A_632[0] : i32 from vector<1xi32>
      %broadcast_in_dim3A_634 = vector.broadcast %squeeze3A_633 : i32 to vector<16xi32>
      %swap3A_635 = arith.index_cast %add3A_624 : i32 to index
      %swap3A_636 = tpu.vector_load %arg12[%swap3A_635] {strides = array<i32>} : memref<1040xi32, #tpu.memory_space<vmem>>, vector<16xi32>,
      %swap3A_637 = vector.shape_cast %swap3A_636 : vector<16xi32> to vector<16xi32>
      %swap3A_638 = vector.shape_cast %broadcast_in_dim3A_634 : vector<16xi32> to vector<16xi32>
      tpu.vector_store %arg12[%swap3A_635], %swap3A_638 {strides = array<i32>} : memref<1040xi32, #tpu.memory_space<vmem>>, vector<16xi32>,
      %slice3A_639 = vector.extract_strided_slice %select_n3A_505 {offsets = [7], sizes = [1], strides = [1]} : vector<16xi32> to vector<1xi32>
      %squeeze3A_640 = vector.extract %slice3A_639[0] : i32 from vector<1xi32>
      %add3A_641 = arith.addi %add3A_624, %squeeze3A_640 : i32
      %slice3A_642 = vector.extract_strided_slice %get3A_276 {offsets = [8], sizes = [1], strides = [1]} : vector<16xi32> to vector<1xi32>
      %squeeze3A_643 = vector.extract %slice3A_642[0] : i32 from vector<1xi32>
      %broadcast_in_dim3A_644 = vector.broadcast %squeeze3A_643 : i32 to vector<16xi32>
      %swap3A_645 = arith.index_cast %add3A_641 : i32 to index
      %swap3A_646 = tpu.vector_load %arg11[%swap3A_645] {strides = array<i32>} : memref<1040xi32, #tpu.memory_space<vmem>>, vector<16xi32>,
      %swap3A_647 = vector.shape_cast %swap3A_646 : vector<16xi32> to vector<16xi32>
      %swap3A_648 = vector.shape_cast %broadcast_in_dim3A_644 : vector<16xi32> to vector<16xi32>
      tpu.vector_store %arg11[%swap3A_645], %swap3A_648 {strides = array<i32>} : memref<1040xi32, #tpu.memory_space<vmem>>, vector<16xi32>,
      %slice3A_649 = vector.extract_strided_slice %get3A_271 {offsets = [8], sizes = [1], strides = [1]} : vector<16xi32> to vector<1xi32>
      %squeeze3A_650 = vector.extract %slice3A_649[0] : i32 from vector<1xi32>
      %broadcast_in_dim3A_651 = vector.broadcast %squeeze3A_650 : i32 to vector<16xi32>
      %swap3A_652 = arith.index_cast %add3A_641 : i32 to index
      %swap3A_653 = tpu.vector_load %arg12[%swap3A_652] {strides = array<i32>} : memref<1040xi32, #tpu.memory_space<vmem>>, vector<16xi32>,
      %swap3A_654 = vector.shape_cast %swap3A_653 : vector<16xi32> to vector<16xi32>
      %swap3A_655 = vector.shape_cast %broadcast_in_dim3A_651 : vector<16xi32> to vector<16xi32>
      tpu.vector_store %arg12[%swap3A_652], %swap3A_655 {strides = array<i32>} : memref<1040xi32, #tpu.memory_space<vmem>>, vector<16xi32>,
      %slice3A_656 = vector.extract_strided_slice %select_n3A_505 {offsets = [8], sizes = [1], strides = [1]} : vector<16xi32> to vector<1xi32>
      %squeeze3A_657 = vector.extract %slice3A_656[0] : i32 from vector<1xi32>
      %add3A_658 = arith.addi %add3A_641, %squeeze3A_657 : i32
      %slice3A_659 = vector.extract_strided_slice %get3A_276 {offsets = [9], sizes = [1], strides = [1]} : vector<16xi32> to vector<1xi32>
      %squeeze3A_660 = vector.extract %slice3A_659[0] : i32 from vector<1xi32>
      %broadcast_in_dim3A_661 = vector.broadcast %squeeze3A_660 : i32 to vector<16xi32>
      %swap3A_662 = arith.index_cast %add3A_658 : i32 to index
      %swap3A_663 = tpu.vector_load %arg11[%swap3A_662] {strides = array<i32>} : memref<1040xi32, #tpu.memory_space<vmem>>, vector<16xi32>,
      %swap3A_664 = vector.shape_cast %swap3A_663 : vector<16xi32> to vector<16xi32>
      %swap3A_665 = vector.shape_cast %broadcast_in_dim3A_661 : vector<16xi32> to vector<16xi32>
      tpu.vector_store %arg11[%swap3A_662], %swap3A_665 {strides = array<i32>} : memref<1040xi32, #tpu.memory_space<vmem>>, vector<16xi32>,
      %slice3A_666 = vector.extract_strided_slice %get3A_271 {offsets = [9], sizes = [1], strides = [1]} : vector<16xi32> to vector<1xi32>
      %squeeze3A_667 = vector.extract %slice3A_666[0] : i32 from vector<1xi32>
      %broadcast_in_dim3A_668 = vector.broadcast %squeeze3A_667 : i32 to vector<16xi32>
      %swap3A_669 = arith.index_cast %add3A_658 : i32 to index
      %swap3A_670 = tpu.vector_load %arg12[%swap3A_669] {strides = array<i32>} : memref<1040xi32, #tpu.memory_space<vmem>>, vector<16xi32>,
      %swap3A_671 = vector.shape_cast %swap3A_670 : vector<16xi32> to vector<16xi32>
      %swap3A_672 = vector.shape_cast %broadcast_in_dim3A_668 : vector<16xi32> to vector<16xi32>
      tpu.vector_store %arg12[%swap3A_669], %swap3A_672 {strides = array<i32>} : memref<1040xi32, #tpu.memory_space<vmem>>, vector<16xi32>,
      %slice3A_673 = vector.extract_strided_slice %select_n3A_505 {offsets = [9], sizes = [1], strides = [1]} : vector<16xi32> to vector<1xi32>
      %squeeze3A_674 = vector.extract %slice3A_673[0] : i32 from vector<1xi32>
      %add3A_675 = arith.addi %add3A_658, %squeeze3A_674 : i32
      %slice3A_676 = vector.extract_strided_slice %get3A_276 {offsets = [10], sizes = [1], strides = [1]} : vector<16xi32> to vector<1xi32>
      %squeeze3A_677 = vector.extract %slice3A_676[0] : i32 from vector<1xi32>
      %broadcast_in_dim3A_678 = vector.broadcast %squeeze3A_677 : i32 to vector<16xi32>
      %swap3A_679 = arith.index_cast %add3A_675 : i32 to index
      %swap3A_680 = tpu.vector_load %arg11[%swap3A_679] {strides = array<i32>} : memref<1040xi32, #tpu.memory_space<vmem>>, vector<16xi32>,
      %swap3A_681 = vector.shape_cast %swap3A_680 : vector<16xi32> to vector<16xi32>
      %swap3A_682 = vector.shape_cast %broadcast_in_dim3A_678 : vector<16xi32> to vector<16xi32>
      tpu.vector_store %arg11[%swap3A_679], %swap3A_682 {strides = array<i32>} : memref<1040xi32, #tpu.memory_space<vmem>>, vector<16xi32>,
      %slice3A_683 = vector.extract_strided_slice %get3A_271 {offsets = [10], sizes = [1], strides = [1]} : vector<16xi32> to vector<1xi32>
      %squeeze3A_684 = vector.extract %slice3A_683[0] : i32 from vector<1xi32>
      %broadcast_in_dim3A_685 = vector.broadcast %squeeze3A_684 : i32 to vector<16xi32>
      %swap3A_686 = arith.index_cast %add3A_675 : i32 to index
      %swap3A_687 = tpu.vector_load %arg12[%swap3A_686] {strides = array<i32>} : memref<1040xi32, #tpu.memory_space<vmem>>, vector<16xi32>,
      %swap3A_688 = vector.shape_cast %swap3A_687 : vector<16xi32> to vector<16xi32>
      %swap3A_689 = vector.shape_cast %broadcast_in_dim3A_685 : vector<16xi32> to vector<16xi32>
      tpu.vector_store %arg12[%swap3A_686], %swap3A_689 {strides = array<i32>} : memref<1040xi32, #tpu.memory_space<vmem>>, vector<16xi32>,
      %slice3A_690 = vector.extract_strided_slice %select_n3A_505 {offsets = [10], sizes = [1], strides = [1]} : vector<16xi32> to vector<1xi32>
      %squeeze3A_691 = vector.extract %slice3A_690[0] : i32 from vector<1xi32>
      %add3A_692 = arith.addi %add3A_675, %squeeze3A_691 : i32
      %slice3A_693 = vector.extract_strided_slice %get3A_276 {offsets = [11], sizes = [1], strides = [1]} : vector<16xi32> to vector<1xi32>
      %squeeze3A_694 = vector.extract %slice3A_693[0] : i32 from vector<1xi32>
      %broadcast_in_dim3A_695 = vector.broadcast %squeeze3A_694 : i32 to vector<16xi32>
      %swap3A_696 = arith.index_cast %add3A_692 : i32 to index
      %swap3A_697 = tpu.vector_load %arg11[%swap3A_696] {strides = array<i32>} : memref<1040xi32, #tpu.memory_space<vmem>>, vector<16xi32>,
      %swap3A_698 = vector.shape_cast %swap3A_697 : vector<16xi32> to vector<16xi32>
      %swap3A_699 = vector.shape_cast %broadcast_in_dim3A_695 : vector<16xi32> to vector<16xi32>
      tpu.vector_store %arg11[%swap3A_696], %swap3A_699 {strides = array<i32>} : memref<1040xi32, #tpu.memory_space<vmem>>, vector<16xi32>,
      %slice3A_700 = vector.extract_strided_slice %get3A_271 {offsets = [11], sizes = [1], strides = [1]} : vector<16xi32> to vector<1xi32>
      %squeeze3A_701 = vector.extract %slice3A_700[0] : i32 from vector<1xi32>
      %broadcast_in_dim3A_702 = vector.broadcast %squeeze3A_701 : i32 to vector<16xi32>
      %swap3A_703 = arith.index_cast %add3A_692 : i32 to index
      %swap3A_704 = tpu.vector_load %arg12[%swap3A_703] {strides = array<i32>} : memref<1040xi32, #tpu.memory_space<vmem>>, vector<16xi32>,
      %swap3A_705 = vector.shape_cast %swap3A_704 : vector<16xi32> to vector<16xi32>
      %swap3A_706 = vector.shape_cast %broadcast_in_dim3A_702 : vector<16xi32> to vector<16xi32>
      tpu.vector_store %arg12[%swap3A_703], %swap3A_706 {strides = array<i32>} : memref<1040xi32, #tpu.memory_space<vmem>>, vector<16xi32>,
      %slice3A_707 = vector.extract_strided_slice %select_n3A_505 {offsets = [11], sizes = [1], strides = [1]} : vector<16xi32> to vector<1xi32>
      %squeeze3A_708 = vector.extract %slice3A_707[0] : i32 from vector<1xi32>
      %add3A_709 = arith.addi %add3A_692, %squeeze3A_708 : i32
      %slice3A_710 = vector.extract_strided_slice %get3A_276 {offsets = [12], sizes = [1], strides = [1]} : vector<16xi32> to vector<1xi32>
      %squeeze3A_711 = vector.extract %slice3A_710[0] : i32 from vector<1xi32>
      %broadcast_in_dim3A_712 = vector.broadcast %squeeze3A_711 : i32 to vector<16xi32>
      %swap3A_713 = arith.index_cast %add3A_709 : i32 to index
      %swap3A_714 = tpu.vector_load %arg11[%swap3A_713] {strides = array<i32>} : memref<1040xi32, #tpu.memory_space<vmem>>, vector<16xi32>,
      %swap3A_715 = vector.shape_cast %swap3A_714 : vector<16xi32> to vector<16xi32>
      %swap3A_716 = vector.shape_cast %broadcast_in_dim3A_712 : vector<16xi32> to vector<16xi32>
      tpu.vector_store %arg11[%swap3A_713], %swap3A_716 {strides = array<i32>} : memref<1040xi32, #tpu.memory_space<vmem>>, vector<16xi32>,
      %slice3A_717 = vector.extract_strided_slice %get3A_271 {offsets = [12], sizes = [1], strides = [1]} : vector<16xi32> to vector<1xi32>
      %squeeze3A_718 = vector.extract %slice3A_717[0] : i32 from vector<1xi32>
      %broadcast_in_dim3A_719 = vector.broadcast %squeeze3A_718 : i32 to vector<16xi32>
      %swap3A_720 = arith.index_cast %add3A_709 : i32 to index
      %swap3A_721 = tpu.vector_load %arg12[%swap3A_720] {strides = array<i32>} : memref<1040xi32, #tpu.memory_space<vmem>>, vector<16xi32>,
      %swap3A_722 = vector.shape_cast %swap3A_721 : vector<16xi32> to vector<16xi32>
      %swap3A_723 = vector.shape_cast %broadcast_in_dim3A_719 : vector<16xi32> to vector<16xi32>
      tpu.vector_store %arg12[%swap3A_720], %swap3A_723 {strides = array<i32>} : memref<1040xi32, #tpu.memory_space<vmem>>, vector<16xi32>,
      %slice3A_724 = vector.extract_strided_slice %select_n3A_505 {offsets = [12], sizes = [1], strides = [1]} : vector<16xi32> to vector<1xi32>
      %squeeze3A_725 = vector.extract %slice3A_724[0] : i32 from vector<1xi32>
      %add3A_726 = arith.addi %add3A_709, %squeeze3A_725 : i32
      %slice3A_727 = vector.extract_strided_slice %get3A_276 {offsets = [13], sizes = [1], strides = [1]} : vector<16xi32> to vector<1xi32>
      %squeeze3A_728 = vector.extract %slice3A_727[0] : i32 from vector<1xi32>
      %broadcast_in_dim3A_729 = vector.broadcast %squeeze3A_728 : i32 to vector<16xi32>
      %swap3A_730 = arith.index_cast %add3A_726 : i32 to index
      %swap3A_731 = tpu.vector_load %arg11[%swap3A_730] {strides = array<i32>} : memref<1040xi32, #tpu.memory_space<vmem>>, vector<16xi32>,
      %swap3A_732 = vector.shape_cast %swap3A_731 : vector<16xi32> to vector<16xi32>
      %swap3A_733 = vector.shape_cast %broadcast_in_dim3A_729 : vector<16xi32> to vector<16xi32>
      tpu.vector_store %arg11[%swap3A_730], %swap3A_733 {strides = array<i32>} : memref<1040xi32, #tpu.memory_space<vmem>>, vector<16xi32>,
      %slice3A_734 = vector.extract_strided_slice %get3A_271 {offsets = [13], sizes = [1], strides = [1]} : vector<16xi32> to vector<1xi32>
      %squeeze3A_735 = vector.extract %slice3A_734[0] : i32 from vector<1xi32>
      %broadcast_in_dim3A_736 = vector.broadcast %squeeze3A_735 : i32 to vector<16xi32>
      %swap3A_737 = arith.index_cast %add3A_726 : i32 to index
      %swap3A_738 = tpu.vector_load %arg12[%swap3A_737] {strides = array<i32>} : memref<1040xi32, #tpu.memory_space<vmem>>, vector<16xi32>,
      %swap3A_739 = vector.shape_cast %swap3A_738 : vector<16xi32> to vector<16xi32>
      %swap3A_740 = vector.shape_cast %broadcast_in_dim3A_736 : vector<16xi32> to vector<16xi32>
      tpu.vector_store %arg12[%swap3A_737], %swap3A_740 {strides = array<i32>} : memref<1040xi32, #tpu.memory_space<vmem>>, vector<16xi32>,
      %slice3A_741 = vector.extract_strided_slice %select_n3A_505 {offsets = [13], sizes = [1], strides = [1]} : vector<16xi32> to vector<1xi32>
      %squeeze3A_742 = vector.extract %slice3A_741[0] : i32 from vector<1xi32>
      %add3A_743 = arith.addi %add3A_726, %squeeze3A_742 : i32
      %slice3A_744 = vector.extract_strided_slice %get3A_276 {offsets = [14], sizes = [1], strides = [1]} : vector<16xi32> to vector<1xi32>
      %squeeze3A_745 = vector.extract %slice3A_744[0] : i32 from vector<1xi32>
      %broadcast_in_dim3A_746 = vector.broadcast %squeeze3A_745 : i32 to vector<16xi32>
      %swap3A_747 = arith.index_cast %add3A_743 : i32 to index
      %swap3A_748 = tpu.vector_load %arg11[%swap3A_747] {strides = array<i32>} : memref<1040xi32, #tpu.memory_space<vmem>>, vector<16xi32>,
      %swap3A_749 = vector.shape_cast %swap3A_748 : vector<16xi32> to vector<16xi32>
      %swap3A_750 = vector.shape_cast %broadcast_in_dim3A_746 : vector<16xi32> to vector<16xi32>
      tpu.vector_store %arg11[%swap3A_747], %swap3A_750 {strides = array<i32>} : memref<1040xi32, #tpu.memory_space<vmem>>, vector<16xi32>,
      %slice3A_751 = vector.extract_strided_slice %get3A_271 {offsets = [14], sizes = [1], strides = [1]} : vector<16xi32> to vector<1xi32>
      %squeeze3A_752 = vector.extract %slice3A_751[0] : i32 from vector<1xi32>
      %broadcast_in_dim3A_753 = vector.broadcast %squeeze3A_752 : i32 to vector<16xi32>
      %swap3A_754 = arith.index_cast %add3A_743 : i32 to index
      %swap3A_755 = tpu.vector_load %arg12[%swap3A_754] {strides = array<i32>} : memref<1040xi32, #tpu.memory_space<vmem>>, vector<16xi32>,
      %swap3A_756 = vector.shape_cast %swap3A_755 : vector<16xi32> to vector<16xi32>
      %swap3A_757 = vector.shape_cast %broadcast_in_dim3A_753 : vector<16xi32> to vector<16xi32>
      tpu.vector_store %arg12[%swap3A_754], %swap3A_757 {strides = array<i32>} : memref<1040xi32, #tpu.memory_space<vmem>>, vector<16xi32>,
      %slice3A_758 = vector.extract_strided_slice %select_n3A_505 {offsets = [14], sizes = [1], strides = [1]} : vector<16xi32> to vector<1xi32>
      %squeeze3A_759 = vector.extract %slice3A_758[0] : i32 from vector<1xi32>
      %add3A_760 = arith.addi %add3A_743, %squeeze3A_759 : i32
      %slice3A_761 = vector.extract_strided_slice %get3A_276 {offsets = [15], sizes = [1], strides = [1]} : vector<16xi32> to vector<1xi32>
      %squeeze3A_762 = vector.extract %slice3A_761[0] : i32 from vector<1xi32>
      %broadcast_in_dim3A_763 = vector.broadcast %squeeze3A_762 : i32 to vector<16xi32>
      %swap3A_764 = arith.index_cast %add3A_760 : i32 to index
      %swap3A_765 = tpu.vector_load %arg11[%swap3A_764] {strides = array<i32>} : memref<1040xi32, #tpu.memory_space<vmem>>, vector<16xi32>,
      %swap3A_766 = vector.shape_cast %swap3A_765 : vector<16xi32> to vector<16xi32>
      %swap3A_767 = vector.shape_cast %broadcast_in_dim3A_763 : vector<16xi32> to vector<16xi32>
      tpu.vector_store %arg11[%swap3A_764], %swap3A_767 {strides = array<i32>} : memref<1040xi32, #tpu.memory_space<vmem>>, vector<16xi32>,
      %slice3A_768 = vector.extract_strided_slice %get3A_271 {offsets = [15], sizes = [1], strides = [1]} : vector<16xi32> to vector<1xi32>
      %squeeze3A_769 = vector.extract %slice3A_768[0] : i32 from vector<1xi32>
      %broadcast_in_dim3A_770 = vector.broadcast %squeeze3A_769 : i32 to vector<16xi32>
      %swap3A_771 = arith.index_cast %add3A_760 : i32 to index
      %swap3A_772 = tpu.vector_load %arg12[%swap3A_771] {strides = array<i32>} : memref<1040xi32, #tpu.memory_space<vmem>>, vector<16xi32>,
      %swap3A_773 = vector.shape_cast %swap3A_772 : vector<16xi32> to vector<16xi32>
      %swap3A_774 = vector.shape_cast %broadcast_in_dim3A_770 : vector<16xi32> to vector<16xi32>
      tpu.vector_store %arg12[%swap3A_771], %swap3A_774 {strides = array<i32>} : memref<1040xi32, #tpu.memory_space<vmem>>, vector<16xi32>,
      %slice3A_775 = vector.extract_strided_slice %select_n3A_505 {offsets = [15], sizes = [1], strides = [1]} : vector<16xi32> to vector<1xi32>
      %squeeze3A_776 = vector.extract %slice3A_775[0] : i32 from vector<1xi32>
      %add3A_777 = arith.addi %add3A_760, %squeeze3A_776 : i32
      scf.yield %add3A_777 : i32
    }
    %scan3A_260 = arith.constant 64 : i32
    %broadcast_in_dim3A_261 = vector.broadcast %scan3A_259 : i32 to vector<16xi32>
    %swap3A = arith.constant 0 : index
    %swap3A_262 = tpu.vector_load %arg13[%swap3A] {strides = array<i32>} : memref<16xi32, #tpu.memory_space<vmem>>, vector<16xi32>,
    %swap3A_263 = vector.shape_cast %swap3A_262 : vector<16xi32> to vector<16xi32>
    %swap3A_264 = vector.shape_cast %broadcast_in_dim3A_261 : vector<16xi32> to vector<16xi32>
    tpu.vector_store %arg13[%swap3A], %swap3A_264 {strides = array<i32>} : memref<16xi32, #tpu.memory_space<vmem>>, vector<16xi32>,
    "tpu.region"() ({
      %run_scoped3A = tpu.sem_alloc : memref<!tpu.dma_semaphore, #tpu.memory_space<semaphore_mem>>
      %dma_start3A = arith.constant 0 : i32
      %dma_start3A_265 = tpu.memref_slice %arg5[%add3A, %dma_start3A] : memref<32x16xi32, #tpu.memory_space<hbm>> -> memref<1x16xi32, #tpu.memory_space<hbm>>
      %dma_start3A_266 = tpu.memref_squeeze %dma_start3A_265 : memref<1x16xi32, #tpu.memory_space<hbm>> -> memref<16xi32, #tpu.memory_space<hbm>>
      %dma_start3A_267 = arith.constant 0 : i32
      %dma_start3A_268 = tpu.memref_slice %arg5[%add3A, %dma_start3A_267] : memref<32x16xi32, #tpu.memory_space<hbm>> -> memref<1x16xi32, #tpu.memory_space<hbm>>
      %dma_start3A_269 = tpu.memref_squeeze %dma_start3A_268 : memref<1x16xi32, #tpu.memory_space<hbm>> -> memref<16xi32, #tpu.memory_space<hbm>>
      tpu.enqueue_dma source(%arg13 : memref<16xi32, #tpu.memory_space<vmem>>) target(%dma_start3A_269 : memref<16xi32, #tpu.memory_space<hbm>>) target_semaphore(%run_scoped3A : memref<!tpu.dma_semaphore, #tpu.memory_space<semaphore_mem>>)
      %dma_wait3A = arith.constant 0 : i32
      %dma_wait3A_270 = tpu.memref_slice %arg5[%add3A, %dma_wait3A] : memref<32x16xi32, #tpu.memory_space<hbm>> -> memref<1x16xi32, #tpu.memory_space<hbm>>
      %dma_wait3A_271 = tpu.memref_squeeze %dma_wait3A_270 : memref<1x16xi32, #tpu.memory_space<hbm>> -> memref<16xi32, #tpu.memory_space<hbm>>
      %dma_wait3A_272 = arith.constant 0 : i32
      %dma_wait3A_273 = tpu.memref_slice %arg5[%add3A, %dma_wait3A_272] : memref<32x16xi32, #tpu.memory_space<hbm>> -> memref<1x16xi32, #tpu.memory_space<hbm>>
      %dma_wait3A_274 = tpu.memref_squeeze %dma_wait3A_273 : memref<1x16xi32, #tpu.memory_space<hbm>> -> memref<16xi32, #tpu.memory_space<hbm>>
      tpu.wait_dma2 semaphore(%run_scoped3A : memref<!tpu.dma_semaphore, #tpu.memory_space<semaphore_mem>>) src(%arg13 : memref<16xi32, #tpu.memory_space<vmem>>) dst(%dma_wait3A_274 : memref<16xi32, #tpu.memory_space<hbm>>)
      tpu.yield
    }) : () -> ()
    "tpu.region"() ({
      %run_scoped3A = tpu.sem_alloc : memref<!tpu.dma_semaphore, #tpu.memory_space<semaphore_mem>>
      %dma_start3A = arith.constant 0 : i32
      %dma_start3A_265 = tpu.memref_slice %arg11[%dma_start3A] : memref<1040xi32, #tpu.memory_space<vmem>> -> memref<1024xi32, #tpu.memory_space<vmem>>
      %dma_start3A_266 = arith.constant 0 : i32
      %dma_start3A_267 = tpu.memref_slice %arg6[%add3A, %dma_start3A_266] : memref<32x1024xi32, #tpu.memory_space<hbm>> -> memref<1x1024xi32, #tpu.memory_space<hbm>>
      %dma_start3A_268 = tpu.memref_squeeze %dma_start3A_267 : memref<1x1024xi32, #tpu.memory_space<hbm>> -> memref<1024xi32, #tpu.memory_space<hbm>>
      %dma_start3A_269 = arith.constant 0 : i32
      %dma_start3A_270 = tpu.memref_slice %arg6[%add3A, %dma_start3A_269] : memref<32x1024xi32, #tpu.memory_space<hbm>> -> memref<1x1024xi32, #tpu.memory_space<hbm>>
      %dma_start3A_271 = tpu.memref_squeeze %dma_start3A_270 : memref<1x1024xi32, #tpu.memory_space<hbm>> -> memref<1024xi32, #tpu.memory_space<hbm>>
      %dma_start3A_272 = arith.constant 0 : i32
      %dma_start3A_273 = tpu.memref_slice %arg11[%dma_start3A_272] : memref<1040xi32, #tpu.memory_space<vmem>> -> memref<1024xi32, #tpu.memory_space<vmem>>
      tpu.enqueue_dma source(%dma_start3A_273 : memref<1024xi32, #tpu.memory_space<vmem>>) target(%dma_start3A_271 : memref<1024xi32, #tpu.memory_space<hbm>>) target_semaphore(%run_scoped3A : memref<!tpu.dma_semaphore, #tpu.memory_space<semaphore_mem>>)
      %dma_wait3A = arith.constant 0 : i32
      %dma_wait3A_274 = tpu.memref_slice %arg11[%dma_wait3A] : memref<1040xi32, #tpu.memory_space<vmem>> -> memref<1024xi32, #tpu.memory_space<vmem>>
      %dma_wait3A_275 = arith.constant 0 : i32
      %dma_wait3A_276 = tpu.memref_slice %arg6[%add3A, %dma_wait3A_275] : memref<32x1024xi32, #tpu.memory_space<hbm>> -> memref<1x1024xi32, #tpu.memory_space<hbm>>
      %dma_wait3A_277 = tpu.memref_squeeze %dma_wait3A_276 : memref<1x1024xi32, #tpu.memory_space<hbm>> -> memref<1024xi32, #tpu.memory_space<hbm>>
      %dma_wait3A_278 = arith.constant 0 : i32
      %dma_wait3A_279 = tpu.memref_slice %arg6[%add3A, %dma_wait3A_278] : memref<32x1024xi32, #tpu.memory_space<hbm>> -> memref<1x1024xi32, #tpu.memory_space<hbm>>
      %dma_wait3A_280 = tpu.memref_squeeze %dma_wait3A_279 : memref<1x1024xi32, #tpu.memory_space<hbm>> -> memref<1024xi32, #tpu.memory_space<hbm>>
      %dma_wait3A_281 = arith.constant 0 : i32
      %dma_wait3A_282 = tpu.memref_slice %arg11[%dma_wait3A_281] : memref<1040xi32, #tpu.memory_space<vmem>> -> memref<1024xi32, #tpu.memory_space<vmem>>
      tpu.wait_dma2 semaphore(%run_scoped3A : memref<!tpu.dma_semaphore, #tpu.memory_space<semaphore_mem>>) src(%dma_wait3A_282 : memref<1024xi32, #tpu.memory_space<vmem>>) dst(%dma_wait3A_280 : memref<1024xi32, #tpu.memory_space<hbm>>)
      tpu.yield
    }) : () -> ()
    "tpu.region"() ({
      %run_scoped3A = tpu.sem_alloc : memref<!tpu.dma_semaphore, #tpu.memory_space<semaphore_mem>>
      %dma_start3A = arith.constant 0 : i32
      %dma_start3A_265 = tpu.memref_slice %arg12[%dma_start3A] : memref<1040xi32, #tpu.memory_space<vmem>> -> memref<1024xi32, #tpu.memory_space<vmem>>
      %dma_start3A_266 = arith.constant 0 : i32
      %dma_start3A_267 = tpu.memref_slice %arg7[%add3A, %dma_start3A_266] : memref<32x1024xi32, #tpu.memory_space<hbm>> -> memref<1x1024xi32, #tpu.memory_space<hbm>>
      %dma_start3A_268 = tpu.memref_squeeze %dma_start3A_267 : memref<1x1024xi32, #tpu.memory_space<hbm>> -> memref<1024xi32, #tpu.memory_space<hbm>>
      %dma_start3A_269 = arith.constant 0 : i32
      %dma_start3A_270 = tpu.memref_slice %arg7[%add3A, %dma_start3A_269] : memref<32x1024xi32, #tpu.memory_space<hbm>> -> memref<1x1024xi32, #tpu.memory_space<hbm>>
      %dma_start3A_271 = tpu.memref_squeeze %dma_start3A_270 : memref<1x1024xi32, #tpu.memory_space<hbm>> -> memref<1024xi32, #tpu.memory_space<hbm>>
      %dma_start3A_272 = arith.constant 0 : i32
      %dma_start3A_273 = tpu.memref_slice %arg12[%dma_start3A_272] : memref<1040xi32, #tpu.memory_space<vmem>> -> memref<1024xi32, #tpu.memory_space<vmem>>
      tpu.enqueue_dma source(%dma_start3A_273 : memref<1024xi32, #tpu.memory_space<vmem>>) target(%dma_start3A_271 : memref<1024xi32, #tpu.memory_space<hbm>>) target_semaphore(%run_scoped3A : memref<!tpu.dma_semaphore, #tpu.memory_space<semaphore_mem>>)
      %dma_wait3A = arith.constant 0 : i32
      %dma_wait3A_274 = tpu.memref_slice %arg12[%dma_wait3A] : memref<1040xi32, #tpu.memory_space<vmem>> -> memref<1024xi32, #tpu.memory_space<vmem>>
      %dma_wait3A_275 = arith.constant 0 : i32
      %dma_wait3A_276 = tpu.memref_slice %arg7[%add3A, %dma_wait3A_275] : memref<32x1024xi32, #tpu.memory_space<hbm>> -> memref<1x1024xi32, #tpu.memory_space<hbm>>
      %dma_wait3A_277 = tpu.memref_squeeze %dma_wait3A_276 : memref<1x1024xi32, #tpu.memory_space<hbm>> -> memref<1024xi32, #tpu.memory_space<hbm>>
      %dma_wait3A_278 = arith.constant 0 : i32
      %dma_wait3A_279 = tpu.memref_slice %arg7[%add3A, %dma_wait3A_278] : memref<32x1024xi32, #tpu.memory_space<hbm>> -> memref<1x1024xi32, #tpu.memory_space<hbm>>
      %dma_wait3A_280 = tpu.memref_squeeze %dma_wait3A_279 : memref<1x1024xi32, #tpu.memory_space<hbm>> -> memref<1024xi32, #tpu.memory_space<hbm>>
      %dma_wait3A_281 = arith.constant 0 : i32
      %dma_wait3A_282 = tpu.memref_slice %arg12[%dma_wait3A_281] : memref<1040xi32, #tpu.memory_space<vmem>> -> memref<1024xi32, #tpu.memory_space<vmem>>
      tpu.wait_dma2 semaphore(%run_scoped3A : memref<!tpu.dma_semaphore, #tpu.memory_space<semaphore_mem>>) src(%dma_wait3A_282 : memref<1024xi32, #tpu.memory_space<vmem>>) dst(%dma_wait3A_280 : memref<1024xi32, #tpu.memory_space<hbm>>)
      tpu.yield
    }) : () -> ()
    return
  }
}

module attributes {stable_mosaic.version = 14 : i64} {
  func.func @_prep_body(%arg0: memref<1x1024xi32, #tpu.memory_space<vmem>>, %arg1: memref<1024x1xi32, #tpu.memory_space<vmem>>, %arg2: memref<1x1024xi32, #tpu.memory_space<vmem>>, %arg3: memref<1024x1xi32, #tpu.memory_space<vmem>>, %arg4: memref<1x1024xf32, #tpu.memory_space<vmem>>, %arg5: memref<1024x1xf32, #tpu.memory_space<vmem>>) attributes {dimension_semantics = [], scalar_prefetch = 0 : i64, scratch_operands = 0 : i64, tpu.core_type = #tpu.core_type<tc>} {
    %get3A = arith.constant 0 : index
    %get3A_0 = arith.constant 0 : index
    %get3A_1 = vector.load %arg0[%get3A, %get3A_0] : memref<1x1024xi32, #tpu.memory_space<vmem>>, vector<1x1024xi32>
    %get3A_2 = arith.constant 0 : index
    %get3A_3 = arith.constant 0 : index
    %get3A_4 = vector.load %arg1[%get3A_2, %get3A_3] : memref<1024x1xi32, #tpu.memory_space<vmem>>, vector<1024x1xi32>
    %get3A_5 = arith.constant 0 : index
    %get3A_6 = arith.constant 0 : index
    %get3A_7 = vector.load %arg2[%get3A_5, %get3A_6] : memref<1x1024xi32, #tpu.memory_space<vmem>>, vector<1x1024xi32>
    %get3A_8 = arith.constant 0 : index
    %get3A_9 = arith.constant 0 : index
    %get3A_10 = vector.load %arg3[%get3A_8, %get3A_9] : memref<1024x1xi32, #tpu.memory_space<vmem>>, vector<1024x1xi32>
    %eq3A = vector.broadcast %get3A_4 : vector<1024x1xi32> to vector<1024x1024xi32>
    %eq3A_11 = vector.broadcast %get3A_1 : vector<1x1024xi32> to vector<1024x1024xi32>
    %eq3A_12 = arith.cmpi eq, %eq3A, %eq3A_11 : vector<1024x1024xi32>
    %eq3A_13 = vector.broadcast %get3A_10 : vector<1024x1xi32> to vector<1024x1024xi32>
    %eq3A_14 = vector.broadcast %get3A_7 : vector<1x1024xi32> to vector<1024x1024xi32>
    %eq3A_15 = arith.cmpi eq, %eq3A_13, %eq3A_14 : vector<1024x1024xi32>
    %iota3A = tpu.iota {dimensions = array<i32: 0>} : vector<1024x1024xi32>
    %iota3A_16 = tpu.iota {dimensions = array<i32: 1>} : vector<1024x1024xi32>
    %and3A = arith.andi %eq3A_12, %eq3A_15 : vector<1024x1024xi1>
    %lt3A = arith.cmpi slt, %iota3A, %iota3A_16 : vector<1024x1024xi32>
    %and3A_17 = arith.andi %and3A, %lt3A : vector<1024x1024xi1>
    %reduce_or3A = arith.constant 1.000000e+00 : f32
    %reduce_or3A_18 = arith.constant 0.000000e+00 : f32
    %reduce_or3A_19 = vector.broadcast %reduce_or3A : f32 to vector<1024x1024xf32>
    %reduce_or3A_20 = vector.broadcast %reduce_or3A_18 : f32 to vector<1024x1024xf32>
    %reduce_or3A_21 = arith.select %and3A_17, %reduce_or3A_19, %reduce_or3A_20 : vector<1024x1024xi1>, vector<1024x1024xf32>
    %reduce_or3A_22 = arith.constant dense<0xFF800000> : vector<1024xf32>
    %reduce_or3A_23 = vector.multi_reduction <maximumf>, %reduce_or3A_21, %reduce_or3A_22 [0] : vector<1024x1024xf32> to vector<1024xf32>
    %reduce_or3A_24 = arith.constant 0.000000e+00 : f32
    %reduce_or3A_25 = vector.broadcast %reduce_or3A_24 : f32 to vector<1024xf32>
    %reduce_or3A_26 = arith.cmpf ogt, %reduce_or3A_23, %reduce_or3A_25 : vector<1024xf32>
    %broadcast_in_dim3A = vector.shape_cast %reduce_or3A_26 : vector<1024xi1> to vector<1x1024xi1>
    %jit3A = arith.constant 0.000000e+00 : f32
    %jit3A_27 = arith.constant 1.000000e+00 : f32
    %broadcast_in_dim3A_28 = vector.broadcast %jit3A : f32 to vector<1x1024xf32>
    %broadcast_in_dim3A_29 = vector.broadcast %jit3A_27 : f32 to vector<1x1024xf32>
    %select_n3A = arith.select %broadcast_in_dim3A, %broadcast_in_dim3A_28, %broadcast_in_dim3A_29 : vector<1x1024xi1>, vector<1x1024xf32>
    %convert_element_type3A = arith.extui %eq3A_12 : vector<1024x1024xi1> to vector<1024x1024xi32>
    %convert_element_type3A_30 = arith.sitofp %convert_element_type3A : vector<1024x1024xi32> to vector<1024x1024xf32>
    %mul3A = vector.broadcast %select_n3A : vector<1x1024xf32> to vector<1024x1024xf32>
    %mul3A_31 = arith.mulf %convert_element_type3A_30, %mul3A : vector<1024x1024xf32>
    %reduce_sum3A = arith.constant dense<0.000000e+00> : vector<1024xf32>
    %reduce_sum3A_32 = vector.multi_reduction <add>, %mul3A_31, %reduce_sum3A [1] : vector<1024x1024xf32> to vector<1024xf32>
    %broadcast_in_dim3A_33 = vector.shape_cast %reduce_sum3A_32 : vector<1024xf32> to vector<1024x1xf32>
    %swap3A = arith.constant 0 : index
    %swap3A_34 = arith.constant 0 : index
    %swap3A_35 = vector.load %arg4[%swap3A, %swap3A_34] : memref<1x1024xf32, #tpu.memory_space<vmem>>, vector<1x1024xf32>
    tpu.vector_store %arg4[%swap3A, %swap3A_34], %select_n3A {strides = array<i32>} : memref<1x1024xf32, #tpu.memory_space<vmem>>, vector<1x1024xf32>,
    %div3A = arith.constant 1.000000e+00 : f32
    %div3A_36 = vector.broadcast %div3A : f32 to vector<1024x1xf32>
    %div3A_37 = arith.divf %div3A_36, %broadcast_in_dim3A_33 : vector<1024x1xf32>
    %swap3A_38 = arith.constant 0 : index
    %swap3A_39 = arith.constant 0 : index
    %swap3A_40 = vector.load %arg5[%swap3A_38, %swap3A_39] : memref<1024x1xf32, #tpu.memory_space<vmem>>, vector<1024x1xf32>
    tpu.vector_store %arg5[%swap3A_38, %swap3A_39], %div3A_37 {strides = array<i32>} : memref<1024x1xf32, #tpu.memory_space<vmem>>, vector<1024x1xf32>,
    return
  }
}

module attributes {stable_mosaic.version = 14 : i64} {
  func.func @_main_body(%arg0: i32, %arg1: memref<1x1x16xi32, #tpu.memory_space<smem>>, %arg2: memref<1x1x1024xi32, #tpu.memory_space<smem>>, %arg3: memref<1x1x1024xi32, #tpu.memory_space<smem>>, %arg4: memref<32x1xi32, #tpu.memory_space<vmem>>, %arg5: memref<32x1xf32, #tpu.memory_space<vmem>>, %arg6: memref<32x100000xf32, #tpu.memory_space<vmem>>, %arg7: memref<1x1xf32, #tpu.memory_space<vmem>>, %arg8: memref<1x1xf32, #tpu.memory_space<smem>>) attributes {dimension_semantics = [#tpu.dimension_semantics<arbitrary>], iteration_bounds = array<i64: 32>, scalar_prefetch = 0 : i64, scratch_operands = 1 : i64, tpu.core_type = #tpu.core_type<tc>, window_params = [{transform_indices = @transform_0, window_bounds = array<i64: 1, 1, 16>}, {transform_indices = @transform_1, window_bounds = array<i64: 1, 1, 1024>}, {transform_indices = @transform_2, window_bounds = array<i64: 1, 1, 1024>}, {transform_indices = @transform_3, window_bounds = array<i64: 32, 1>}, {transform_indices = @transform_4, window_bounds = array<i64: 32, 1>}, {transform_indices = @transform_5, window_bounds = array<i64: 32, 100000>}, {pipeline_mode = #tpu.pipeline_mode<synchronous>, transform_indices = @transform_6, window_bounds = array<i64: 1, 1>}]} {
    %eq3A = arith.constant 0 : i32
    %eq3A_0 = arith.cmpi eq, %arg0, %eq3A : i32
    %convert_element_type3A = arith.extui %eq3A_0 : i1 to i32
    %cond3A = arith.constant 0 : i32
    %cond3A_1 = arith.cmpi ne, %convert_element_type3A, %cond3A : i32
    scf.if %cond3A_1 {
      %swap3A_79 = arith.constant 0.000000e+00 : f32
      %swap3A_80 = arith.constant 0 : index
      %swap3A_81 = arith.constant 0 : index
      %swap3A_82 = memref.load %arg8[%swap3A_80, %swap3A_81] : memref<1x1xf32, #tpu.memory_space<smem>>
      memref.store %swap3A_79, %arg8[%swap3A_80, %swap3A_81] : memref<1x1xf32, #tpu.memory_space<smem>>
    } else {
    }
    %get3A = arith.constant 0 : index
    %get3A_2 = arith.constant 0 : index
    %get3A_3 = vector.load %arg6[%get3A, %get3A_2] : memref<32x100000xf32, #tpu.memory_space<vmem>>, vector<32x100000xf32>
    %reduce_max3A = arith.constant dense<0xFF800000> : vector<32xf32>
    %reduce_max3A_4 = vector.multi_reduction <maximumf>, %get3A_3, %reduce_max3A [1] : vector<32x100000xf32> to vector<32xf32>
    %broadcast_in_dim3A = vector.shape_cast %reduce_max3A_4 : vector<32xf32> to vector<32x1xf32>
    %sub3A = vector.broadcast %broadcast_in_dim3A : vector<32x1xf32> to vector<32x100000xf32>
    %sub3A_5 = arith.subf %get3A_3, %sub3A : vector<32x100000xf32>
    %exp3A = math.exp %sub3A_5 : vector<32x100000xf32>
    %reduce_sum3A = arith.constant dense<0.000000e+00> : vector<32xf32>
    %reduce_sum3A_6 = vector.multi_reduction <add>, %exp3A, %reduce_sum3A [1] : vector<32x100000xf32> to vector<32xf32>
    %broadcast_in_dim3A_7 = vector.shape_cast %reduce_sum3A_6 : vector<32xf32> to vector<32x1xf32>
    %log3A = math.log %broadcast_in_dim3A_7 : vector<32x1xf32>
    %add3A = arith.addf %broadcast_in_dim3A, %log3A : vector<32x1xf32>
    %get3A_8 = arith.constant 0 : index
    %get3A_9 = arith.constant 0 : index
    %get3A_10 = vector.load %arg4[%get3A_8, %get3A_9] : memref<32x1xi32, #tpu.memory_space<vmem>>, vector<32x1xi32>
    %get3A_11 = arith.constant 0 : index
    %get3A_12 = arith.constant 0 : index
    %get3A_13 = vector.load %arg5[%get3A_11, %get3A_12] : memref<32x1xf32, #tpu.memory_space<vmem>>, vector<32x1xf32>
    %iota3A = tpu.iota {dimensions = array<i32: 1>} : vector<32x128xi32>
    %iota3A_14 = tpu.iota {dimensions = array<i32: 0>} : vector<32x1xi32>
    %broadcast_in_dim3A_15 = arith.constant 0.000000e+00 : f32
    %broadcast_in_dim3A_16 = vector.broadcast %broadcast_in_dim3A_15 : f32 to vector<32x128xf32>
    %get3A_17 = arith.constant 0 : index
    %get3A_18 = arith.constant 0 : index
    %get3A_19 = arith.constant 0 : index
    %get3A_20 = memref.load %arg1[%get3A_17, %get3A_18, %get3A_19] : memref<1x1x16xi32, #tpu.memory_space<smem>>
    %add3A_21 = arith.constant 16 : i32
    %add3A_22 = arith.addi %get3A_20, %add3A_21 : i32
    %sub3A_23 = arith.constant 1 : i32
    %sub3A_24 = arith.subi %add3A_22, %sub3A_23 : i32
    %jit3A = arith.constant 16 : i32
    %div3A = arith.divsi %sub3A_24, %jit3A : i32
    %sign3A = arith.constant 0 : i32
    %sign3A_25 = arith.cmpi sgt, %sub3A_24, %sign3A : i32
    %sign3A_26 = arith.extui %sign3A_25 : i1 to i32
    %sign3A_27 = arith.constant 0 : i32
    %sign3A_28 = arith.cmpi slt, %sub3A_24, %sign3A_27 : i32
    %sign3A_29 = arith.extui %sign3A_28 : i1 to i32
    %sign3A_30 = arith.subi %sign3A_26, %sign3A_29 : i32
    %sign3A_31 = arith.constant 0 : i32
    %sign3A_32 = arith.cmpi sgt, %jit3A, %sign3A_31 : i32
    %sign3A_33 = arith.extui %sign3A_32 : i1 to i32
    %sign3A_34 = arith.constant 0 : i32
    %sign3A_35 = arith.cmpi slt, %jit3A, %sign3A_34 : i32
    %sign3A_36 = arith.extui %sign3A_35 : i1 to i32
    %sign3A_37 = arith.subi %sign3A_33, %sign3A_36 : i32
    %ne3A = arith.cmpi ne, %sign3A_30, %sign3A_37 : i32
    %rem3A = arith.remsi %sub3A_24, %jit3A : i32
    %ne3A_38 = arith.constant 0 : i32
    %ne3A_39 = arith.cmpi ne, %rem3A, %ne3A_38 : i32
    %and3A = arith.andi %ne3A, %ne3A_39 : i1
    %sub3A_40 = arith.constant 1 : i32
    %sub3A_41 = arith.subi %div3A, %sub3A_40 : i32
    %select_n3A = arith.select %and3A, %sub3A_41, %div3A : i32
    %ge3A = arith.constant 0 : i32
    %ge3A_42 = vector.broadcast %ge3A : i32 to vector<32x1xi32>
    %ge3A_43 = arith.cmpi sge, %iota3A_14, %ge3A_42 : vector<32x1xi32>
    %lt3A = arith.constant 32 : i32
    %lt3A_44 = vector.broadcast %lt3A : i32 to vector<32x1xi32>
    %lt3A_45 = arith.cmpi slt, %iota3A_14, %lt3A_44 : vector<32x1xi32>
    %and3A_46 = arith.andi %ge3A_43, %lt3A_45 : vector<32x1xi1>
    %while3A = arith.constant 0 : i32
    %while3A_47 = arith.subi %select_n3A, %while3A : i32
    %while3A_48 = arith.addi %while3A, %while3A_47 : i32
    %while3A_49 = arith.constant 1 : i32
    %while3A_50 = arith.divsi %while3A_47, %while3A_49 : i32
    %while3A_51 = arith.muli %while3A_50, %while3A_49 : i32
    %while3A_52 = arith.addi %while3A, %while3A_51 : i32
    %while3A_53 = arith.constant 1 : i32
    %while3A_54 = scf.for %while3A_79 = %while3A to %while3A_52 step %while3A_53 iter_args(%while3A_80 = %broadcast_in_dim3A_16) -> (vector<32x128xf32>)  : i32 {
      %mul3A = arith.constant 16 : i32
      %mul3A_81 = arith.muli %while3A_79, %mul3A : i32
      %add3A_82 = arith.constant 0 : i32
      %add3A_83 = arith.addi %mul3A_81, %add3A_82 : i32
      %sub3A_84 = arith.constant 1 : i32
      %sub3A_85 = arith.subi %get3A_20, %sub3A_84 : i32
      %min3A = arith.minsi %add3A_83, %sub3A_85 : i32
      %get3A_86 = arith.constant 0 : index
      %get3A_87 = arith.constant 0 : index
      %get3A_88 = arith.index_cast %min3A : i32 to index
      %get3A_89 = memref.load %arg2[%get3A_86, %get3A_87, %get3A_88] : memref<1x1x1024xi32, #tpu.memory_space<smem>>
      %get3A_90 = arith.constant 0 : index
      %get3A_91 = arith.constant 0 : index
      %get3A_92 = arith.index_cast %min3A : i32 to index
      %get3A_93 = memref.load %arg3[%get3A_90, %get3A_91, %get3A_92] : memref<1x1x1024xi32, #tpu.memory_space<smem>>
      %jit3A_94 = arith.constant 128 : i32
      %div3A_95 = arith.divsi %get3A_89, %jit3A_94 : i32
      %sign3A_96 = arith.constant 0 : i32
      %sign3A_97 = arith.cmpi sgt, %get3A_89, %sign3A_96 : i32
      %sign3A_98 = arith.extui %sign3A_97 : i1 to i32
      %sign3A_99 = arith.constant 0 : i32
      %sign3A_100 = arith.cmpi slt, %get3A_89, %sign3A_99 : i32
      %sign3A_101 = arith.extui %sign3A_100 : i1 to i32
      %sign3A_102 = arith.subi %sign3A_98, %sign3A_101 : i32
      %sign3A_103 = arith.constant 0 : i32
      %sign3A_104 = arith.cmpi sgt, %jit3A_94, %sign3A_103 : i32
      %sign3A_105 = arith.extui %sign3A_104 : i1 to i32
      %sign3A_106 = arith.constant 0 : i32
      %sign3A_107 = arith.cmpi slt, %jit3A_94, %sign3A_106 : i32
      %sign3A_108 = arith.extui %sign3A_107 : i1 to i32
      %sign3A_109 = arith.subi %sign3A_105, %sign3A_108 : i32
      %ne3A_110 = arith.cmpi ne, %sign3A_102, %sign3A_109 : i32
      %rem3A_111 = arith.remsi %get3A_89, %jit3A_94 : i32
      %ne3A_112 = arith.constant 0 : i32
      %ne3A_113 = arith.cmpi ne, %rem3A_111, %ne3A_112 : i32
      %and3A_114 = arith.andi %ne3A_110, %ne3A_113 : i1
      %sub3A_115 = arith.constant 1 : i32
      %sub3A_116 = arith.subi %div3A_95, %sub3A_115 : i32
      %select_n3A_117 = arith.select %and3A_114, %sub3A_116, %div3A_95 : i32
      %mul3A_118 = arith.constant 128 : i32
      %mul3A_119 = arith.muli %select_n3A_117, %mul3A_118 : i32
      %multiple_of3A = tpu.assume_multiple %mul3A_119, 128 : i32
      %get3A_120 = arith.constant 0 : index
      %get3A_121 = arith.index_cast %multiple_of3A : i32 to index
      %get3A_122 = vector.load %arg6[%get3A_120, %get3A_121] : memref<32x100000xf32, #tpu.memory_space<vmem>>, vector<32x128xf32>
      %eq3A_123 = vector.broadcast %get3A_93 : i32 to vector<32x1xi32>
      %eq3A_124 = arith.cmpi eq, %get3A_10, %eq3A_123 : vector<32x1xi32>
      %and3A_125 = arith.andi %eq3A_124, %and3A_46 : vector<32x1xi1>
      %lt3A_126 = arith.cmpi slt, %add3A_83, %get3A_20 : i32
      %and3A_127 = vector.broadcast %lt3A_126 : i1 to vector<32x1xi1>
      %and3A_128 = arith.andi %and3A_125, %and3A_127 : vector<32x1xi1>
      %jit3A_129 = arith.constant 0.000000e+00 : f32
      %broadcast_in_dim3A_130 = vector.broadcast %jit3A_129 : f32 to vector<32x1xf32>
      %select_n3A_131 = arith.select %and3A_128, %get3A_13, %broadcast_in_dim3A_130 : vector<32x1xi1>, vector<32x1xf32>
      %jit3A_132 = arith.constant 128 : i32
      %eq3A_133 = arith.constant 0 : i32
      %eq3A_134 = arith.cmpi eq, %jit3A_132, %eq3A_133 : i32
      %jit3A_135 = arith.constant 1 : i32
      %select_n3A_136 = arith.select %eq3A_134, %jit3A_135, %jit3A_132 : i32
      %rem3A_137 = arith.remsi %get3A_89, %select_n3A_136 : i32
      %ne3A_138 = arith.constant 0 : i32
      %ne3A_139 = arith.cmpi ne, %rem3A_137, %ne3A_138 : i32
      %lt3A_140 = arith.constant 0 : i32
      %lt3A_141 = arith.cmpi slt, %rem3A_137, %lt3A_140 : i32
      %lt3A_142 = arith.constant 0 : i32
      %lt3A_143 = arith.cmpi slt, %select_n3A_136, %lt3A_142 : i32
      %ne3A_144 = arith.xori %lt3A_141, %lt3A_143 : i1
      %and3A_145 = arith.andi %ne3A_144, %ne3A_139 : i1
      %add3A_146 = arith.addi %rem3A_137, %select_n3A_136 : i32
      %select_n3A_147 = arith.select %and3A_145, %add3A_146, %rem3A_137 : i32
      %eq3A_148 = vector.broadcast %select_n3A_147 : i32 to vector<32x128xi32>
      %eq3A_149 = arith.cmpi eq, %iota3A, %eq3A_148 : vector<32x128xi32>
      %mul3A_150 = vector.broadcast %select_n3A_131 : vector<32x1xf32> to vector<32x128xf32>
      %mul3A_151 = arith.mulf %get3A_122, %mul3A_150 : vector<32x128xf32>
      %jit3A_152 = arith.constant 0.000000e+00 : f32
      %broadcast_in_dim3A_153 = vector.broadcast %jit3A_152 : f32 to vector<32x128xf32>
      %select_n3A_154 = arith.select %eq3A_149, %mul3A_151, %broadcast_in_dim3A_153 : vector<32x128xi1>, vector<32x128xf32>
      %add3A_155 = arith.addf %while3A_80, %select_n3A_154 : vector<32x128xf32>
      %mul3A_156 = arith.constant 16 : i32
      %mul3A_157 = arith.muli %while3A_79, %mul3A_156 : i32
      %add3A_158 = arith.constant 1 : i32
      %add3A_159 = arith.addi %mul3A_157, %add3A_158 : i32
      %sub3A_160 = arith.constant 1 : i32
      %sub3A_161 = arith.subi %get3A_20, %sub3A_160 : i32
      %min3A_162 = arith.minsi %add3A_159, %sub3A_161 : i32
      %get3A_163 = arith.constant 0 : index
      %get3A_164 = arith.constant 0 : index
      %get3A_165 = arith.index_cast %min3A_162 : i32 to index
      %get3A_166 = memref.load %arg2[%get3A_163, %get3A_164, %get3A_165] : memref<1x1x1024xi32, #tpu.memory_space<smem>>
      %get3A_167 = arith.constant 0 : index
      %get3A_168 = arith.constant 0 : index
      %get3A_169 = arith.index_cast %min3A_162 : i32 to index
      %get3A_170 = memref.load %arg3[%get3A_167, %get3A_168, %get3A_169] : memref<1x1x1024xi32, #tpu.memory_space<smem>>
      %jit3A_171 = arith.constant 128 : i32
      %div3A_172 = arith.divsi %get3A_166, %jit3A_171 : i32
      %sign3A_173 = arith.constant 0 : i32
      %sign3A_174 = arith.cmpi sgt, %get3A_166, %sign3A_173 : i32
      %sign3A_175 = arith.extui %sign3A_174 : i1 to i32
      %sign3A_176 = arith.constant 0 : i32
      %sign3A_177 = arith.cmpi slt, %get3A_166, %sign3A_176 : i32
      %sign3A_178 = arith.extui %sign3A_177 : i1 to i32
      %sign3A_179 = arith.subi %sign3A_175, %sign3A_178 : i32
      %sign3A_180 = arith.constant 0 : i32
      %sign3A_181 = arith.cmpi sgt, %jit3A_171, %sign3A_180 : i32
      %sign3A_182 = arith.extui %sign3A_181 : i1 to i32
      %sign3A_183 = arith.constant 0 : i32
      %sign3A_184 = arith.cmpi slt, %jit3A_171, %sign3A_183 : i32
      %sign3A_185 = arith.extui %sign3A_184 : i1 to i32
      %sign3A_186 = arith.subi %sign3A_182, %sign3A_185 : i32
      %ne3A_187 = arith.cmpi ne, %sign3A_179, %sign3A_186 : i32
      %rem3A_188 = arith.remsi %get3A_166, %jit3A_171 : i32
      %ne3A_189 = arith.constant 0 : i32
      %ne3A_190 = arith.cmpi ne, %rem3A_188, %ne3A_189 : i32
      %and3A_191 = arith.andi %ne3A_187, %ne3A_190 : i1
      %sub3A_192 = arith.constant 1 : i32
      %sub3A_193 = arith.subi %div3A_172, %sub3A_192 : i32
      %select_n3A_194 = arith.select %and3A_191, %sub3A_193, %div3A_172 : i32
      %mul3A_195 = arith.constant 128 : i32
      %mul3A_196 = arith.muli %select_n3A_194, %mul3A_195 : i32
      %multiple_of3A_197 = tpu.assume_multiple %mul3A_196, 128 : i32
      %get3A_198 = arith.constant 0 : index
      %get3A_199 = arith.index_cast %multiple_of3A_197 : i32 to index
      %get3A_200 = vector.load %arg6[%get3A_198, %get3A_199] : memref<32x100000xf32, #tpu.memory_space<vmem>>, vector<32x128xf32>
      %eq3A_201 = vector.broadcast %get3A_170 : i32 to vector<32x1xi32>
      %eq3A_202 = arith.cmpi eq, %get3A_10, %eq3A_201 : vector<32x1xi32>
      %and3A_203 = arith.andi %eq3A_202, %and3A_46 : vector<32x1xi1>
      %lt3A_204 = arith.cmpi slt, %add3A_159, %get3A_20 : i32
      %and3A_205 = vector.broadcast %lt3A_204 : i1 to vector<32x1xi1>
      %and3A_206 = arith.andi %and3A_203, %and3A_205 : vector<32x1xi1>
      %jit3A_207 = arith.constant 0.000000e+00 : f32
      %broadcast_in_dim3A_208 = vector.broadcast %jit3A_207 : f32 to vector<32x1xf32>
      %select_n3A_209 = arith.select %and3A_206, %get3A_13, %broadcast_in_dim3A_208 : vector<32x1xi1>, vector<32x1xf32>
      %jit3A_210 = arith.constant 128 : i32
      %eq3A_211 = arith.constant 0 : i32
      %eq3A_212 = arith.cmpi eq, %jit3A_210, %eq3A_211 : i32
      %jit3A_213 = arith.constant 1 : i32
      %select_n3A_214 = arith.select %eq3A_212, %jit3A_213, %jit3A_210 : i32
      %rem3A_215 = arith.remsi %get3A_166, %select_n3A_214 : i32
      %ne3A_216 = arith.constant 0 : i32
      %ne3A_217 = arith.cmpi ne, %rem3A_215, %ne3A_216 : i32
      %lt3A_218 = arith.constant 0 : i32
      %lt3A_219 = arith.cmpi slt, %rem3A_215, %lt3A_218 : i32
      %lt3A_220 = arith.constant 0 : i32
      %lt3A_221 = arith.cmpi slt, %select_n3A_214, %lt3A_220 : i32
      %ne3A_222 = arith.xori %lt3A_219, %lt3A_221 : i1
      %and3A_223 = arith.andi %ne3A_222, %ne3A_217 : i1
      %add3A_224 = arith.addi %rem3A_215, %select_n3A_214 : i32
      %select_n3A_225 = arith.select %and3A_223, %add3A_224, %rem3A_215 : i32
      %eq3A_226 = vector.broadcast %select_n3A_225 : i32 to vector<32x128xi32>
      %eq3A_227 = arith.cmpi eq, %iota3A, %eq3A_226 : vector<32x128xi32>
      %mul3A_228 = vector.broadcast %select_n3A_209 : vector<32x1xf32> to vector<32x128xf32>
      %mul3A_229 = arith.mulf %get3A_200, %mul3A_228 : vector<32x128xf32>
      %jit3A_230 = arith.constant 0.000000e+00 : f32
      %broadcast_in_dim3A_231 = vector.broadcast %jit3A_230 : f32 to vector<32x128xf32>
      %select_n3A_232 = arith.select %eq3A_227, %mul3A_229, %broadcast_in_dim3A_231 : vector<32x128xi1>, vector<32x128xf32>
      %add3A_233 = arith.addf %add3A_155, %select_n3A_232 : vector<32x128xf32>
      %mul3A_234 = arith.constant 16 : i32
      %mul3A_235 = arith.muli %while3A_79, %mul3A_234 : i32
      %add3A_236 = arith.constant 2 : i32
      %add3A_237 = arith.addi %mul3A_235, %add3A_236 : i32
      %sub3A_238 = arith.constant 1 : i32
      %sub3A_239 = arith.subi %get3A_20, %sub3A_238 : i32
      %min3A_240 = arith.minsi %add3A_237, %sub3A_239 : i32
      %get3A_241 = arith.constant 0 : index
      %get3A_242 = arith.constant 0 : index
      %get3A_243 = arith.index_cast %min3A_240 : i32 to index
      %get3A_244 = memref.load %arg2[%get3A_241, %get3A_242, %get3A_243] : memref<1x1x1024xi32, #tpu.memory_space<smem>>
      %get3A_245 = arith.constant 0 : index
      %get3A_246 = arith.constant 0 : index
      %get3A_247 = arith.index_cast %min3A_240 : i32 to index
      %get3A_248 = memref.load %arg3[%get3A_245, %get3A_246, %get3A_247] : memref<1x1x1024xi32, #tpu.memory_space<smem>>
      %jit3A_249 = arith.constant 128 : i32
      %div3A_250 = arith.divsi %get3A_244, %jit3A_249 : i32
      %sign3A_251 = arith.constant 0 : i32
      %sign3A_252 = arith.cmpi sgt, %get3A_244, %sign3A_251 : i32
      %sign3A_253 = arith.extui %sign3A_252 : i1 to i32
      %sign3A_254 = arith.constant 0 : i32
      %sign3A_255 = arith.cmpi slt, %get3A_244, %sign3A_254 : i32
      %sign3A_256 = arith.extui %sign3A_255 : i1 to i32
      %sign3A_257 = arith.subi %sign3A_253, %sign3A_256 : i32
      %sign3A_258 = arith.constant 0 : i32
      %sign3A_259 = arith.cmpi sgt, %jit3A_249, %sign3A_258 : i32
      %sign3A_260 = arith.extui %sign3A_259 : i1 to i32
      %sign3A_261 = arith.constant 0 : i32
      %sign3A_262 = arith.cmpi slt, %jit3A_249, %sign3A_261 : i32
      %sign3A_263 = arith.extui %sign3A_262 : i1 to i32
      %sign3A_264 = arith.subi %sign3A_260, %sign3A_263 : i32
      %ne3A_265 = arith.cmpi ne, %sign3A_257, %sign3A_264 : i32
      %rem3A_266 = arith.remsi %get3A_244, %jit3A_249 : i32
      %ne3A_267 = arith.constant 0 : i32
      %ne3A_268 = arith.cmpi ne, %rem3A_266, %ne3A_267 : i32
      %and3A_269 = arith.andi %ne3A_265, %ne3A_268 : i1
      %sub3A_270 = arith.constant 1 : i32
      %sub3A_271 = arith.subi %div3A_250, %sub3A_270 : i32
      %select_n3A_272 = arith.select %and3A_269, %sub3A_271, %div3A_250 : i32
      %mul3A_273 = arith.constant 128 : i32
      %mul3A_274 = arith.muli %select_n3A_272, %mul3A_273 : i32
      %multiple_of3A_275 = tpu.assume_multiple %mul3A_274, 128 : i32
      %get3A_276 = arith.constant 0 : index
      %get3A_277 = arith.index_cast %multiple_of3A_275 : i32 to index
      %get3A_278 = vector.load %arg6[%get3A_276, %get3A_277] : memref<32x100000xf32, #tpu.memory_space<vmem>>, vector<32x128xf32>
      %eq3A_279 = vector.broadcast %get3A_248 : i32 to vector<32x1xi32>
      %eq3A_280 = arith.cmpi eq, %get3A_10, %eq3A_279 : vector<32x1xi32>
      %and3A_281 = arith.andi %eq3A_280, %and3A_46 : vector<32x1xi1>
      %lt3A_282 = arith.cmpi slt, %add3A_237, %get3A_20 : i32
      %and3A_283 = vector.broadcast %lt3A_282 : i1 to vector<32x1xi1>
      %and3A_284 = arith.andi %and3A_281, %and3A_283 : vector<32x1xi1>
      %jit3A_285 = arith.constant 0.000000e+00 : f32
      %broadcast_in_dim3A_286 = vector.broadcast %jit3A_285 : f32 to vector<32x1xf32>
      %select_n3A_287 = arith.select %and3A_284, %get3A_13, %broadcast_in_dim3A_286 : vector<32x1xi1>, vector<32x1xf32>
      %jit3A_288 = arith.constant 128 : i32
      %eq3A_289 = arith.constant 0 : i32
      %eq3A_290 = arith.cmpi eq, %jit3A_288, %eq3A_289 : i32
      %jit3A_291 = arith.constant 1 : i32
      %select_n3A_292 = arith.select %eq3A_290, %jit3A_291, %jit3A_288 : i32
      %rem3A_293 = arith.remsi %get3A_244, %select_n3A_292 : i32
      %ne3A_294 = arith.constant 0 : i32
      %ne3A_295 = arith.cmpi ne, %rem3A_293, %ne3A_294 : i32
      %lt3A_296 = arith.constant 0 : i32
      %lt3A_297 = arith.cmpi slt, %rem3A_293, %lt3A_296 : i32
      %lt3A_298 = arith.constant 0 : i32
      %lt3A_299 = arith.cmpi slt, %select_n3A_292, %lt3A_298 : i32
      %ne3A_300 = arith.xori %lt3A_297, %lt3A_299 : i1
      %and3A_301 = arith.andi %ne3A_300, %ne3A_295 : i1
      %add3A_302 = arith.addi %rem3A_293, %select_n3A_292 : i32
      %select_n3A_303 = arith.select %and3A_301, %add3A_302, %rem3A_293 : i32
      %eq3A_304 = vector.broadcast %select_n3A_303 : i32 to vector<32x128xi32>
      %eq3A_305 = arith.cmpi eq, %iota3A, %eq3A_304 : vector<32x128xi32>
      %mul3A_306 = vector.broadcast %select_n3A_287 : vector<32x1xf32> to vector<32x128xf32>
      %mul3A_307 = arith.mulf %get3A_278, %mul3A_306 : vector<32x128xf32>
      %jit3A_308 = arith.constant 0.000000e+00 : f32
      %broadcast_in_dim3A_309 = vector.broadcast %jit3A_308 : f32 to vector<32x128xf32>
      %select_n3A_310 = arith.select %eq3A_305, %mul3A_307, %broadcast_in_dim3A_309 : vector<32x128xi1>, vector<32x128xf32>
      %add3A_311 = arith.addf %add3A_233, %select_n3A_310 : vector<32x128xf32>
      %mul3A_312 = arith.constant 16 : i32
      %mul3A_313 = arith.muli %while3A_79, %mul3A_312 : i32
      %add3A_314 = arith.constant 3 : i32
      %add3A_315 = arith.addi %mul3A_313, %add3A_314 : i32
      %sub3A_316 = arith.constant 1 : i32
      %sub3A_317 = arith.subi %get3A_20, %sub3A_316 : i32
      %min3A_318 = arith.minsi %add3A_315, %sub3A_317 : i32
      %get3A_319 = arith.constant 0 : index
      %get3A_320 = arith.constant 0 : index
      %get3A_321 = arith.index_cast %min3A_318 : i32 to index
      %get3A_322 = memref.load %arg2[%get3A_319, %get3A_320, %get3A_321] : memref<1x1x1024xi32, #tpu.memory_space<smem>>
      %get3A_323 = arith.constant 0 : index
      %get3A_324 = arith.constant 0 : index
      %get3A_325 = arith.index_cast %min3A_318 : i32 to index
      %get3A_326 = memref.load %arg3[%get3A_323, %get3A_324, %get3A_325] : memref<1x1x1024xi32, #tpu.memory_space<smem>>
      %jit3A_327 = arith.constant 128 : i32
      %div3A_328 = arith.divsi %get3A_322, %jit3A_327 : i32
      %sign3A_329 = arith.constant 0 : i32
      %sign3A_330 = arith.cmpi sgt, %get3A_322, %sign3A_329 : i32
      %sign3A_331 = arith.extui %sign3A_330 : i1 to i32
      %sign3A_332 = arith.constant 0 : i32
      %sign3A_333 = arith.cmpi slt, %get3A_322, %sign3A_332 : i32
      %sign3A_334 = arith.extui %sign3A_333 : i1 to i32
      %sign3A_335 = arith.subi %sign3A_331, %sign3A_334 : i32
      %sign3A_336 = arith.constant 0 : i32
      %sign3A_337 = arith.cmpi sgt, %jit3A_327, %sign3A_336 : i32
      %sign3A_338 = arith.extui %sign3A_337 : i1 to i32
      %sign3A_339 = arith.constant 0 : i32
      %sign3A_340 = arith.cmpi slt, %jit3A_327, %sign3A_339 : i32
      %sign3A_341 = arith.extui %sign3A_340 : i1 to i32
      %sign3A_342 = arith.subi %sign3A_338, %sign3A_341 : i32
      %ne3A_343 = arith.cmpi ne, %sign3A_335, %sign3A_342 : i32
      %rem3A_344 = arith.remsi %get3A_322, %jit3A_327 : i32
      %ne3A_345 = arith.constant 0 : i32
      %ne3A_346 = arith.cmpi ne, %rem3A_344, %ne3A_345 : i32
      %and3A_347 = arith.andi %ne3A_343, %ne3A_346 : i1
      %sub3A_348 = arith.constant 1 : i32
      %sub3A_349 = arith.subi %div3A_328, %sub3A_348 : i32
      %select_n3A_350 = arith.select %and3A_347, %sub3A_349, %div3A_328 : i32
      %mul3A_351 = arith.constant 128 : i32
      %mul3A_352 = arith.muli %select_n3A_350, %mul3A_351 : i32
      %multiple_of3A_353 = tpu.assume_multiple %mul3A_352, 128 : i32
      %get3A_354 = arith.constant 0 : index
      %get3A_355 = arith.index_cast %multiple_of3A_353 : i32 to index
      %get3A_356 = vector.load %arg6[%get3A_354, %get3A_355] : memref<32x100000xf32, #tpu.memory_space<vmem>>, vector<32x128xf32>
      %eq3A_357 = vector.broadcast %get3A_326 : i32 to vector<32x1xi32>
      %eq3A_358 = arith.cmpi eq, %get3A_10, %eq3A_357 : vector<32x1xi32>
      %and3A_359 = arith.andi %eq3A_358, %and3A_46 : vector<32x1xi1>
      %lt3A_360 = arith.cmpi slt, %add3A_315, %get3A_20 : i32
      %and3A_361 = vector.broadcast %lt3A_360 : i1 to vector<32x1xi1>
      %and3A_362 = arith.andi %and3A_359, %and3A_361 : vector<32x1xi1>
      %jit3A_363 = arith.constant 0.000000e+00 : f32
      %broadcast_in_dim3A_364 = vector.broadcast %jit3A_363 : f32 to vector<32x1xf32>
      %select_n3A_365 = arith.select %and3A_362, %get3A_13, %broadcast_in_dim3A_364 : vector<32x1xi1>, vector<32x1xf32>
      %jit3A_366 = arith.constant 128 : i32
      %eq3A_367 = arith.constant 0 : i32
      %eq3A_368 = arith.cmpi eq, %jit3A_366, %eq3A_367 : i32
      %jit3A_369 = arith.constant 1 : i32
      %select_n3A_370 = arith.select %eq3A_368, %jit3A_369, %jit3A_366 : i32
      %rem3A_371 = arith.remsi %get3A_322, %select_n3A_370 : i32
      %ne3A_372 = arith.constant 0 : i32
      %ne3A_373 = arith.cmpi ne, %rem3A_371, %ne3A_372 : i32
      %lt3A_374 = arith.constant 0 : i32
      %lt3A_375 = arith.cmpi slt, %rem3A_371, %lt3A_374 : i32
      %lt3A_376 = arith.constant 0 : i32
      %lt3A_377 = arith.cmpi slt, %select_n3A_370, %lt3A_376 : i32
      %ne3A_378 = arith.xori %lt3A_375, %lt3A_377 : i1
      %and3A_379 = arith.andi %ne3A_378, %ne3A_373 : i1
      %add3A_380 = arith.addi %rem3A_371, %select_n3A_370 : i32
      %select_n3A_381 = arith.select %and3A_379, %add3A_380, %rem3A_371 : i32
      %eq3A_382 = vector.broadcast %select_n3A_381 : i32 to vector<32x128xi32>
      %eq3A_383 = arith.cmpi eq, %iota3A, %eq3A_382 : vector<32x128xi32>
      %mul3A_384 = vector.broadcast %select_n3A_365 : vector<32x1xf32> to vector<32x128xf32>
      %mul3A_385 = arith.mulf %get3A_356, %mul3A_384 : vector<32x128xf32>
      %jit3A_386 = arith.constant 0.000000e+00 : f32
      %broadcast_in_dim3A_387 = vector.broadcast %jit3A_386 : f32 to vector<32x128xf32>
      %select_n3A_388 = arith.select %eq3A_383, %mul3A_385, %broadcast_in_dim3A_387 : vector<32x128xi1>, vector<32x128xf32>
      %add3A_389 = arith.addf %add3A_311, %select_n3A_388 : vector<32x128xf32>
      %mul3A_390 = arith.constant 16 : i32
      %mul3A_391 = arith.muli %while3A_79, %mul3A_390 : i32
      %add3A_392 = arith.constant 4 : i32
      %add3A_393 = arith.addi %mul3A_391, %add3A_392 : i32
      %sub3A_394 = arith.constant 1 : i32
      %sub3A_395 = arith.subi %get3A_20, %sub3A_394 : i32
      %min3A_396 = arith.minsi %add3A_393, %sub3A_395 : i32
      %get3A_397 = arith.constant 0 : index
      %get3A_398 = arith.constant 0 : index
      %get3A_399 = arith.index_cast %min3A_396 : i32 to index
      %get3A_400 = memref.load %arg2[%get3A_397, %get3A_398, %get3A_399] : memref<1x1x1024xi32, #tpu.memory_space<smem>>
      %get3A_401 = arith.constant 0 : index
      %get3A_402 = arith.constant 0 : index
      %get3A_403 = arith.index_cast %min3A_396 : i32 to index
      %get3A_404 = memref.load %arg3[%get3A_401, %get3A_402, %get3A_403] : memref<1x1x1024xi32, #tpu.memory_space<smem>>
      %jit3A_405 = arith.constant 128 : i32
      %div3A_406 = arith.divsi %get3A_400, %jit3A_405 : i32
      %sign3A_407 = arith.constant 0 : i32
      %sign3A_408 = arith.cmpi sgt, %get3A_400, %sign3A_407 : i32
      %sign3A_409 = arith.extui %sign3A_408 : i1 to i32
      %sign3A_410 = arith.constant 0 : i32
      %sign3A_411 = arith.cmpi slt, %get3A_400, %sign3A_410 : i32
      %sign3A_412 = arith.extui %sign3A_411 : i1 to i32
      %sign3A_413 = arith.subi %sign3A_409, %sign3A_412 : i32
      %sign3A_414 = arith.constant 0 : i32
      %sign3A_415 = arith.cmpi sgt, %jit3A_405, %sign3A_414 : i32
      %sign3A_416 = arith.extui %sign3A_415 : i1 to i32
      %sign3A_417 = arith.constant 0 : i32
      %sign3A_418 = arith.cmpi slt, %jit3A_405, %sign3A_417 : i32
      %sign3A_419 = arith.extui %sign3A_418 : i1 to i32
      %sign3A_420 = arith.subi %sign3A_416, %sign3A_419 : i32
      %ne3A_421 = arith.cmpi ne, %sign3A_413, %sign3A_420 : i32
      %rem3A_422 = arith.remsi %get3A_400, %jit3A_405 : i32
      %ne3A_423 = arith.constant 0 : i32
      %ne3A_424 = arith.cmpi ne, %rem3A_422, %ne3A_423 : i32
      %and3A_425 = arith.andi %ne3A_421, %ne3A_424 : i1
      %sub3A_426 = arith.constant 1 : i32
      %sub3A_427 = arith.subi %div3A_406, %sub3A_426 : i32
      %select_n3A_428 = arith.select %and3A_425, %sub3A_427, %div3A_406 : i32
      %mul3A_429 = arith.constant 128 : i32
      %mul3A_430 = arith.muli %select_n3A_428, %mul3A_429 : i32
      %multiple_of3A_431 = tpu.assume_multiple %mul3A_430, 128 : i32
      %get3A_432 = arith.constant 0 : index
      %get3A_433 = arith.index_cast %multiple_of3A_431 : i32 to index
      %get3A_434 = vector.load %arg6[%get3A_432, %get3A_433] : memref<32x100000xf32, #tpu.memory_space<vmem>>, vector<32x128xf32>
      %eq3A_435 = vector.broadcast %get3A_404 : i32 to vector<32x1xi32>
      %eq3A_436 = arith.cmpi eq, %get3A_10, %eq3A_435 : vector<32x1xi32>
      %and3A_437 = arith.andi %eq3A_436, %and3A_46 : vector<32x1xi1>
      %lt3A_438 = arith.cmpi slt, %add3A_393, %get3A_20 : i32
      %and3A_439 = vector.broadcast %lt3A_438 : i1 to vector<32x1xi1>
      %and3A_440 = arith.andi %and3A_437, %and3A_439 : vector<32x1xi1>
      %jit3A_441 = arith.constant 0.000000e+00 : f32
      %broadcast_in_dim3A_442 = vector.broadcast %jit3A_441 : f32 to vector<32x1xf32>
      %select_n3A_443 = arith.select %and3A_440, %get3A_13, %broadcast_in_dim3A_442 : vector<32x1xi1>, vector<32x1xf32>
      %jit3A_444 = arith.constant 128 : i32
      %eq3A_445 = arith.constant 0 : i32
      %eq3A_446 = arith.cmpi eq, %jit3A_444, %eq3A_445 : i32
      %jit3A_447 = arith.constant 1 : i32
      %select_n3A_448 = arith.select %eq3A_446, %jit3A_447, %jit3A_444 : i32
      %rem3A_449 = arith.remsi %get3A_400, %select_n3A_448 : i32
      %ne3A_450 = arith.constant 0 : i32
      %ne3A_451 = arith.cmpi ne, %rem3A_449, %ne3A_450 : i32
      %lt3A_452 = arith.constant 0 : i32
      %lt3A_453 = arith.cmpi slt, %rem3A_449, %lt3A_452 : i32
      %lt3A_454 = arith.constant 0 : i32
      %lt3A_455 = arith.cmpi slt, %select_n3A_448, %lt3A_454 : i32
      %ne3A_456 = arith.xori %lt3A_453, %lt3A_455 : i1
      %and3A_457 = arith.andi %ne3A_456, %ne3A_451 : i1
      %add3A_458 = arith.addi %rem3A_449, %select_n3A_448 : i32
      %select_n3A_459 = arith.select %and3A_457, %add3A_458, %rem3A_449 : i32
      %eq3A_460 = vector.broadcast %select_n3A_459 : i32 to vector<32x128xi32>
      %eq3A_461 = arith.cmpi eq, %iota3A, %eq3A_460 : vector<32x128xi32>
      %mul3A_462 = vector.broadcast %select_n3A_443 : vector<32x1xf32> to vector<32x128xf32>
      %mul3A_463 = arith.mulf %get3A_434, %mul3A_462 : vector<32x128xf32>
      %jit3A_464 = arith.constant 0.000000e+00 : f32
      %broadcast_in_dim3A_465 = vector.broadcast %jit3A_464 : f32 to vector<32x128xf32>
      %select_n3A_466 = arith.select %eq3A_461, %mul3A_463, %broadcast_in_dim3A_465 : vector<32x128xi1>, vector<32x128xf32>
      %add3A_467 = arith.addf %add3A_389, %select_n3A_466 : vector<32x128xf32>
      %mul3A_468 = arith.constant 16 : i32
      %mul3A_469 = arith.muli %while3A_79, %mul3A_468 : i32
      %add3A_470 = arith.constant 5 : i32
      %add3A_471 = arith.addi %mul3A_469, %add3A_470 : i32
      %sub3A_472 = arith.constant 1 : i32
      %sub3A_473 = arith.subi %get3A_20, %sub3A_472 : i32
      %min3A_474 = arith.minsi %add3A_471, %sub3A_473 : i32
      %get3A_475 = arith.constant 0 : index
      %get3A_476 = arith.constant 0 : index
      %get3A_477 = arith.index_cast %min3A_474 : i32 to index
      %get3A_478 = memref.load %arg2[%get3A_475, %get3A_476, %get3A_477] : memref<1x1x1024xi32, #tpu.memory_space<smem>>
      %get3A_479 = arith.constant 0 : index
      %get3A_480 = arith.constant 0 : index
      %get3A_481 = arith.index_cast %min3A_474 : i32 to index
      %get3A_482 = memref.load %arg3[%get3A_479, %get3A_480, %get3A_481] : memref<1x1x1024xi32, #tpu.memory_space<smem>>
      %jit3A_483 = arith.constant 128 : i32
      %div3A_484 = arith.divsi %get3A_478, %jit3A_483 : i32
      %sign3A_485 = arith.constant 0 : i32
      %sign3A_486 = arith.cmpi sgt, %get3A_478, %sign3A_485 : i32
      %sign3A_487 = arith.extui %sign3A_486 : i1 to i32
      %sign3A_488 = arith.constant 0 : i32
      %sign3A_489 = arith.cmpi slt, %get3A_478, %sign3A_488 : i32
      %sign3A_490 = arith.extui %sign3A_489 : i1 to i32
      %sign3A_491 = arith.subi %sign3A_487, %sign3A_490 : i32
      %sign3A_492 = arith.constant 0 : i32
      %sign3A_493 = arith.cmpi sgt, %jit3A_483, %sign3A_492 : i32
      %sign3A_494 = arith.extui %sign3A_493 : i1 to i32
      %sign3A_495 = arith.constant 0 : i32
      %sign3A_496 = arith.cmpi slt, %jit3A_483, %sign3A_495 : i32
      %sign3A_497 = arith.extui %sign3A_496 : i1 to i32
      %sign3A_498 = arith.subi %sign3A_494, %sign3A_497 : i32
      %ne3A_499 = arith.cmpi ne, %sign3A_491, %sign3A_498 : i32
      %rem3A_500 = arith.remsi %get3A_478, %jit3A_483 : i32
      %ne3A_501 = arith.constant 0 : i32
      %ne3A_502 = arith.cmpi ne, %rem3A_500, %ne3A_501 : i32
      %and3A_503 = arith.andi %ne3A_499, %ne3A_502 : i1
      %sub3A_504 = arith.constant 1 : i32
      %sub3A_505 = arith.subi %div3A_484, %sub3A_504 : i32
      %select_n3A_506 = arith.select %and3A_503, %sub3A_505, %div3A_484 : i32
      %mul3A_507 = arith.constant 128 : i32
      %mul3A_508 = arith.muli %select_n3A_506, %mul3A_507 : i32
      %multiple_of3A_509 = tpu.assume_multiple %mul3A_508, 128 : i32
      %get3A_510 = arith.constant 0 : index
      %get3A_511 = arith.index_cast %multiple_of3A_509 : i32 to index
      %get3A_512 = vector.load %arg6[%get3A_510, %get3A_511] : memref<32x100000xf32, #tpu.memory_space<vmem>>, vector<32x128xf32>
      %eq3A_513 = vector.broadcast %get3A_482 : i32 to vector<32x1xi32>
      %eq3A_514 = arith.cmpi eq, %get3A_10, %eq3A_513 : vector<32x1xi32>
      %and3A_515 = arith.andi %eq3A_514, %and3A_46 : vector<32x1xi1>
      %lt3A_516 = arith.cmpi slt, %add3A_471, %get3A_20 : i32
      %and3A_517 = vector.broadcast %lt3A_516 : i1 to vector<32x1xi1>
      %and3A_518 = arith.andi %and3A_515, %and3A_517 : vector<32x1xi1>
      %jit3A_519 = arith.constant 0.000000e+00 : f32
      %broadcast_in_dim3A_520 = vector.broadcast %jit3A_519 : f32 to vector<32x1xf32>
      %select_n3A_521 = arith.select %and3A_518, %get3A_13, %broadcast_in_dim3A_520 : vector<32x1xi1>, vector<32x1xf32>
      %jit3A_522 = arith.constant 128 : i32
      %eq3A_523 = arith.constant 0 : i32
      %eq3A_524 = arith.cmpi eq, %jit3A_522, %eq3A_523 : i32
      %jit3A_525 = arith.constant 1 : i32
      %select_n3A_526 = arith.select %eq3A_524, %jit3A_525, %jit3A_522 : i32
      %rem3A_527 = arith.remsi %get3A_478, %select_n3A_526 : i32
      %ne3A_528 = arith.constant 0 : i32
      %ne3A_529 = arith.cmpi ne, %rem3A_527, %ne3A_528 : i32
      %lt3A_530 = arith.constant 0 : i32
      %lt3A_531 = arith.cmpi slt, %rem3A_527, %lt3A_530 : i32
      %lt3A_532 = arith.constant 0 : i32
      %lt3A_533 = arith.cmpi slt, %select_n3A_526, %lt3A_532 : i32
      %ne3A_534 = arith.xori %lt3A_531, %lt3A_533 : i1
      %and3A_535 = arith.andi %ne3A_534, %ne3A_529 : i1
      %add3A_536 = arith.addi %rem3A_527, %select_n3A_526 : i32
      %select_n3A_537 = arith.select %and3A_535, %add3A_536, %rem3A_527 : i32
      %eq3A_538 = vector.broadcast %select_n3A_537 : i32 to vector<32x128xi32>
      %eq3A_539 = arith.cmpi eq, %iota3A, %eq3A_538 : vector<32x128xi32>
      %mul3A_540 = vector.broadcast %select_n3A_521 : vector<32x1xf32> to vector<32x128xf32>
      %mul3A_541 = arith.mulf %get3A_512, %mul3A_540 : vector<32x128xf32>
      %jit3A_542 = arith.constant 0.000000e+00 : f32
      %broadcast_in_dim3A_543 = vector.broadcast %jit3A_542 : f32 to vector<32x128xf32>
      %select_n3A_544 = arith.select %eq3A_539, %mul3A_541, %broadcast_in_dim3A_543 : vector<32x128xi1>, vector<32x128xf32>
      %add3A_545 = arith.addf %add3A_467, %select_n3A_544 : vector<32x128xf32>
      %mul3A_546 = arith.constant 16 : i32
      %mul3A_547 = arith.muli %while3A_79, %mul3A_546 : i32
      %add3A_548 = arith.constant 6 : i32
      %add3A_549 = arith.addi %mul3A_547, %add3A_548 : i32
      %sub3A_550 = arith.constant 1 : i32
      %sub3A_551 = arith.subi %get3A_20, %sub3A_550 : i32
      %min3A_552 = arith.minsi %add3A_549, %sub3A_551 : i32
      %get3A_553 = arith.constant 0 : index
      %get3A_554 = arith.constant 0 : index
      %get3A_555 = arith.index_cast %min3A_552 : i32 to index
      %get3A_556 = memref.load %arg2[%get3A_553, %get3A_554, %get3A_555] : memref<1x1x1024xi32, #tpu.memory_space<smem>>
      %get3A_557 = arith.constant 0 : index
      %get3A_558 = arith.constant 0 : index
      %get3A_559 = arith.index_cast %min3A_552 : i32 to index
      %get3A_560 = memref.load %arg3[%get3A_557, %get3A_558, %get3A_559] : memref<1x1x1024xi32, #tpu.memory_space<smem>>
      %jit3A_561 = arith.constant 128 : i32
      %div3A_562 = arith.divsi %get3A_556, %jit3A_561 : i32
      %sign3A_563 = arith.constant 0 : i32
      %sign3A_564 = arith.cmpi sgt, %get3A_556, %sign3A_563 : i32
      %sign3A_565 = arith.extui %sign3A_564 : i1 to i32
      %sign3A_566 = arith.constant 0 : i32
      %sign3A_567 = arith.cmpi slt, %get3A_556, %sign3A_566 : i32
      %sign3A_568 = arith.extui %sign3A_567 : i1 to i32
      %sign3A_569 = arith.subi %sign3A_565, %sign3A_568 : i32
      %sign3A_570 = arith.constant 0 : i32
      %sign3A_571 = arith.cmpi sgt, %jit3A_561, %sign3A_570 : i32
      %sign3A_572 = arith.extui %sign3A_571 : i1 to i32
      %sign3A_573 = arith.constant 0 : i32
      %sign3A_574 = arith.cmpi slt, %jit3A_561, %sign3A_573 : i32
      %sign3A_575 = arith.extui %sign3A_574 : i1 to i32
      %sign3A_576 = arith.subi %sign3A_572, %sign3A_575 : i32
      %ne3A_577 = arith.cmpi ne, %sign3A_569, %sign3A_576 : i32
      %rem3A_578 = arith.remsi %get3A_556, %jit3A_561 : i32
      %ne3A_579 = arith.constant 0 : i32
      %ne3A_580 = arith.cmpi ne, %rem3A_578, %ne3A_579 : i32
      %and3A_581 = arith.andi %ne3A_577, %ne3A_580 : i1
      %sub3A_582 = arith.constant 1 : i32
      %sub3A_583 = arith.subi %div3A_562, %sub3A_582 : i32
      %select_n3A_584 = arith.select %and3A_581, %sub3A_583, %div3A_562 : i32
      %mul3A_585 = arith.constant 128 : i32
      %mul3A_586 = arith.muli %select_n3A_584, %mul3A_585 : i32
      %multiple_of3A_587 = tpu.assume_multiple %mul3A_586, 128 : i32
      %get3A_588 = arith.constant 0 : index
      %get3A_589 = arith.index_cast %multiple_of3A_587 : i32 to index
      %get3A_590 = vector.load %arg6[%get3A_588, %get3A_589] : memref<32x100000xf32, #tpu.memory_space<vmem>>, vector<32x128xf32>
      %eq3A_591 = vector.broadcast %get3A_560 : i32 to vector<32x1xi32>
      %eq3A_592 = arith.cmpi eq, %get3A_10, %eq3A_591 : vector<32x1xi32>
      %and3A_593 = arith.andi %eq3A_592, %and3A_46 : vector<32x1xi1>
      %lt3A_594 = arith.cmpi slt, %add3A_549, %get3A_20 : i32
      %and3A_595 = vector.broadcast %lt3A_594 : i1 to vector<32x1xi1>
      %and3A_596 = arith.andi %and3A_593, %and3A_595 : vector<32x1xi1>
      %jit3A_597 = arith.constant 0.000000e+00 : f32
      %broadcast_in_dim3A_598 = vector.broadcast %jit3A_597 : f32 to vector<32x1xf32>
      %select_n3A_599 = arith.select %and3A_596, %get3A_13, %broadcast_in_dim3A_598 : vector<32x1xi1>, vector<32x1xf32>
      %jit3A_600 = arith.constant 128 : i32
      %eq3A_601 = arith.constant 0 : i32
      %eq3A_602 = arith.cmpi eq, %jit3A_600, %eq3A_601 : i32
      %jit3A_603 = arith.constant 1 : i32
      %select_n3A_604 = arith.select %eq3A_602, %jit3A_603, %jit3A_600 : i32
      %rem3A_605 = arith.remsi %get3A_556, %select_n3A_604 : i32
      %ne3A_606 = arith.constant 0 : i32
      %ne3A_607 = arith.cmpi ne, %rem3A_605, %ne3A_606 : i32
      %lt3A_608 = arith.constant 0 : i32
      %lt3A_609 = arith.cmpi slt, %rem3A_605, %lt3A_608 : i32
      %lt3A_610 = arith.constant 0 : i32
      %lt3A_611 = arith.cmpi slt, %select_n3A_604, %lt3A_610 : i32
      %ne3A_612 = arith.xori %lt3A_609, %lt3A_611 : i1
      %and3A_613 = arith.andi %ne3A_612, %ne3A_607 : i1
      %add3A_614 = arith.addi %rem3A_605, %select_n3A_604 : i32
      %select_n3A_615 = arith.select %and3A_613, %add3A_614, %rem3A_605 : i32
      %eq3A_616 = vector.broadcast %select_n3A_615 : i32 to vector<32x128xi32>
      %eq3A_617 = arith.cmpi eq, %iota3A, %eq3A_616 : vector<32x128xi32>
      %mul3A_618 = vector.broadcast %select_n3A_599 : vector<32x1xf32> to vector<32x128xf32>
      %mul3A_619 = arith.mulf %get3A_590, %mul3A_618 : vector<32x128xf32>
      %jit3A_620 = arith.constant 0.000000e+00 : f32
      %broadcast_in_dim3A_621 = vector.broadcast %jit3A_620 : f32 to vector<32x128xf32>
      %select_n3A_622 = arith.select %eq3A_617, %mul3A_619, %broadcast_in_dim3A_621 : vector<32x128xi1>, vector<32x128xf32>
      %add3A_623 = arith.addf %add3A_545, %select_n3A_622 : vector<32x128xf32>
      %mul3A_624 = arith.constant 16 : i32
      %mul3A_625 = arith.muli %while3A_79, %mul3A_624 : i32
      %add3A_626 = arith.constant 7 : i32
      %add3A_627 = arith.addi %mul3A_625, %add3A_626 : i32
      %sub3A_628 = arith.constant 1 : i32
      %sub3A_629 = arith.subi %get3A_20, %sub3A_628 : i32
      %min3A_630 = arith.minsi %add3A_627, %sub3A_629 : i32
      %get3A_631 = arith.constant 0 : index
      %get3A_632 = arith.constant 0 : index
      %get3A_633 = arith.index_cast %min3A_630 : i32 to index
      %get3A_634 = memref.load %arg2[%get3A_631, %get3A_632, %get3A_633] : memref<1x1x1024xi32, #tpu.memory_space<smem>>
      %get3A_635 = arith.constant 0 : index
      %get3A_636 = arith.constant 0 : index
      %get3A_637 = arith.index_cast %min3A_630 : i32 to index
      %get3A_638 = memref.load %arg3[%get3A_635, %get3A_636, %get3A_637] : memref<1x1x1024xi32, #tpu.memory_space<smem>>
      %jit3A_639 = arith.constant 128 : i32
      %div3A_640 = arith.divsi %get3A_634, %jit3A_639 : i32
      %sign3A_641 = arith.constant 0 : i32
      %sign3A_642 = arith.cmpi sgt, %get3A_634, %sign3A_641 : i32
      %sign3A_643 = arith.extui %sign3A_642 : i1 to i32
      %sign3A_644 = arith.constant 0 : i32
      %sign3A_645 = arith.cmpi slt, %get3A_634, %sign3A_644 : i32
      %sign3A_646 = arith.extui %sign3A_645 : i1 to i32
      %sign3A_647 = arith.subi %sign3A_643, %sign3A_646 : i32
      %sign3A_648 = arith.constant 0 : i32
      %sign3A_649 = arith.cmpi sgt, %jit3A_639, %sign3A_648 : i32
      %sign3A_650 = arith.extui %sign3A_649 : i1 to i32
      %sign3A_651 = arith.constant 0 : i32
      %sign3A_652 = arith.cmpi slt, %jit3A_639, %sign3A_651 : i32
      %sign3A_653 = arith.extui %sign3A_652 : i1 to i32
      %sign3A_654 = arith.subi %sign3A_650, %sign3A_653 : i32
      %ne3A_655 = arith.cmpi ne, %sign3A_647, %sign3A_654 : i32
      %rem3A_656 = arith.remsi %get3A_634, %jit3A_639 : i32
      %ne3A_657 = arith.constant 0 : i32
      %ne3A_658 = arith.cmpi ne, %rem3A_656, %ne3A_657 : i32
      %and3A_659 = arith.andi %ne3A_655, %ne3A_658 : i1
      %sub3A_660 = arith.constant 1 : i32
      %sub3A_661 = arith.subi %div3A_640, %sub3A_660 : i32
      %select_n3A_662 = arith.select %and3A_659, %sub3A_661, %div3A_640 : i32
      %mul3A_663 = arith.constant 128 : i32
      %mul3A_664 = arith.muli %select_n3A_662, %mul3A_663 : i32
      %multiple_of3A_665 = tpu.assume_multiple %mul3A_664, 128 : i32
      %get3A_666 = arith.constant 0 : index
      %get3A_667 = arith.index_cast %multiple_of3A_665 : i32 to index
      %get3A_668 = vector.load %arg6[%get3A_666, %get3A_667] : memref<32x100000xf32, #tpu.memory_space<vmem>>, vector<32x128xf32>
      %eq3A_669 = vector.broadcast %get3A_638 : i32 to vector<32x1xi32>
      %eq3A_670 = arith.cmpi eq, %get3A_10, %eq3A_669 : vector<32x1xi32>
      %and3A_671 = arith.andi %eq3A_670, %and3A_46 : vector<32x1xi1>
      %lt3A_672 = arith.cmpi slt, %add3A_627, %get3A_20 : i32
      %and3A_673 = vector.broadcast %lt3A_672 : i1 to vector<32x1xi1>
      %and3A_674 = arith.andi %and3A_671, %and3A_673 : vector<32x1xi1>
      %jit3A_675 = arith.constant 0.000000e+00 : f32
      %broadcast_in_dim3A_676 = vector.broadcast %jit3A_675 : f32 to vector<32x1xf32>
      %select_n3A_677 = arith.select %and3A_674, %get3A_13, %broadcast_in_dim3A_676 : vector<32x1xi1>, vector<32x1xf32>
      %jit3A_678 = arith.constant 128 : i32
      %eq3A_679 = arith.constant 0 : i32
      %eq3A_680 = arith.cmpi eq, %jit3A_678, %eq3A_679 : i32
      %jit3A_681 = arith.constant 1 : i32
      %select_n3A_682 = arith.select %eq3A_680, %jit3A_681, %jit3A_678 : i32
      %rem3A_683 = arith.remsi %get3A_634, %select_n3A_682 : i32
      %ne3A_684 = arith.constant 0 : i32
      %ne3A_685 = arith.cmpi ne, %rem3A_683, %ne3A_684 : i32
      %lt3A_686 = arith.constant 0 : i32
      %lt3A_687 = arith.cmpi slt, %rem3A_683, %lt3A_686 : i32
      %lt3A_688 = arith.constant 0 : i32
      %lt3A_689 = arith.cmpi slt, %select_n3A_682, %lt3A_688 : i32
      %ne3A_690 = arith.xori %lt3A_687, %lt3A_689 : i1
      %and3A_691 = arith.andi %ne3A_690, %ne3A_685 : i1
      %add3A_692 = arith.addi %rem3A_683, %select_n3A_682 : i32
      %select_n3A_693 = arith.select %and3A_691, %add3A_692, %rem3A_683 : i32
      %eq3A_694 = vector.broadcast %select_n3A_693 : i32 to vector<32x128xi32>
      %eq3A_695 = arith.cmpi eq, %iota3A, %eq3A_694 : vector<32x128xi32>
      %mul3A_696 = vector.broadcast %select_n3A_677 : vector<32x1xf32> to vector<32x128xf32>
      %mul3A_697 = arith.mulf %get3A_668, %mul3A_696 : vector<32x128xf32>
      %jit3A_698 = arith.constant 0.000000e+00 : f32
      %broadcast_in_dim3A_699 = vector.broadcast %jit3A_698 : f32 to vector<32x128xf32>
      %select_n3A_700 = arith.select %eq3A_695, %mul3A_697, %broadcast_in_dim3A_699 : vector<32x128xi1>, vector<32x128xf32>
      %add3A_701 = arith.addf %add3A_623, %select_n3A_700 : vector<32x128xf32>
      %mul3A_702 = arith.constant 16 : i32
      %mul3A_703 = arith.muli %while3A_79, %mul3A_702 : i32
      %add3A_704 = arith.constant 8 : i32
      %add3A_705 = arith.addi %mul3A_703, %add3A_704 : i32
      %sub3A_706 = arith.constant 1 : i32
      %sub3A_707 = arith.subi %get3A_20, %sub3A_706 : i32
      %min3A_708 = arith.minsi %add3A_705, %sub3A_707 : i32
      %get3A_709 = arith.constant 0 : index
      %get3A_710 = arith.constant 0 : index
      %get3A_711 = arith.index_cast %min3A_708 : i32 to index
      %get3A_712 = memref.load %arg2[%get3A_709, %get3A_710, %get3A_711] : memref<1x1x1024xi32, #tpu.memory_space<smem>>
      %get3A_713 = arith.constant 0 : index
      %get3A_714 = arith.constant 0 : index
      %get3A_715 = arith.index_cast %min3A_708 : i32 to index
      %get3A_716 = memref.load %arg3[%get3A_713, %get3A_714, %get3A_715] : memref<1x1x1024xi32, #tpu.memory_space<smem>>
      %jit3A_717 = arith.constant 128 : i32
      %div3A_718 = arith.divsi %get3A_712, %jit3A_717 : i32
      %sign3A_719 = arith.constant 0 : i32
      %sign3A_720 = arith.cmpi sgt, %get3A_712, %sign3A_719 : i32
      %sign3A_721 = arith.extui %sign3A_720 : i1 to i32
      %sign3A_722 = arith.constant 0 : i32
      %sign3A_723 = arith.cmpi slt, %get3A_712, %sign3A_722 : i32
      %sign3A_724 = arith.extui %sign3A_723 : i1 to i32
      %sign3A_725 = arith.subi %sign3A_721, %sign3A_724 : i32
      %sign3A_726 = arith.constant 0 : i32
      %sign3A_727 = arith.cmpi sgt, %jit3A_717, %sign3A_726 : i32
      %sign3A_728 = arith.extui %sign3A_727 : i1 to i32
      %sign3A_729 = arith.constant 0 : i32
      %sign3A_730 = arith.cmpi slt, %jit3A_717, %sign3A_729 : i32
      %sign3A_731 = arith.extui %sign3A_730 : i1 to i32
      %sign3A_732 = arith.subi %sign3A_728, %sign3A_731 : i32
      %ne3A_733 = arith.cmpi ne, %sign3A_725, %sign3A_732 : i32
      %rem3A_734 = arith.remsi %get3A_712, %jit3A_717 : i32
      %ne3A_735 = arith.constant 0 : i32
      %ne3A_736 = arith.cmpi ne, %rem3A_734, %ne3A_735 : i32
      %and3A_737 = arith.andi %ne3A_733, %ne3A_736 : i1
      %sub3A_738 = arith.constant 1 : i32
      %sub3A_739 = arith.subi %div3A_718, %sub3A_738 : i32
      %select_n3A_740 = arith.select %and3A_737, %sub3A_739, %div3A_718 : i32
      %mul3A_741 = arith.constant 128 : i32
      %mul3A_742 = arith.muli %select_n3A_740, %mul3A_741 : i32
      %multiple_of3A_743 = tpu.assume_multiple %mul3A_742, 128 : i32
      %get3A_744 = arith.constant 0 : index
      %get3A_745 = arith.index_cast %multiple_of3A_743 : i32 to index
      %get3A_746 = vector.load %arg6[%get3A_744, %get3A_745] : memref<32x100000xf32, #tpu.memory_space<vmem>>, vector<32x128xf32>
      %eq3A_747 = vector.broadcast %get3A_716 : i32 to vector<32x1xi32>
      %eq3A_748 = arith.cmpi eq, %get3A_10, %eq3A_747 : vector<32x1xi32>
      %and3A_749 = arith.andi %eq3A_748, %and3A_46 : vector<32x1xi1>
      %lt3A_750 = arith.cmpi slt, %add3A_705, %get3A_20 : i32
      %and3A_751 = vector.broadcast %lt3A_750 : i1 to vector<32x1xi1>
      %and3A_752 = arith.andi %and3A_749, %and3A_751 : vector<32x1xi1>
      %jit3A_753 = arith.constant 0.000000e+00 : f32
      %broadcast_in_dim3A_754 = vector.broadcast %jit3A_753 : f32 to vector<32x1xf32>
      %select_n3A_755 = arith.select %and3A_752, %get3A_13, %broadcast_in_dim3A_754 : vector<32x1xi1>, vector<32x1xf32>
      %jit3A_756 = arith.constant 128 : i32
      %eq3A_757 = arith.constant 0 : i32
      %eq3A_758 = arith.cmpi eq, %jit3A_756, %eq3A_757 : i32
      %jit3A_759 = arith.constant 1 : i32
      %select_n3A_760 = arith.select %eq3A_758, %jit3A_759, %jit3A_756 : i32
      %rem3A_761 = arith.remsi %get3A_712, %select_n3A_760 : i32
      %ne3A_762 = arith.constant 0 : i32
      %ne3A_763 = arith.cmpi ne, %rem3A_761, %ne3A_762 : i32
      %lt3A_764 = arith.constant 0 : i32
      %lt3A_765 = arith.cmpi slt, %rem3A_761, %lt3A_764 : i32
      %lt3A_766 = arith.constant 0 : i32
      %lt3A_767 = arith.cmpi slt, %select_n3A_760, %lt3A_766 : i32
      %ne3A_768 = arith.xori %lt3A_765, %lt3A_767 : i1
      %and3A_769 = arith.andi %ne3A_768, %ne3A_763 : i1
      %add3A_770 = arith.addi %rem3A_761, %select_n3A_760 : i32
      %select_n3A_771 = arith.select %and3A_769, %add3A_770, %rem3A_761 : i32
      %eq3A_772 = vector.broadcast %select_n3A_771 : i32 to vector<32x128xi32>
      %eq3A_773 = arith.cmpi eq, %iota3A, %eq3A_772 : vector<32x128xi32>
      %mul3A_774 = vector.broadcast %select_n3A_755 : vector<32x1xf32> to vector<32x128xf32>
      %mul3A_775 = arith.mulf %get3A_746, %mul3A_774 : vector<32x128xf32>
      %jit3A_776 = arith.constant 0.000000e+00 : f32
      %broadcast_in_dim3A_777 = vector.broadcast %jit3A_776 : f32 to vector<32x128xf32>
      %select_n3A_778 = arith.select %eq3A_773, %mul3A_775, %broadcast_in_dim3A_777 : vector<32x128xi1>, vector<32x128xf32>
      %add3A_779 = arith.addf %add3A_701, %select_n3A_778 : vector<32x128xf32>
      %mul3A_780 = arith.constant 16 : i32
      %mul3A_781 = arith.muli %while3A_79, %mul3A_780 : i32
      %add3A_782 = arith.constant 9 : i32
      %add3A_783 = arith.addi %mul3A_781, %add3A_782 : i32
      %sub3A_784 = arith.constant 1 : i32
      %sub3A_785 = arith.subi %get3A_20, %sub3A_784 : i32
      %min3A_786 = arith.minsi %add3A_783, %sub3A_785 : i32
      %get3A_787 = arith.constant 0 : index
      %get3A_788 = arith.constant 0 : index
      %get3A_789 = arith.index_cast %min3A_786 : i32 to index
      %get3A_790 = memref.load %arg2[%get3A_787, %get3A_788, %get3A_789] : memref<1x1x1024xi32, #tpu.memory_space<smem>>
      %get3A_791 = arith.constant 0 : index
      %get3A_792 = arith.constant 0 : index
      %get3A_793 = arith.index_cast %min3A_786 : i32 to index
      %get3A_794 = memref.load %arg3[%get3A_791, %get3A_792, %get3A_793] : memref<1x1x1024xi32, #tpu.memory_space<smem>>
      %jit3A_795 = arith.constant 128 : i32
      %div3A_796 = arith.divsi %get3A_790, %jit3A_795 : i32
      %sign3A_797 = arith.constant 0 : i32
      %sign3A_798 = arith.cmpi sgt, %get3A_790, %sign3A_797 : i32
      %sign3A_799 = arith.extui %sign3A_798 : i1 to i32
      %sign3A_800 = arith.constant 0 : i32
      %sign3A_801 = arith.cmpi slt, %get3A_790, %sign3A_800 : i32
      %sign3A_802 = arith.extui %sign3A_801 : i1 to i32
      %sign3A_803 = arith.subi %sign3A_799, %sign3A_802 : i32
      %sign3A_804 = arith.constant 0 : i32
      %sign3A_805 = arith.cmpi sgt, %jit3A_795, %sign3A_804 : i32
      %sign3A_806 = arith.extui %sign3A_805 : i1 to i32
      %sign3A_807 = arith.constant 0 : i32
      %sign3A_808 = arith.cmpi slt, %jit3A_795, %sign3A_807 : i32
      %sign3A_809 = arith.extui %sign3A_808 : i1 to i32
      %sign3A_810 = arith.subi %sign3A_806, %sign3A_809 : i32
      %ne3A_811 = arith.cmpi ne, %sign3A_803, %sign3A_810 : i32
      %rem3A_812 = arith.remsi %get3A_790, %jit3A_795 : i32
      %ne3A_813 = arith.constant 0 : i32
      %ne3A_814 = arith.cmpi ne, %rem3A_812, %ne3A_813 : i32
      %and3A_815 = arith.andi %ne3A_811, %ne3A_814 : i1
      %sub3A_816 = arith.constant 1 : i32
      %sub3A_817 = arith.subi %div3A_796, %sub3A_816 : i32
      %select_n3A_818 = arith.select %and3A_815, %sub3A_817, %div3A_796 : i32
      %mul3A_819 = arith.constant 128 : i32
      %mul3A_820 = arith.muli %select_n3A_818, %mul3A_819 : i32
      %multiple_of3A_821 = tpu.assume_multiple %mul3A_820, 128 : i32
      %get3A_822 = arith.constant 0 : index
      %get3A_823 = arith.index_cast %multiple_of3A_821 : i32 to index
      %get3A_824 = vector.load %arg6[%get3A_822, %get3A_823] : memref<32x100000xf32, #tpu.memory_space<vmem>>, vector<32x128xf32>
      %eq3A_825 = vector.broadcast %get3A_794 : i32 to vector<32x1xi32>
      %eq3A_826 = arith.cmpi eq, %get3A_10, %eq3A_825 : vector<32x1xi32>
      %and3A_827 = arith.andi %eq3A_826, %and3A_46 : vector<32x1xi1>
      %lt3A_828 = arith.cmpi slt, %add3A_783, %get3A_20 : i32
      %and3A_829 = vector.broadcast %lt3A_828 : i1 to vector<32x1xi1>
      %and3A_830 = arith.andi %and3A_827, %and3A_829 : vector<32x1xi1>
      %jit3A_831 = arith.constant 0.000000e+00 : f32
      %broadcast_in_dim3A_832 = vector.broadcast %jit3A_831 : f32 to vector<32x1xf32>
      %select_n3A_833 = arith.select %and3A_830, %get3A_13, %broadcast_in_dim3A_832 : vector<32x1xi1>, vector<32x1xf32>
      %jit3A_834 = arith.constant 128 : i32
      %eq3A_835 = arith.constant 0 : i32
      %eq3A_836 = arith.cmpi eq, %jit3A_834, %eq3A_835 : i32
      %jit3A_837 = arith.constant 1 : i32
      %select_n3A_838 = arith.select %eq3A_836, %jit3A_837, %jit3A_834 : i32
      %rem3A_839 = arith.remsi %get3A_790, %select_n3A_838 : i32
      %ne3A_840 = arith.constant 0 : i32
      %ne3A_841 = arith.cmpi ne, %rem3A_839, %ne3A_840 : i32
      %lt3A_842 = arith.constant 0 : i32
      %lt3A_843 = arith.cmpi slt, %rem3A_839, %lt3A_842 : i32
      %lt3A_844 = arith.constant 0 : i32
      %lt3A_845 = arith.cmpi slt, %select_n3A_838, %lt3A_844 : i32
      %ne3A_846 = arith.xori %lt3A_843, %lt3A_845 : i1
      %and3A_847 = arith.andi %ne3A_846, %ne3A_841 : i1
      %add3A_848 = arith.addi %rem3A_839, %select_n3A_838 : i32
      %select_n3A_849 = arith.select %and3A_847, %add3A_848, %rem3A_839 : i32
      %eq3A_850 = vector.broadcast %select_n3A_849 : i32 to vector<32x128xi32>
      %eq3A_851 = arith.cmpi eq, %iota3A, %eq3A_850 : vector<32x128xi32>
      %mul3A_852 = vector.broadcast %select_n3A_833 : vector<32x1xf32> to vector<32x128xf32>
      %mul3A_853 = arith.mulf %get3A_824, %mul3A_852 : vector<32x128xf32>
      %jit3A_854 = arith.constant 0.000000e+00 : f32
      %broadcast_in_dim3A_855 = vector.broadcast %jit3A_854 : f32 to vector<32x128xf32>
      %select_n3A_856 = arith.select %eq3A_851, %mul3A_853, %broadcast_in_dim3A_855 : vector<32x128xi1>, vector<32x128xf32>
      %add3A_857 = arith.addf %add3A_779, %select_n3A_856 : vector<32x128xf32>
      %mul3A_858 = arith.constant 16 : i32
      %mul3A_859 = arith.muli %while3A_79, %mul3A_858 : i32
      %add3A_860 = arith.constant 10 : i32
      %add3A_861 = arith.addi %mul3A_859, %add3A_860 : i32
      %sub3A_862 = arith.constant 1 : i32
      %sub3A_863 = arith.subi %get3A_20, %sub3A_862 : i32
      %min3A_864 = arith.minsi %add3A_861, %sub3A_863 : i32
      %get3A_865 = arith.constant 0 : index
      %get3A_866 = arith.constant 0 : index
      %get3A_867 = arith.index_cast %min3A_864 : i32 to index
      %get3A_868 = memref.load %arg2[%get3A_865, %get3A_866, %get3A_867] : memref<1x1x1024xi32, #tpu.memory_space<smem>>
      %get3A_869 = arith.constant 0 : index
      %get3A_870 = arith.constant 0 : index
      %get3A_871 = arith.index_cast %min3A_864 : i32 to index
      %get3A_872 = memref.load %arg3[%get3A_869, %get3A_870, %get3A_871] : memref<1x1x1024xi32, #tpu.memory_space<smem>>
      %jit3A_873 = arith.constant 128 : i32
      %div3A_874 = arith.divsi %get3A_868, %jit3A_873 : i32
      %sign3A_875 = arith.constant 0 : i32
      %sign3A_876 = arith.cmpi sgt, %get3A_868, %sign3A_875 : i32
      %sign3A_877 = arith.extui %sign3A_876 : i1 to i32
      %sign3A_878 = arith.constant 0 : i32
      %sign3A_879 = arith.cmpi slt, %get3A_868, %sign3A_878 : i32
      %sign3A_880 = arith.extui %sign3A_879 : i1 to i32
      %sign3A_881 = arith.subi %sign3A_877, %sign3A_880 : i32
      %sign3A_882 = arith.constant 0 : i32
      %sign3A_883 = arith.cmpi sgt, %jit3A_873, %sign3A_882 : i32
      %sign3A_884 = arith.extui %sign3A_883 : i1 to i32
      %sign3A_885 = arith.constant 0 : i32
      %sign3A_886 = arith.cmpi slt, %jit3A_873, %sign3A_885 : i32
      %sign3A_887 = arith.extui %sign3A_886 : i1 to i32
      %sign3A_888 = arith.subi %sign3A_884, %sign3A_887 : i32
      %ne3A_889 = arith.cmpi ne, %sign3A_881, %sign3A_888 : i32
      %rem3A_890 = arith.remsi %get3A_868, %jit3A_873 : i32
      %ne3A_891 = arith.constant 0 : i32
      %ne3A_892 = arith.cmpi ne, %rem3A_890, %ne3A_891 : i32
      %and3A_893 = arith.andi %ne3A_889, %ne3A_892 : i1
      %sub3A_894 = arith.constant 1 : i32
      %sub3A_895 = arith.subi %div3A_874, %sub3A_894 : i32
      %select_n3A_896 = arith.select %and3A_893, %sub3A_895, %div3A_874 : i32
      %mul3A_897 = arith.constant 128 : i32
      %mul3A_898 = arith.muli %select_n3A_896, %mul3A_897 : i32
      %multiple_of3A_899 = tpu.assume_multiple %mul3A_898, 128 : i32
      %get3A_900 = arith.constant 0 : index
      %get3A_901 = arith.index_cast %multiple_of3A_899 : i32 to index
      %get3A_902 = vector.load %arg6[%get3A_900, %get3A_901] : memref<32x100000xf32, #tpu.memory_space<vmem>>, vector<32x128xf32>
      %eq3A_903 = vector.broadcast %get3A_872 : i32 to vector<32x1xi32>
      %eq3A_904 = arith.cmpi eq, %get3A_10, %eq3A_903 : vector<32x1xi32>
      %and3A_905 = arith.andi %eq3A_904, %and3A_46 : vector<32x1xi1>
      %lt3A_906 = arith.cmpi slt, %add3A_861, %get3A_20 : i32
      %and3A_907 = vector.broadcast %lt3A_906 : i1 to vector<32x1xi1>
      %and3A_908 = arith.andi %and3A_905, %and3A_907 : vector<32x1xi1>
      %jit3A_909 = arith.constant 0.000000e+00 : f32
      %broadcast_in_dim3A_910 = vector.broadcast %jit3A_909 : f32 to vector<32x1xf32>
      %select_n3A_911 = arith.select %and3A_908, %get3A_13, %broadcast_in_dim3A_910 : vector<32x1xi1>, vector<32x1xf32>
      %jit3A_912 = arith.constant 128 : i32
      %eq3A_913 = arith.constant 0 : i32
      %eq3A_914 = arith.cmpi eq, %jit3A_912, %eq3A_913 : i32
      %jit3A_915 = arith.constant 1 : i32
      %select_n3A_916 = arith.select %eq3A_914, %jit3A_915, %jit3A_912 : i32
      %rem3A_917 = arith.remsi %get3A_868, %select_n3A_916 : i32
      %ne3A_918 = arith.constant 0 : i32
      %ne3A_919 = arith.cmpi ne, %rem3A_917, %ne3A_918 : i32
      %lt3A_920 = arith.constant 0 : i32
      %lt3A_921 = arith.cmpi slt, %rem3A_917, %lt3A_920 : i32
      %lt3A_922 = arith.constant 0 : i32
      %lt3A_923 = arith.cmpi slt, %select_n3A_916, %lt3A_922 : i32
      %ne3A_924 = arith.xori %lt3A_921, %lt3A_923 : i1
      %and3A_925 = arith.andi %ne3A_924, %ne3A_919 : i1
      %add3A_926 = arith.addi %rem3A_917, %select_n3A_916 : i32
      %select_n3A_927 = arith.select %and3A_925, %add3A_926, %rem3A_917 : i32
      %eq3A_928 = vector.broadcast %select_n3A_927 : i32 to vector<32x128xi32>
      %eq3A_929 = arith.cmpi eq, %iota3A, %eq3A_928 : vector<32x128xi32>
      %mul3A_930 = vector.broadcast %select_n3A_911 : vector<32x1xf32> to vector<32x128xf32>
      %mul3A_931 = arith.mulf %get3A_902, %mul3A_930 : vector<32x128xf32>
      %jit3A_932 = arith.constant 0.000000e+00 : f32
      %broadcast_in_dim3A_933 = vector.broadcast %jit3A_932 : f32 to vector<32x128xf32>
      %select_n3A_934 = arith.select %eq3A_929, %mul3A_931, %broadcast_in_dim3A_933 : vector<32x128xi1>, vector<32x128xf32>
      %add3A_935 = arith.addf %add3A_857, %select_n3A_934 : vector<32x128xf32>
      %mul3A_936 = arith.constant 16 : i32
      %mul3A_937 = arith.muli %while3A_79, %mul3A_936 : i32
      %add3A_938 = arith.constant 11 : i32
      %add3A_939 = arith.addi %mul3A_937, %add3A_938 : i32
      %sub3A_940 = arith.constant 1 : i32
      %sub3A_941 = arith.subi %get3A_20, %sub3A_940 : i32
      %min3A_942 = arith.minsi %add3A_939, %sub3A_941 : i32
      %get3A_943 = arith.constant 0 : index
      %get3A_944 = arith.constant 0 : index
      %get3A_945 = arith.index_cast %min3A_942 : i32 to index
      %get3A_946 = memref.load %arg2[%get3A_943, %get3A_944, %get3A_945] : memref<1x1x1024xi32, #tpu.memory_space<smem>>
      %get3A_947 = arith.constant 0 : index
      %get3A_948 = arith.constant 0 : index
      %get3A_949 = arith.index_cast %min3A_942 : i32 to index
      %get3A_950 = memref.load %arg3[%get3A_947, %get3A_948, %get3A_949] : memref<1x1x1024xi32, #tpu.memory_space<smem>>
      %jit3A_951 = arith.constant 128 : i32
      %div3A_952 = arith.divsi %get3A_946, %jit3A_951 : i32
      %sign3A_953 = arith.constant 0 : i32
      %sign3A_954 = arith.cmpi sgt, %get3A_946, %sign3A_953 : i32
      %sign3A_955 = arith.extui %sign3A_954 : i1 to i32
      %sign3A_956 = arith.constant 0 : i32
      %sign3A_957 = arith.cmpi slt, %get3A_946, %sign3A_956 : i32
      %sign3A_958 = arith.extui %sign3A_957 : i1 to i32
      %sign3A_959 = arith.subi %sign3A_955, %sign3A_958 : i32
      %sign3A_960 = arith.constant 0 : i32
      %sign3A_961 = arith.cmpi sgt, %jit3A_951, %sign3A_960 : i32
      %sign3A_962 = arith.extui %sign3A_961 : i1 to i32
      %sign3A_963 = arith.constant 0 : i32
      %sign3A_964 = arith.cmpi slt, %jit3A_951, %sign3A_963 : i32
      %sign3A_965 = arith.extui %sign3A_964 : i1 to i32
      %sign3A_966 = arith.subi %sign3A_962, %sign3A_965 : i32
      %ne3A_967 = arith.cmpi ne, %sign3A_959, %sign3A_966 : i32
      %rem3A_968 = arith.remsi %get3A_946, %jit3A_951 : i32
      %ne3A_969 = arith.constant 0 : i32
      %ne3A_970 = arith.cmpi ne, %rem3A_968, %ne3A_969 : i32
      %and3A_971 = arith.andi %ne3A_967, %ne3A_970 : i1
      %sub3A_972 = arith.constant 1 : i32
      %sub3A_973 = arith.subi %div3A_952, %sub3A_972 : i32
      %select_n3A_974 = arith.select %and3A_971, %sub3A_973, %div3A_952 : i32
      %mul3A_975 = arith.constant 128 : i32
      %mul3A_976 = arith.muli %select_n3A_974, %mul3A_975 : i32
      %multiple_of3A_977 = tpu.assume_multiple %mul3A_976, 128 : i32
      %get3A_978 = arith.constant 0 : index
      %get3A_979 = arith.index_cast %multiple_of3A_977 : i32 to index
      %get3A_980 = vector.load %arg6[%get3A_978, %get3A_979] : memref<32x100000xf32, #tpu.memory_space<vmem>>, vector<32x128xf32>
      %eq3A_981 = vector.broadcast %get3A_950 : i32 to vector<32x1xi32>
      %eq3A_982 = arith.cmpi eq, %get3A_10, %eq3A_981 : vector<32x1xi32>
      %and3A_983 = arith.andi %eq3A_982, %and3A_46 : vector<32x1xi1>
      %lt3A_984 = arith.cmpi slt, %add3A_939, %get3A_20 : i32
      %and3A_985 = vector.broadcast %lt3A_984 : i1 to vector<32x1xi1>
      %and3A_986 = arith.andi %and3A_983, %and3A_985 : vector<32x1xi1>
      %jit3A_987 = arith.constant 0.000000e+00 : f32
      %broadcast_in_dim3A_988 = vector.broadcast %jit3A_987 : f32 to vector<32x1xf32>
      %select_n3A_989 = arith.select %and3A_986, %get3A_13, %broadcast_in_dim3A_988 : vector<32x1xi1>, vector<32x1xf32>
      %jit3A_990 = arith.constant 128 : i32
      %eq3A_991 = arith.constant 0 : i32
      %eq3A_992 = arith.cmpi eq, %jit3A_990, %eq3A_991 : i32
      %jit3A_993 = arith.constant 1 : i32
      %select_n3A_994 = arith.select %eq3A_992, %jit3A_993, %jit3A_990 : i32
      %rem3A_995 = arith.remsi %get3A_946, %select_n3A_994 : i32
      %ne3A_996 = arith.constant 0 : i32
      %ne3A_997 = arith.cmpi ne, %rem3A_995, %ne3A_996 : i32
      %lt3A_998 = arith.constant 0 : i32
      %lt3A_999 = arith.cmpi slt, %rem3A_995, %lt3A_998 : i32
      %lt3A_1000 = arith.constant 0 : i32
      %lt3A_1001 = arith.cmpi slt, %select_n3A_994, %lt3A_1000 : i32
      %ne3A_1002 = arith.xori %lt3A_999, %lt3A_1001 : i1
      %and3A_1003 = arith.andi %ne3A_1002, %ne3A_997 : i1
      %add3A_1004 = arith.addi %rem3A_995, %select_n3A_994 : i32
      %select_n3A_1005 = arith.select %and3A_1003, %add3A_1004, %rem3A_995 : i32
      %eq3A_1006 = vector.broadcast %select_n3A_1005 : i32 to vector<32x128xi32>
      %eq3A_1007 = arith.cmpi eq, %iota3A, %eq3A_1006 : vector<32x128xi32>
      %mul3A_1008 = vector.broadcast %select_n3A_989 : vector<32x1xf32> to vector<32x128xf32>
      %mul3A_1009 = arith.mulf %get3A_980, %mul3A_1008 : vector<32x128xf32>
      %jit3A_1010 = arith.constant 0.000000e+00 : f32
      %broadcast_in_dim3A_1011 = vector.broadcast %jit3A_1010 : f32 to vector<32x128xf32>
      %select_n3A_1012 = arith.select %eq3A_1007, %mul3A_1009, %broadcast_in_dim3A_1011 : vector<32x128xi1>, vector<32x128xf32>
      %add3A_1013 = arith.addf %add3A_935, %select_n3A_1012 : vector<32x128xf32>
      %mul3A_1014 = arith.constant 16 : i32
      %mul3A_1015 = arith.muli %while3A_79, %mul3A_1014 : i32
      %add3A_1016 = arith.constant 12 : i32
      %add3A_1017 = arith.addi %mul3A_1015, %add3A_1016 : i32
      %sub3A_1018 = arith.constant 1 : i32
      %sub3A_1019 = arith.subi %get3A_20, %sub3A_1018 : i32
      %min3A_1020 = arith.minsi %add3A_1017, %sub3A_1019 : i32
      %get3A_1021 = arith.constant 0 : index
      %get3A_1022 = arith.constant 0 : index
      %get3A_1023 = arith.index_cast %min3A_1020 : i32 to index
      %get3A_1024 = memref.load %arg2[%get3A_1021, %get3A_1022, %get3A_1023] : memref<1x1x1024xi32, #tpu.memory_space<smem>>
      %get3A_1025 = arith.constant 0 : index
      %get3A_1026 = arith.constant 0 : index
      %get3A_1027 = arith.index_cast %min3A_1020 : i32 to index
      %get3A_1028 = memref.load %arg3[%get3A_1025, %get3A_1026, %get3A_1027] : memref<1x1x1024xi32, #tpu.memory_space<smem>>
      %jit3A_1029 = arith.constant 128 : i32
      %div3A_1030 = arith.divsi %get3A_1024, %jit3A_1029 : i32
      %sign3A_1031 = arith.constant 0 : i32
      %sign3A_1032 = arith.cmpi sgt, %get3A_1024, %sign3A_1031 : i32
      %sign3A_1033 = arith.extui %sign3A_1032 : i1 to i32
      %sign3A_1034 = arith.constant 0 : i32
      %sign3A_1035 = arith.cmpi slt, %get3A_1024, %sign3A_1034 : i32
      %sign3A_1036 = arith.extui %sign3A_1035 : i1 to i32
      %sign3A_1037 = arith.subi %sign3A_1033, %sign3A_1036 : i32
      %sign3A_1038 = arith.constant 0 : i32
      %sign3A_1039 = arith.cmpi sgt, %jit3A_1029, %sign3A_1038 : i32
      %sign3A_1040 = arith.extui %sign3A_1039 : i1 to i32
      %sign3A_1041 = arith.constant 0 : i32
      %sign3A_1042 = arith.cmpi slt, %jit3A_1029, %sign3A_1041 : i32
      %sign3A_1043 = arith.extui %sign3A_1042 : i1 to i32
      %sign3A_1044 = arith.subi %sign3A_1040, %sign3A_1043 : i32
      %ne3A_1045 = arith.cmpi ne, %sign3A_1037, %sign3A_1044 : i32
      %rem3A_1046 = arith.remsi %get3A_1024, %jit3A_1029 : i32
      %ne3A_1047 = arith.constant 0 : i32
      %ne3A_1048 = arith.cmpi ne, %rem3A_1046, %ne3A_1047 : i32
      %and3A_1049 = arith.andi %ne3A_1045, %ne3A_1048 : i1
      %sub3A_1050 = arith.constant 1 : i32
      %sub3A_1051 = arith.subi %div3A_1030, %sub3A_1050 : i32
      %select_n3A_1052 = arith.select %and3A_1049, %sub3A_1051, %div3A_1030 : i32
      %mul3A_1053 = arith.constant 128 : i32
      %mul3A_1054 = arith.muli %select_n3A_1052, %mul3A_1053 : i32
      %multiple_of3A_1055 = tpu.assume_multiple %mul3A_1054, 128 : i32
      %get3A_1056 = arith.constant 0 : index
      %get3A_1057 = arith.index_cast %multiple_of3A_1055 : i32 to index
      %get3A_1058 = vector.load %arg6[%get3A_1056, %get3A_1057] : memref<32x100000xf32, #tpu.memory_space<vmem>>, vector<32x128xf32>
      %eq3A_1059 = vector.broadcast %get3A_1028 : i32 to vector<32x1xi32>
      %eq3A_1060 = arith.cmpi eq, %get3A_10, %eq3A_1059 : vector<32x1xi32>
      %and3A_1061 = arith.andi %eq3A_1060, %and3A_46 : vector<32x1xi1>
      %lt3A_1062 = arith.cmpi slt, %add3A_1017, %get3A_20 : i32
      %and3A_1063 = vector.broadcast %lt3A_1062 : i1 to vector<32x1xi1>
      %and3A_1064 = arith.andi %and3A_1061, %and3A_1063 : vector<32x1xi1>
      %jit3A_1065 = arith.constant 0.000000e+00 : f32
      %broadcast_in_dim3A_1066 = vector.broadcast %jit3A_1065 : f32 to vector<32x1xf32>
      %select_n3A_1067 = arith.select %and3A_1064, %get3A_13, %broadcast_in_dim3A_1066 : vector<32x1xi1>, vector<32x1xf32>
      %jit3A_1068 = arith.constant 128 : i32
      %eq3A_1069 = arith.constant 0 : i32
      %eq3A_1070 = arith.cmpi eq, %jit3A_1068, %eq3A_1069 : i32
      %jit3A_1071 = arith.constant 1 : i32
      %select_n3A_1072 = arith.select %eq3A_1070, %jit3A_1071, %jit3A_1068 : i32
      %rem3A_1073 = arith.remsi %get3A_1024, %select_n3A_1072 : i32
      %ne3A_1074 = arith.constant 0 : i32
      %ne3A_1075 = arith.cmpi ne, %rem3A_1073, %ne3A_1074 : i32
      %lt3A_1076 = arith.constant 0 : i32
      %lt3A_1077 = arith.cmpi slt, %rem3A_1073, %lt3A_1076 : i32
      %lt3A_1078 = arith.constant 0 : i32
      %lt3A_1079 = arith.cmpi slt, %select_n3A_1072, %lt3A_1078 : i32
      %ne3A_1080 = arith.xori %lt3A_1077, %lt3A_1079 : i1
      %and3A_1081 = arith.andi %ne3A_1080, %ne3A_1075 : i1
      %add3A_1082 = arith.addi %rem3A_1073, %select_n3A_1072 : i32
      %select_n3A_1083 = arith.select %and3A_1081, %add3A_1082, %rem3A_1073 : i32
      %eq3A_1084 = vector.broadcast %select_n3A_1083 : i32 to vector<32x128xi32>
      %eq3A_1085 = arith.cmpi eq, %iota3A, %eq3A_1084 : vector<32x128xi32>
      %mul3A_1086 = vector.broadcast %select_n3A_1067 : vector<32x1xf32> to vector<32x128xf32>
      %mul3A_1087 = arith.mulf %get3A_1058, %mul3A_1086 : vector<32x128xf32>
      %jit3A_1088 = arith.constant 0.000000e+00 : f32
      %broadcast_in_dim3A_1089 = vector.broadcast %jit3A_1088 : f32 to vector<32x128xf32>
      %select_n3A_1090 = arith.select %eq3A_1085, %mul3A_1087, %broadcast_in_dim3A_1089 : vector<32x128xi1>, vector<32x128xf32>
      %add3A_1091 = arith.addf %add3A_1013, %select_n3A_1090 : vector<32x128xf32>
      %mul3A_1092 = arith.constant 16 : i32
      %mul3A_1093 = arith.muli %while3A_79, %mul3A_1092 : i32
      %add3A_1094 = arith.constant 13 : i32
      %add3A_1095 = arith.addi %mul3A_1093, %add3A_1094 : i32
      %sub3A_1096 = arith.constant 1 : i32
      %sub3A_1097 = arith.subi %get3A_20, %sub3A_1096 : i32
      %min3A_1098 = arith.minsi %add3A_1095, %sub3A_1097 : i32
      %get3A_1099 = arith.constant 0 : index
      %get3A_1100 = arith.constant 0 : index
      %get3A_1101 = arith.index_cast %min3A_1098 : i32 to index
      %get3A_1102 = memref.load %arg2[%get3A_1099, %get3A_1100, %get3A_1101] : memref<1x1x1024xi32, #tpu.memory_space<smem>>
      %get3A_1103 = arith.constant 0 : index
      %get3A_1104 = arith.constant 0 : index
      %get3A_1105 = arith.index_cast %min3A_1098 : i32 to index
      %get3A_1106 = memref.load %arg3[%get3A_1103, %get3A_1104, %get3A_1105] : memref<1x1x1024xi32, #tpu.memory_space<smem>>
      %jit3A_1107 = arith.constant 128 : i32
      %div3A_1108 = arith.divsi %get3A_1102, %jit3A_1107 : i32
      %sign3A_1109 = arith.constant 0 : i32
      %sign3A_1110 = arith.cmpi sgt, %get3A_1102, %sign3A_1109 : i32
      %sign3A_1111 = arith.extui %sign3A_1110 : i1 to i32
      %sign3A_1112 = arith.constant 0 : i32
      %sign3A_1113 = arith.cmpi slt, %get3A_1102, %sign3A_1112 : i32
      %sign3A_1114 = arith.extui %sign3A_1113 : i1 to i32
      %sign3A_1115 = arith.subi %sign3A_1111, %sign3A_1114 : i32
      %sign3A_1116 = arith.constant 0 : i32
      %sign3A_1117 = arith.cmpi sgt, %jit3A_1107, %sign3A_1116 : i32
      %sign3A_1118 = arith.extui %sign3A_1117 : i1 to i32
      %sign3A_1119 = arith.constant 0 : i32
      %sign3A_1120 = arith.cmpi slt, %jit3A_1107, %sign3A_1119 : i32
      %sign3A_1121 = arith.extui %sign3A_1120 : i1 to i32
      %sign3A_1122 = arith.subi %sign3A_1118, %sign3A_1121 : i32
      %ne3A_1123 = arith.cmpi ne, %sign3A_1115, %sign3A_1122 : i32
      %rem3A_1124 = arith.remsi %get3A_1102, %jit3A_1107 : i32
      %ne3A_1125 = arith.constant 0 : i32
      %ne3A_1126 = arith.cmpi ne, %rem3A_1124, %ne3A_1125 : i32
      %and3A_1127 = arith.andi %ne3A_1123, %ne3A_1126 : i1
      %sub3A_1128 = arith.constant 1 : i32
      %sub3A_1129 = arith.subi %div3A_1108, %sub3A_1128 : i32
      %select_n3A_1130 = arith.select %and3A_1127, %sub3A_1129, %div3A_1108 : i32
      %mul3A_1131 = arith.constant 128 : i32
      %mul3A_1132 = arith.muli %select_n3A_1130, %mul3A_1131 : i32
      %multiple_of3A_1133 = tpu.assume_multiple %mul3A_1132, 128 : i32
      %get3A_1134 = arith.constant 0 : index
      %get3A_1135 = arith.index_cast %multiple_of3A_1133 : i32 to index
      %get3A_1136 = vector.load %arg6[%get3A_1134, %get3A_1135] : memref<32x100000xf32, #tpu.memory_space<vmem>>, vector<32x128xf32>
      %eq3A_1137 = vector.broadcast %get3A_1106 : i32 to vector<32x1xi32>
      %eq3A_1138 = arith.cmpi eq, %get3A_10, %eq3A_1137 : vector<32x1xi32>
      %and3A_1139 = arith.andi %eq3A_1138, %and3A_46 : vector<32x1xi1>
      %lt3A_1140 = arith.cmpi slt, %add3A_1095, %get3A_20 : i32
      %and3A_1141 = vector.broadcast %lt3A_1140 : i1 to vector<32x1xi1>
      %and3A_1142 = arith.andi %and3A_1139, %and3A_1141 : vector<32x1xi1>
      %jit3A_1143 = arith.constant 0.000000e+00 : f32
      %broadcast_in_dim3A_1144 = vector.broadcast %jit3A_1143 : f32 to vector<32x1xf32>
      %select_n3A_1145 = arith.select %and3A_1142, %get3A_13, %broadcast_in_dim3A_1144 : vector<32x1xi1>, vector<32x1xf32>
      %jit3A_1146 = arith.constant 128 : i32
      %eq3A_1147 = arith.constant 0 : i32
      %eq3A_1148 = arith.cmpi eq, %jit3A_1146, %eq3A_1147 : i32
      %jit3A_1149 = arith.constant 1 : i32
      %select_n3A_1150 = arith.select %eq3A_1148, %jit3A_1149, %jit3A_1146 : i32
      %rem3A_1151 = arith.remsi %get3A_1102, %select_n3A_1150 : i32
      %ne3A_1152 = arith.constant 0 : i32
      %ne3A_1153 = arith.cmpi ne, %rem3A_1151, %ne3A_1152 : i32
      %lt3A_1154 = arith.constant 0 : i32
      %lt3A_1155 = arith.cmpi slt, %rem3A_1151, %lt3A_1154 : i32
      %lt3A_1156 = arith.constant 0 : i32
      %lt3A_1157 = arith.cmpi slt, %select_n3A_1150, %lt3A_1156 : i32
      %ne3A_1158 = arith.xori %lt3A_1155, %lt3A_1157 : i1
      %and3A_1159 = arith.andi %ne3A_1158, %ne3A_1153 : i1
      %add3A_1160 = arith.addi %rem3A_1151, %select_n3A_1150 : i32
      %select_n3A_1161 = arith.select %and3A_1159, %add3A_1160, %rem3A_1151 : i32
      %eq3A_1162 = vector.broadcast %select_n3A_1161 : i32 to vector<32x128xi32>
      %eq3A_1163 = arith.cmpi eq, %iota3A, %eq3A_1162 : vector<32x128xi32>
      %mul3A_1164 = vector.broadcast %select_n3A_1145 : vector<32x1xf32> to vector<32x128xf32>
      %mul3A_1165 = arith.mulf %get3A_1136, %mul3A_1164 : vector<32x128xf32>
      %jit3A_1166 = arith.constant 0.000000e+00 : f32
      %broadcast_in_dim3A_1167 = vector.broadcast %jit3A_1166 : f32 to vector<32x128xf32>
      %select_n3A_1168 = arith.select %eq3A_1163, %mul3A_1165, %broadcast_in_dim3A_1167 : vector<32x128xi1>, vector<32x128xf32>
      %add3A_1169 = arith.addf %add3A_1091, %select_n3A_1168 : vector<32x128xf32>
      %mul3A_1170 = arith.constant 16 : i32
      %mul3A_1171 = arith.muli %while3A_79, %mul3A_1170 : i32
      %add3A_1172 = arith.constant 14 : i32
      %add3A_1173 = arith.addi %mul3A_1171, %add3A_1172 : i32
      %sub3A_1174 = arith.constant 1 : i32
      %sub3A_1175 = arith.subi %get3A_20, %sub3A_1174 : i32
      %min3A_1176 = arith.minsi %add3A_1173, %sub3A_1175 : i32
      %get3A_1177 = arith.constant 0 : index
      %get3A_1178 = arith.constant 0 : index
      %get3A_1179 = arith.index_cast %min3A_1176 : i32 to index
      %get3A_1180 = memref.load %arg2[%get3A_1177, %get3A_1178, %get3A_1179] : memref<1x1x1024xi32, #tpu.memory_space<smem>>
      %get3A_1181 = arith.constant 0 : index
      %get3A_1182 = arith.constant 0 : index
      %get3A_1183 = arith.index_cast %min3A_1176 : i32 to index
      %get3A_1184 = memref.load %arg3[%get3A_1181, %get3A_1182, %get3A_1183] : memref<1x1x1024xi32, #tpu.memory_space<smem>>
      %jit3A_1185 = arith.constant 128 : i32
      %div3A_1186 = arith.divsi %get3A_1180, %jit3A_1185 : i32
      %sign3A_1187 = arith.constant 0 : i32
      %sign3A_1188 = arith.cmpi sgt, %get3A_1180, %sign3A_1187 : i32
      %sign3A_1189 = arith.extui %sign3A_1188 : i1 to i32
      %sign3A_1190 = arith.constant 0 : i32
      %sign3A_1191 = arith.cmpi slt, %get3A_1180, %sign3A_1190 : i32
      %sign3A_1192 = arith.extui %sign3A_1191 : i1 to i32
      %sign3A_1193 = arith.subi %sign3A_1189, %sign3A_1192 : i32
      %sign3A_1194 = arith.constant 0 : i32
      %sign3A_1195 = arith.cmpi sgt, %jit3A_1185, %sign3A_1194 : i32
      %sign3A_1196 = arith.extui %sign3A_1195 : i1 to i32
      %sign3A_1197 = arith.constant 0 : i32
      %sign3A_1198 = arith.cmpi slt, %jit3A_1185, %sign3A_1197 : i32
      %sign3A_1199 = arith.extui %sign3A_1198 : i1 to i32
      %sign3A_1200 = arith.subi %sign3A_1196, %sign3A_1199 : i32
      %ne3A_1201 = arith.cmpi ne, %sign3A_1193, %sign3A_1200 : i32
      %rem3A_1202 = arith.remsi %get3A_1180, %jit3A_1185 : i32
      %ne3A_1203 = arith.constant 0 : i32
      %ne3A_1204 = arith.cmpi ne, %rem3A_1202, %ne3A_1203 : i32
      %and3A_1205 = arith.andi %ne3A_1201, %ne3A_1204 : i1
      %sub3A_1206 = arith.constant 1 : i32
      %sub3A_1207 = arith.subi %div3A_1186, %sub3A_1206 : i32
      %select_n3A_1208 = arith.select %and3A_1205, %sub3A_1207, %div3A_1186 : i32
      %mul3A_1209 = arith.constant 128 : i32
      %mul3A_1210 = arith.muli %select_n3A_1208, %mul3A_1209 : i32
      %multiple_of3A_1211 = tpu.assume_multiple %mul3A_1210, 128 : i32
      %get3A_1212 = arith.constant 0 : index
      %get3A_1213 = arith.index_cast %multiple_of3A_1211 : i32 to index
      %get3A_1214 = vector.load %arg6[%get3A_1212, %get3A_1213] : memref<32x100000xf32, #tpu.memory_space<vmem>>, vector<32x128xf32>
      %eq3A_1215 = vector.broadcast %get3A_1184 : i32 to vector<32x1xi32>
      %eq3A_1216 = arith.cmpi eq, %get3A_10, %eq3A_1215 : vector<32x1xi32>
      %and3A_1217 = arith.andi %eq3A_1216, %and3A_46 : vector<32x1xi1>
      %lt3A_1218 = arith.cmpi slt, %add3A_1173, %get3A_20 : i32
      %and3A_1219 = vector.broadcast %lt3A_1218 : i1 to vector<32x1xi1>
      %and3A_1220 = arith.andi %and3A_1217, %and3A_1219 : vector<32x1xi1>
      %jit3A_1221 = arith.constant 0.000000e+00 : f32
      %broadcast_in_dim3A_1222 = vector.broadcast %jit3A_1221 : f32 to vector<32x1xf32>
      %select_n3A_1223 = arith.select %and3A_1220, %get3A_13, %broadcast_in_dim3A_1222 : vector<32x1xi1>, vector<32x1xf32>
      %jit3A_1224 = arith.constant 128 : i32
      %eq3A_1225 = arith.constant 0 : i32
      %eq3A_1226 = arith.cmpi eq, %jit3A_1224, %eq3A_1225 : i32
      %jit3A_1227 = arith.constant 1 : i32
      %select_n3A_1228 = arith.select %eq3A_1226, %jit3A_1227, %jit3A_1224 : i32
      %rem3A_1229 = arith.remsi %get3A_1180, %select_n3A_1228 : i32
      %ne3A_1230 = arith.constant 0 : i32
      %ne3A_1231 = arith.cmpi ne, %rem3A_1229, %ne3A_1230 : i32
      %lt3A_1232 = arith.constant 0 : i32
      %lt3A_1233 = arith.cmpi slt, %rem3A_1229, %lt3A_1232 : i32
      %lt3A_1234 = arith.constant 0 : i32
      %lt3A_1235 = arith.cmpi slt, %select_n3A_1228, %lt3A_1234 : i32
      %ne3A_1236 = arith.xori %lt3A_1233, %lt3A_1235 : i1
      %and3A_1237 = arith.andi %ne3A_1236, %ne3A_1231 : i1
      %add3A_1238 = arith.addi %rem3A_1229, %select_n3A_1228 : i32
      %select_n3A_1239 = arith.select %and3A_1237, %add3A_1238, %rem3A_1229 : i32
      %eq3A_1240 = vector.broadcast %select_n3A_1239 : i32 to vector<32x128xi32>
      %eq3A_1241 = arith.cmpi eq, %iota3A, %eq3A_1240 : vector<32x128xi32>
      %mul3A_1242 = vector.broadcast %select_n3A_1223 : vector<32x1xf32> to vector<32x128xf32>
      %mul3A_1243 = arith.mulf %get3A_1214, %mul3A_1242 : vector<32x128xf32>
      %jit3A_1244 = arith.constant 0.000000e+00 : f32
      %broadcast_in_dim3A_1245 = vector.broadcast %jit3A_1244 : f32 to vector<32x128xf32>
      %select_n3A_1246 = arith.select %eq3A_1241, %mul3A_1243, %broadcast_in_dim3A_1245 : vector<32x128xi1>, vector<32x128xf32>
      %add3A_1247 = arith.addf %add3A_1169, %select_n3A_1246 : vector<32x128xf32>
      %mul3A_1248 = arith.constant 16 : i32
      %mul3A_1249 = arith.muli %while3A_79, %mul3A_1248 : i32
      %add3A_1250 = arith.constant 15 : i32
      %add3A_1251 = arith.addi %mul3A_1249, %add3A_1250 : i32
      %sub3A_1252 = arith.constant 1 : i32
      %sub3A_1253 = arith.subi %get3A_20, %sub3A_1252 : i32
      %min3A_1254 = arith.minsi %add3A_1251, %sub3A_1253 : i32
      %get3A_1255 = arith.constant 0 : index
      %get3A_1256 = arith.constant 0 : index
      %get3A_1257 = arith.index_cast %min3A_1254 : i32 to index
      %get3A_1258 = memref.load %arg2[%get3A_1255, %get3A_1256, %get3A_1257] : memref<1x1x1024xi32, #tpu.memory_space<smem>>
      %get3A_1259 = arith.constant 0 : index
      %get3A_1260 = arith.constant 0 : index
      %get3A_1261 = arith.index_cast %min3A_1254 : i32 to index
      %get3A_1262 = memref.load %arg3[%get3A_1259, %get3A_1260, %get3A_1261] : memref<1x1x1024xi32, #tpu.memory_space<smem>>
      %jit3A_1263 = arith.constant 128 : i32
      %div3A_1264 = arith.divsi %get3A_1258, %jit3A_1263 : i32
      %sign3A_1265 = arith.constant 0 : i32
      %sign3A_1266 = arith.cmpi sgt, %get3A_1258, %sign3A_1265 : i32
      %sign3A_1267 = arith.extui %sign3A_1266 : i1 to i32
      %sign3A_1268 = arith.constant 0 : i32
      %sign3A_1269 = arith.cmpi slt, %get3A_1258, %sign3A_1268 : i32
      %sign3A_1270 = arith.extui %sign3A_1269 : i1 to i32
      %sign3A_1271 = arith.subi %sign3A_1267, %sign3A_1270 : i32
      %sign3A_1272 = arith.constant 0 : i32
      %sign3A_1273 = arith.cmpi sgt, %jit3A_1263, %sign3A_1272 : i32
      %sign3A_1274 = arith.extui %sign3A_1273 : i1 to i32
      %sign3A_1275 = arith.constant 0 : i32
      %sign3A_1276 = arith.cmpi slt, %jit3A_1263, %sign3A_1275 : i32
      %sign3A_1277 = arith.extui %sign3A_1276 : i1 to i32
      %sign3A_1278 = arith.subi %sign3A_1274, %sign3A_1277 : i32
      %ne3A_1279 = arith.cmpi ne, %sign3A_1271, %sign3A_1278 : i32
      %rem3A_1280 = arith.remsi %get3A_1258, %jit3A_1263 : i32
      %ne3A_1281 = arith.constant 0 : i32
      %ne3A_1282 = arith.cmpi ne, %rem3A_1280, %ne3A_1281 : i32
      %and3A_1283 = arith.andi %ne3A_1279, %ne3A_1282 : i1
      %sub3A_1284 = arith.constant 1 : i32
      %sub3A_1285 = arith.subi %div3A_1264, %sub3A_1284 : i32
      %select_n3A_1286 = arith.select %and3A_1283, %sub3A_1285, %div3A_1264 : i32
      %mul3A_1287 = arith.constant 128 : i32
      %mul3A_1288 = arith.muli %select_n3A_1286, %mul3A_1287 : i32
      %multiple_of3A_1289 = tpu.assume_multiple %mul3A_1288, 128 : i32
      %get3A_1290 = arith.constant 0 : index
      %get3A_1291 = arith.index_cast %multiple_of3A_1289 : i32 to index
      %get3A_1292 = vector.load %arg6[%get3A_1290, %get3A_1291] : memref<32x100000xf32, #tpu.memory_space<vmem>>, vector<32x128xf32>
      %eq3A_1293 = vector.broadcast %get3A_1262 : i32 to vector<32x1xi32>
      %eq3A_1294 = arith.cmpi eq, %get3A_10, %eq3A_1293 : vector<32x1xi32>
      %and3A_1295 = arith.andi %eq3A_1294, %and3A_46 : vector<32x1xi1>
      %lt3A_1296 = arith.cmpi slt, %add3A_1251, %get3A_20 : i32
      %and3A_1297 = vector.broadcast %lt3A_1296 : i1 to vector<32x1xi1>
      %and3A_1298 = arith.andi %and3A_1295, %and3A_1297 : vector<32x1xi1>
      %jit3A_1299 = arith.constant 0.000000e+00 : f32
      %broadcast_in_dim3A_1300 = vector.broadcast %jit3A_1299 : f32 to vector<32x1xf32>
      %select_n3A_1301 = arith.select %and3A_1298, %get3A_13, %broadcast_in_dim3A_1300 : vector<32x1xi1>, vector<32x1xf32>
      %jit3A_1302 = arith.constant 128 : i32
      %eq3A_1303 = arith.constant 0 : i32
      %eq3A_1304 = arith.cmpi eq, %jit3A_1302, %eq3A_1303 : i32
      %jit3A_1305 = arith.constant 1 : i32
      %select_n3A_1306 = arith.select %eq3A_1304, %jit3A_1305, %jit3A_1302 : i32
      %rem3A_1307 = arith.remsi %get3A_1258, %select_n3A_1306 : i32
      %ne3A_1308 = arith.constant 0 : i32
      %ne3A_1309 = arith.cmpi ne, %rem3A_1307, %ne3A_1308 : i32
      %lt3A_1310 = arith.constant 0 : i32
      %lt3A_1311 = arith.cmpi slt, %rem3A_1307, %lt3A_1310 : i32
      %lt3A_1312 = arith.constant 0 : i32
      %lt3A_1313 = arith.cmpi slt, %select_n3A_1306, %lt3A_1312 : i32
      %ne3A_1314 = arith.xori %lt3A_1311, %lt3A_1313 : i1
      %and3A_1315 = arith.andi %ne3A_1314, %ne3A_1309 : i1
      %add3A_1316 = arith.addi %rem3A_1307, %select_n3A_1306 : i32
      %select_n3A_1317 = arith.select %and3A_1315, %add3A_1316, %rem3A_1307 : i32
      %eq3A_1318 = vector.broadcast %select_n3A_1317 : i32 to vector<32x128xi32>
      %eq3A_1319 = arith.cmpi eq, %iota3A, %eq3A_1318 : vector<32x128xi32>
      %mul3A_1320 = vector.broadcast %select_n3A_1301 : vector<32x1xf32> to vector<32x128xf32>
      %mul3A_1321 = arith.mulf %get3A_1292, %mul3A_1320 : vector<32x128xf32>
      %jit3A_1322 = arith.constant 0.000000e+00 : f32
      %broadcast_in_dim3A_1323 = vector.broadcast %jit3A_1322 : f32 to vector<32x128xf32>
      %select_n3A_1324 = arith.select %eq3A_1319, %mul3A_1321, %broadcast_in_dim3A_1323 : vector<32x128xi1>, vector<32x128xf32>
      %add3A_1325 = arith.addf %add3A_1247, %select_n3A_1324 : vector<32x128xf32>
      scf.yield %add3A_1325 : vector<32x128xf32>
    }
    %while3A_55 = arith.constant 1 : i32
    %while3A_56 = scf.for %while3A_79 = %while3A_52 to %while3A_48 step %while3A_55 iter_args(%while3A_80 = %while3A_54) -> (vector<32x128xf32>)  : i32 {
      %mul3A = arith.constant 16 : i32
      %mul3A_81 = arith.muli %while3A_79, %mul3A : i32
      %add3A_82 = arith.constant 0 : i32
      %add3A_83 = arith.addi %mul3A_81, %add3A_82 : i32
      %sub3A_84 = arith.constant 1 : i32
      %sub3A_85 = arith.subi %get3A_20, %sub3A_84 : i32
      %min3A = arith.minsi %add3A_83, %sub3A_85 : i32
      %get3A_86 = arith.constant 0 : index
      %get3A_87 = arith.constant 0 : index
      %get3A_88 = arith.index_cast %min3A : i32 to index
      %get3A_89 = memref.load %arg2[%get3A_86, %get3A_87, %get3A_88] : memref<1x1x1024xi32, #tpu.memory_space<smem>>
      %get3A_90 = arith.constant 0 : index
      %get3A_91 = arith.constant 0 : index
      %get3A_92 = arith.index_cast %min3A : i32 to index
      %get3A_93 = memref.load %arg3[%get3A_90, %get3A_91, %get3A_92] : memref<1x1x1024xi32, #tpu.memory_space<smem>>
      %jit3A_94 = arith.constant 128 : i32
      %div3A_95 = arith.divsi %get3A_89, %jit3A_94 : i32
      %sign3A_96 = arith.constant 0 : i32
      %sign3A_97 = arith.cmpi sgt, %get3A_89, %sign3A_96 : i32
      %sign3A_98 = arith.extui %sign3A_97 : i1 to i32
      %sign3A_99 = arith.constant 0 : i32
      %sign3A_100 = arith.cmpi slt, %get3A_89, %sign3A_99 : i32
      %sign3A_101 = arith.extui %sign3A_100 : i1 to i32
      %sign3A_102 = arith.subi %sign3A_98, %sign3A_101 : i32
      %sign3A_103 = arith.constant 0 : i32
      %sign3A_104 = arith.cmpi sgt, %jit3A_94, %sign3A_103 : i32
      %sign3A_105 = arith.extui %sign3A_104 : i1 to i32
      %sign3A_106 = arith.constant 0 : i32
      %sign3A_107 = arith.cmpi slt, %jit3A_94, %sign3A_106 : i32
      %sign3A_108 = arith.extui %sign3A_107 : i1 to i32
      %sign3A_109 = arith.subi %sign3A_105, %sign3A_108 : i32
      %ne3A_110 = arith.cmpi ne, %sign3A_102, %sign3A_109 : i32
      %rem3A_111 = arith.remsi %get3A_89, %jit3A_94 : i32
      %ne3A_112 = arith.constant 0 : i32
      %ne3A_113 = arith.cmpi ne, %rem3A_111, %ne3A_112 : i32
      %and3A_114 = arith.andi %ne3A_110, %ne3A_113 : i1
      %sub3A_115 = arith.constant 1 : i32
      %sub3A_116 = arith.subi %div3A_95, %sub3A_115 : i32
      %select_n3A_117 = arith.select %and3A_114, %sub3A_116, %div3A_95 : i32
      %mul3A_118 = arith.constant 128 : i32
      %mul3A_119 = arith.muli %select_n3A_117, %mul3A_118 : i32
      %multiple_of3A = tpu.assume_multiple %mul3A_119, 128 : i32
      %get3A_120 = arith.constant 0 : index
      %get3A_121 = arith.index_cast %multiple_of3A : i32 to index
      %get3A_122 = vector.load %arg6[%get3A_120, %get3A_121] : memref<32x100000xf32, #tpu.memory_space<vmem>>, vector<32x128xf32>
      %eq3A_123 = vector.broadcast %get3A_93 : i32 to vector<32x1xi32>
      %eq3A_124 = arith.cmpi eq, %get3A_10, %eq3A_123 : vector<32x1xi32>
      %and3A_125 = arith.andi %eq3A_124, %and3A_46 : vector<32x1xi1>
      %lt3A_126 = arith.cmpi slt, %add3A_83, %get3A_20 : i32
      %and3A_127 = vector.broadcast %lt3A_126 : i1 to vector<32x1xi1>
      %and3A_128 = arith.andi %and3A_125, %and3A_127 : vector<32x1xi1>
      %jit3A_129 = arith.constant 0.000000e+00 : f32
      %broadcast_in_dim3A_130 = vector.broadcast %jit3A_129 : f32 to vector<32x1xf32>
      %select_n3A_131 = arith.select %and3A_128, %get3A_13, %broadcast_in_dim3A_130 : vector<32x1xi1>, vector<32x1xf32>
      %jit3A_132 = arith.constant 128 : i32
      %eq3A_133 = arith.constant 0 : i32
      %eq3A_134 = arith.cmpi eq, %jit3A_132, %eq3A_133 : i32
      %jit3A_135 = arith.constant 1 : i32
      %select_n3A_136 = arith.select %eq3A_134, %jit3A_135, %jit3A_132 : i32
      %rem3A_137 = arith.remsi %get3A_89, %select_n3A_136 : i32
      %ne3A_138 = arith.constant 0 : i32
      %ne3A_139 = arith.cmpi ne, %rem3A_137, %ne3A_138 : i32
      %lt3A_140 = arith.constant 0 : i32
      %lt3A_141 = arith.cmpi slt, %rem3A_137, %lt3A_140 : i32
      %lt3A_142 = arith.constant 0 : i32
      %lt3A_143 = arith.cmpi slt, %select_n3A_136, %lt3A_142 : i32
      %ne3A_144 = arith.xori %lt3A_141, %lt3A_143 : i1
      %and3A_145 = arith.andi %ne3A_144, %ne3A_139 : i1
      %add3A_146 = arith.addi %rem3A_137, %select_n3A_136 : i32
      %select_n3A_147 = arith.select %and3A_145, %add3A_146, %rem3A_137 : i32
      %eq3A_148 = vector.broadcast %select_n3A_147 : i32 to vector<32x128xi32>
      %eq3A_149 = arith.cmpi eq, %iota3A, %eq3A_148 : vector<32x128xi32>
      %mul3A_150 = vector.broadcast %select_n3A_131 : vector<32x1xf32> to vector<32x128xf32>
      %mul3A_151 = arith.mulf %get3A_122, %mul3A_150 : vector<32x128xf32>
      %jit3A_152 = arith.constant 0.000000e+00 : f32
      %broadcast_in_dim3A_153 = vector.broadcast %jit3A_152 : f32 to vector<32x128xf32>
      %select_n3A_154 = arith.select %eq3A_149, %mul3A_151, %broadcast_in_dim3A_153 : vector<32x128xi1>, vector<32x128xf32>
      %add3A_155 = arith.addf %while3A_80, %select_n3A_154 : vector<32x128xf32>
      %mul3A_156 = arith.constant 16 : i32
      %mul3A_157 = arith.muli %while3A_79, %mul3A_156 : i32
      %add3A_158 = arith.constant 1 : i32
      %add3A_159 = arith.addi %mul3A_157, %add3A_158 : i32
      %sub3A_160 = arith.constant 1 : i32
      %sub3A_161 = arith.subi %get3A_20, %sub3A_160 : i32
      %min3A_162 = arith.minsi %add3A_159, %sub3A_161 : i32
      %get3A_163 = arith.constant 0 : index
      %get3A_164 = arith.constant 0 : index
      %get3A_165 = arith.index_cast %min3A_162 : i32 to index
      %get3A_166 = memref.load %arg2[%get3A_163, %get3A_164, %get3A_165] : memref<1x1x1024xi32, #tpu.memory_space<smem>>
      %get3A_167 = arith.constant 0 : index
      %get3A_168 = arith.constant 0 : index
      %get3A_169 = arith.index_cast %min3A_162 : i32 to index
      %get3A_170 = memref.load %arg3[%get3A_167, %get3A_168, %get3A_169] : memref<1x1x1024xi32, #tpu.memory_space<smem>>
      %jit3A_171 = arith.constant 128 : i32
      %div3A_172 = arith.divsi %get3A_166, %jit3A_171 : i32
      %sign3A_173 = arith.constant 0 : i32
      %sign3A_174 = arith.cmpi sgt, %get3A_166, %sign3A_173 : i32
      %sign3A_175 = arith.extui %sign3A_174 : i1 to i32
      %sign3A_176 = arith.constant 0 : i32
      %sign3A_177 = arith.cmpi slt, %get3A_166, %sign3A_176 : i32
      %sign3A_178 = arith.extui %sign3A_177 : i1 to i32
      %sign3A_179 = arith.subi %sign3A_175, %sign3A_178 : i32
      %sign3A_180 = arith.constant 0 : i32
      %sign3A_181 = arith.cmpi sgt, %jit3A_171, %sign3A_180 : i32
      %sign3A_182 = arith.extui %sign3A_181 : i1 to i32
      %sign3A_183 = arith.constant 0 : i32
      %sign3A_184 = arith.cmpi slt, %jit3A_171, %sign3A_183 : i32
      %sign3A_185 = arith.extui %sign3A_184 : i1 to i32
      %sign3A_186 = arith.subi %sign3A_182, %sign3A_185 : i32
      %ne3A_187 = arith.cmpi ne, %sign3A_179, %sign3A_186 : i32
      %rem3A_188 = arith.remsi %get3A_166, %jit3A_171 : i32
      %ne3A_189 = arith.constant 0 : i32
      %ne3A_190 = arith.cmpi ne, %rem3A_188, %ne3A_189 : i32
      %and3A_191 = arith.andi %ne3A_187, %ne3A_190 : i1
      %sub3A_192 = arith.constant 1 : i32
      %sub3A_193 = arith.subi %div3A_172, %sub3A_192 : i32
      %select_n3A_194 = arith.select %and3A_191, %sub3A_193, %div3A_172 : i32
      %mul3A_195 = arith.constant 128 : i32
      %mul3A_196 = arith.muli %select_n3A_194, %mul3A_195 : i32
      %multiple_of3A_197 = tpu.assume_multiple %mul3A_196, 128 : i32
      %get3A_198 = arith.constant 0 : index
      %get3A_199 = arith.index_cast %multiple_of3A_197 : i32 to index
      %get3A_200 = vector.load %arg6[%get3A_198, %get3A_199] : memref<32x100000xf32, #tpu.memory_space<vmem>>, vector<32x128xf32>
      %eq3A_201 = vector.broadcast %get3A_170 : i32 to vector<32x1xi32>
      %eq3A_202 = arith.cmpi eq, %get3A_10, %eq3A_201 : vector<32x1xi32>
      %and3A_203 = arith.andi %eq3A_202, %and3A_46 : vector<32x1xi1>
      %lt3A_204 = arith.cmpi slt, %add3A_159, %get3A_20 : i32
      %and3A_205 = vector.broadcast %lt3A_204 : i1 to vector<32x1xi1>
      %and3A_206 = arith.andi %and3A_203, %and3A_205 : vector<32x1xi1>
      %jit3A_207 = arith.constant 0.000000e+00 : f32
      %broadcast_in_dim3A_208 = vector.broadcast %jit3A_207 : f32 to vector<32x1xf32>
      %select_n3A_209 = arith.select %and3A_206, %get3A_13, %broadcast_in_dim3A_208 : vector<32x1xi1>, vector<32x1xf32>
      %jit3A_210 = arith.constant 128 : i32
      %eq3A_211 = arith.constant 0 : i32
      %eq3A_212 = arith.cmpi eq, %jit3A_210, %eq3A_211 : i32
      %jit3A_213 = arith.constant 1 : i32
      %select_n3A_214 = arith.select %eq3A_212, %jit3A_213, %jit3A_210 : i32
      %rem3A_215 = arith.remsi %get3A_166, %select_n3A_214 : i32
      %ne3A_216 = arith.constant 0 : i32
      %ne3A_217 = arith.cmpi ne, %rem3A_215, %ne3A_216 : i32
      %lt3A_218 = arith.constant 0 : i32
      %lt3A_219 = arith.cmpi slt, %rem3A_215, %lt3A_218 : i32
      %lt3A_220 = arith.constant 0 : i32
      %lt3A_221 = arith.cmpi slt, %select_n3A_214, %lt3A_220 : i32
      %ne3A_222 = arith.xori %lt3A_219, %lt3A_221 : i1
      %and3A_223 = arith.andi %ne3A_222, %ne3A_217 : i1
      %add3A_224 = arith.addi %rem3A_215, %select_n3A_214 : i32
      %select_n3A_225 = arith.select %and3A_223, %add3A_224, %rem3A_215 : i32
      %eq3A_226 = vector.broadcast %select_n3A_225 : i32 to vector<32x128xi32>
      %eq3A_227 = arith.cmpi eq, %iota3A, %eq3A_226 : vector<32x128xi32>
      %mul3A_228 = vector.broadcast %select_n3A_209 : vector<32x1xf32> to vector<32x128xf32>
      %mul3A_229 = arith.mulf %get3A_200, %mul3A_228 : vector<32x128xf32>
      %jit3A_230 = arith.constant 0.000000e+00 : f32
      %broadcast_in_dim3A_231 = vector.broadcast %jit3A_230 : f32 to vector<32x128xf32>
      %select_n3A_232 = arith.select %eq3A_227, %mul3A_229, %broadcast_in_dim3A_231 : vector<32x128xi1>, vector<32x128xf32>
      %add3A_233 = arith.addf %add3A_155, %select_n3A_232 : vector<32x128xf32>
      %mul3A_234 = arith.constant 16 : i32
      %mul3A_235 = arith.muli %while3A_79, %mul3A_234 : i32
      %add3A_236 = arith.constant 2 : i32
      %add3A_237 = arith.addi %mul3A_235, %add3A_236 : i32
      %sub3A_238 = arith.constant 1 : i32
      %sub3A_239 = arith.subi %get3A_20, %sub3A_238 : i32
      %min3A_240 = arith.minsi %add3A_237, %sub3A_239 : i32
      %get3A_241 = arith.constant 0 : index
      %get3A_242 = arith.constant 0 : index
      %get3A_243 = arith.index_cast %min3A_240 : i32 to index
      %get3A_244 = memref.load %arg2[%get3A_241, %get3A_242, %get3A_243] : memref<1x1x1024xi32, #tpu.memory_space<smem>>
      %get3A_245 = arith.constant 0 : index
      %get3A_246 = arith.constant 0 : index
      %get3A_247 = arith.index_cast %min3A_240 : i32 to index
      %get3A_248 = memref.load %arg3[%get3A_245, %get3A_246, %get3A_247] : memref<1x1x1024xi32, #tpu.memory_space<smem>>
      %jit3A_249 = arith.constant 128 : i32
      %div3A_250 = arith.divsi %get3A_244, %jit3A_249 : i32
      %sign3A_251 = arith.constant 0 : i32
      %sign3A_252 = arith.cmpi sgt, %get3A_244, %sign3A_251 : i32
      %sign3A_253 = arith.extui %sign3A_252 : i1 to i32
      %sign3A_254 = arith.constant 0 : i32
      %sign3A_255 = arith.cmpi slt, %get3A_244, %sign3A_254 : i32
      %sign3A_256 = arith.extui %sign3A_255 : i1 to i32
      %sign3A_257 = arith.subi %sign3A_253, %sign3A_256 : i32
      %sign3A_258 = arith.constant 0 : i32
      %sign3A_259 = arith.cmpi sgt, %jit3A_249, %sign3A_258 : i32
      %sign3A_260 = arith.extui %sign3A_259 : i1 to i32
      %sign3A_261 = arith.constant 0 : i32
      %sign3A_262 = arith.cmpi slt, %jit3A_249, %sign3A_261 : i32
      %sign3A_263 = arith.extui %sign3A_262 : i1 to i32
      %sign3A_264 = arith.subi %sign3A_260, %sign3A_263 : i32
      %ne3A_265 = arith.cmpi ne, %sign3A_257, %sign3A_264 : i32
      %rem3A_266 = arith.remsi %get3A_244, %jit3A_249 : i32
      %ne3A_267 = arith.constant 0 : i32
      %ne3A_268 = arith.cmpi ne, %rem3A_266, %ne3A_267 : i32
      %and3A_269 = arith.andi %ne3A_265, %ne3A_268 : i1
      %sub3A_270 = arith.constant 1 : i32
      %sub3A_271 = arith.subi %div3A_250, %sub3A_270 : i32
      %select_n3A_272 = arith.select %and3A_269, %sub3A_271, %div3A_250 : i32
      %mul3A_273 = arith.constant 128 : i32
      %mul3A_274 = arith.muli %select_n3A_272, %mul3A_273 : i32
      %multiple_of3A_275 = tpu.assume_multiple %mul3A_274, 128 : i32
      %get3A_276 = arith.constant 0 : index
      %get3A_277 = arith.index_cast %multiple_of3A_275 : i32 to index
      %get3A_278 = vector.load %arg6[%get3A_276, %get3A_277] : memref<32x100000xf32, #tpu.memory_space<vmem>>, vector<32x128xf32>
      %eq3A_279 = vector.broadcast %get3A_248 : i32 to vector<32x1xi32>
      %eq3A_280 = arith.cmpi eq, %get3A_10, %eq3A_279 : vector<32x1xi32>
      %and3A_281 = arith.andi %eq3A_280, %and3A_46 : vector<32x1xi1>
      %lt3A_282 = arith.cmpi slt, %add3A_237, %get3A_20 : i32
      %and3A_283 = vector.broadcast %lt3A_282 : i1 to vector<32x1xi1>
      %and3A_284 = arith.andi %and3A_281, %and3A_283 : vector<32x1xi1>
      %jit3A_285 = arith.constant 0.000000e+00 : f32
      %broadcast_in_dim3A_286 = vector.broadcast %jit3A_285 : f32 to vector<32x1xf32>
      %select_n3A_287 = arith.select %and3A_284, %get3A_13, %broadcast_in_dim3A_286 : vector<32x1xi1>, vector<32x1xf32>
      %jit3A_288 = arith.constant 128 : i32
      %eq3A_289 = arith.constant 0 : i32
      %eq3A_290 = arith.cmpi eq, %jit3A_288, %eq3A_289 : i32
      %jit3A_291 = arith.constant 1 : i32
      %select_n3A_292 = arith.select %eq3A_290, %jit3A_291, %jit3A_288 : i32
      %rem3A_293 = arith.remsi %get3A_244, %select_n3A_292 : i32
      %ne3A_294 = arith.constant 0 : i32
      %ne3A_295 = arith.cmpi ne, %rem3A_293, %ne3A_294 : i32
      %lt3A_296 = arith.constant 0 : i32
      %lt3A_297 = arith.cmpi slt, %rem3A_293, %lt3A_296 : i32
      %lt3A_298 = arith.constant 0 : i32
      %lt3A_299 = arith.cmpi slt, %select_n3A_292, %lt3A_298 : i32
      %ne3A_300 = arith.xori %lt3A_297, %lt3A_299 : i1
      %and3A_301 = arith.andi %ne3A_300, %ne3A_295 : i1
      %add3A_302 = arith.addi %rem3A_293, %select_n3A_292 : i32
      %select_n3A_303 = arith.select %and3A_301, %add3A_302, %rem3A_293 : i32
      %eq3A_304 = vector.broadcast %select_n3A_303 : i32 to vector<32x128xi32>
      %eq3A_305 = arith.cmpi eq, %iota3A, %eq3A_304 : vector<32x128xi32>
      %mul3A_306 = vector.broadcast %select_n3A_287 : vector<32x1xf32> to vector<32x128xf32>
      %mul3A_307 = arith.mulf %get3A_278, %mul3A_306 : vector<32x128xf32>
      %jit3A_308 = arith.constant 0.000000e+00 : f32
      %broadcast_in_dim3A_309 = vector.broadcast %jit3A_308 : f32 to vector<32x128xf32>
      %select_n3A_310 = arith.select %eq3A_305, %mul3A_307, %broadcast_in_dim3A_309 : vector<32x128xi1>, vector<32x128xf32>
      %add3A_311 = arith.addf %add3A_233, %select_n3A_310 : vector<32x128xf32>
      %mul3A_312 = arith.constant 16 : i32
      %mul3A_313 = arith.muli %while3A_79, %mul3A_312 : i32
      %add3A_314 = arith.constant 3 : i32
      %add3A_315 = arith.addi %mul3A_313, %add3A_314 : i32
      %sub3A_316 = arith.constant 1 : i32
      %sub3A_317 = arith.subi %get3A_20, %sub3A_316 : i32
      %min3A_318 = arith.minsi %add3A_315, %sub3A_317 : i32
      %get3A_319 = arith.constant 0 : index
      %get3A_320 = arith.constant 0 : index
      %get3A_321 = arith.index_cast %min3A_318 : i32 to index
      %get3A_322 = memref.load %arg2[%get3A_319, %get3A_320, %get3A_321] : memref<1x1x1024xi32, #tpu.memory_space<smem>>
      %get3A_323 = arith.constant 0 : index
      %get3A_324 = arith.constant 0 : index
      %get3A_325 = arith.index_cast %min3A_318 : i32 to index
      %get3A_326 = memref.load %arg3[%get3A_323, %get3A_324, %get3A_325] : memref<1x1x1024xi32, #tpu.memory_space<smem>>
      %jit3A_327 = arith.constant 128 : i32
      %div3A_328 = arith.divsi %get3A_322, %jit3A_327 : i32
      %sign3A_329 = arith.constant 0 : i32
      %sign3A_330 = arith.cmpi sgt, %get3A_322, %sign3A_329 : i32
      %sign3A_331 = arith.extui %sign3A_330 : i1 to i32
      %sign3A_332 = arith.constant 0 : i32
      %sign3A_333 = arith.cmpi slt, %get3A_322, %sign3A_332 : i32
      %sign3A_334 = arith.extui %sign3A_333 : i1 to i32
      %sign3A_335 = arith.subi %sign3A_331, %sign3A_334 : i32
      %sign3A_336 = arith.constant 0 : i32
      %sign3A_337 = arith.cmpi sgt, %jit3A_327, %sign3A_336 : i32
      %sign3A_338 = arith.extui %sign3A_337 : i1 to i32
      %sign3A_339 = arith.constant 0 : i32
      %sign3A_340 = arith.cmpi slt, %jit3A_327, %sign3A_339 : i32
      %sign3A_341 = arith.extui %sign3A_340 : i1 to i32
      %sign3A_342 = arith.subi %sign3A_338, %sign3A_341 : i32
      %ne3A_343 = arith.cmpi ne, %sign3A_335, %sign3A_342 : i32
      %rem3A_344 = arith.remsi %get3A_322, %jit3A_327 : i32
      %ne3A_345 = arith.constant 0 : i32
      %ne3A_346 = arith.cmpi ne, %rem3A_344, %ne3A_345 : i32
      %and3A_347 = arith.andi %ne3A_343, %ne3A_346 : i1
      %sub3A_348 = arith.constant 1 : i32
      %sub3A_349 = arith.subi %div3A_328, %sub3A_348 : i32
      %select_n3A_350 = arith.select %and3A_347, %sub3A_349, %div3A_328 : i32
      %mul3A_351 = arith.constant 128 : i32
      %mul3A_352 = arith.muli %select_n3A_350, %mul3A_351 : i32
      %multiple_of3A_353 = tpu.assume_multiple %mul3A_352, 128 : i32
      %get3A_354 = arith.constant 0 : index
      %get3A_355 = arith.index_cast %multiple_of3A_353 : i32 to index
      %get3A_356 = vector.load %arg6[%get3A_354, %get3A_355] : memref<32x100000xf32, #tpu.memory_space<vmem>>, vector<32x128xf32>
      %eq3A_357 = vector.broadcast %get3A_326 : i32 to vector<32x1xi32>
      %eq3A_358 = arith.cmpi eq, %get3A_10, %eq3A_357 : vector<32x1xi32>
      %and3A_359 = arith.andi %eq3A_358, %and3A_46 : vector<32x1xi1>
      %lt3A_360 = arith.cmpi slt, %add3A_315, %get3A_20 : i32
      %and3A_361 = vector.broadcast %lt3A_360 : i1 to vector<32x1xi1>
      %and3A_362 = arith.andi %and3A_359, %and3A_361 : vector<32x1xi1>
      %jit3A_363 = arith.constant 0.000000e+00 : f32
      %broadcast_in_dim3A_364 = vector.broadcast %jit3A_363 : f32 to vector<32x1xf32>
      %select_n3A_365 = arith.select %and3A_362, %get3A_13, %broadcast_in_dim3A_364 : vector<32x1xi1>, vector<32x1xf32>
      %jit3A_366 = arith.constant 128 : i32
      %eq3A_367 = arith.constant 0 : i32
      %eq3A_368 = arith.cmpi eq, %jit3A_366, %eq3A_367 : i32
      %jit3A_369 = arith.constant 1 : i32
      %select_n3A_370 = arith.select %eq3A_368, %jit3A_369, %jit3A_366 : i32
      %rem3A_371 = arith.remsi %get3A_322, %select_n3A_370 : i32
      %ne3A_372 = arith.constant 0 : i32
      %ne3A_373 = arith.cmpi ne, %rem3A_371, %ne3A_372 : i32
      %lt3A_374 = arith.constant 0 : i32
      %lt3A_375 = arith.cmpi slt, %rem3A_371, %lt3A_374 : i32
      %lt3A_376 = arith.constant 0 : i32
      %lt3A_377 = arith.cmpi slt, %select_n3A_370, %lt3A_376 : i32
      %ne3A_378 = arith.xori %lt3A_375, %lt3A_377 : i1
      %and3A_379 = arith.andi %ne3A_378, %ne3A_373 : i1
      %add3A_380 = arith.addi %rem3A_371, %select_n3A_370 : i32
      %select_n3A_381 = arith.select %and3A_379, %add3A_380, %rem3A_371 : i32
      %eq3A_382 = vector.broadcast %select_n3A_381 : i32 to vector<32x128xi32>
      %eq3A_383 = arith.cmpi eq, %iota3A, %eq3A_382 : vector<32x128xi32>
      %mul3A_384 = vector.broadcast %select_n3A_365 : vector<32x1xf32> to vector<32x128xf32>
      %mul3A_385 = arith.mulf %get3A_356, %mul3A_384 : vector<32x128xf32>
      %jit3A_386 = arith.constant 0.000000e+00 : f32
      %broadcast_in_dim3A_387 = vector.broadcast %jit3A_386 : f32 to vector<32x128xf32>
      %select_n3A_388 = arith.select %eq3A_383, %mul3A_385, %broadcast_in_dim3A_387 : vector<32x128xi1>, vector<32x128xf32>
      %add3A_389 = arith.addf %add3A_311, %select_n3A_388 : vector<32x128xf32>
      %mul3A_390 = arith.constant 16 : i32
      %mul3A_391 = arith.muli %while3A_79, %mul3A_390 : i32
      %add3A_392 = arith.constant 4 : i32
      %add3A_393 = arith.addi %mul3A_391, %add3A_392 : i32
      %sub3A_394 = arith.constant 1 : i32
      %sub3A_395 = arith.subi %get3A_20, %sub3A_394 : i32
      %min3A_396 = arith.minsi %add3A_393, %sub3A_395 : i32
      %get3A_397 = arith.constant 0 : index
      %get3A_398 = arith.constant 0 : index
      %get3A_399 = arith.index_cast %min3A_396 : i32 to index
      %get3A_400 = memref.load %arg2[%get3A_397, %get3A_398, %get3A_399] : memref<1x1x1024xi32, #tpu.memory_space<smem>>
      %get3A_401 = arith.constant 0 : index
      %get3A_402 = arith.constant 0 : index
      %get3A_403 = arith.index_cast %min3A_396 : i32 to index
      %get3A_404 = memref.load %arg3[%get3A_401, %get3A_402, %get3A_403] : memref<1x1x1024xi32, #tpu.memory_space<smem>>
      %jit3A_405 = arith.constant 128 : i32
      %div3A_406 = arith.divsi %get3A_400, %jit3A_405 : i32
      %sign3A_407 = arith.constant 0 : i32
      %sign3A_408 = arith.cmpi sgt, %get3A_400, %sign3A_407 : i32
      %sign3A_409 = arith.extui %sign3A_408 : i1 to i32
      %sign3A_410 = arith.constant 0 : i32
      %sign3A_411 = arith.cmpi slt, %get3A_400, %sign3A_410 : i32
      %sign3A_412 = arith.extui %sign3A_411 : i1 to i32
      %sign3A_413 = arith.subi %sign3A_409, %sign3A_412 : i32
      %sign3A_414 = arith.constant 0 : i32
      %sign3A_415 = arith.cmpi sgt, %jit3A_405, %sign3A_414 : i32
      %sign3A_416 = arith.extui %sign3A_415 : i1 to i32
      %sign3A_417 = arith.constant 0 : i32
      %sign3A_418 = arith.cmpi slt, %jit3A_405, %sign3A_417 : i32
      %sign3A_419 = arith.extui %sign3A_418 : i1 to i32
      %sign3A_420 = arith.subi %sign3A_416, %sign3A_419 : i32
      %ne3A_421 = arith.cmpi ne, %sign3A_413, %sign3A_420 : i32
      %rem3A_422 = arith.remsi %get3A_400, %jit3A_405 : i32
      %ne3A_423 = arith.constant 0 : i32
      %ne3A_424 = arith.cmpi ne, %rem3A_422, %ne3A_423 : i32
      %and3A_425 = arith.andi %ne3A_421, %ne3A_424 : i1
      %sub3A_426 = arith.constant 1 : i32
      %sub3A_427 = arith.subi %div3A_406, %sub3A_426 : i32
      %select_n3A_428 = arith.select %and3A_425, %sub3A_427, %div3A_406 : i32
      %mul3A_429 = arith.constant 128 : i32
      %mul3A_430 = arith.muli %select_n3A_428, %mul3A_429 : i32
      %multiple_of3A_431 = tpu.assume_multiple %mul3A_430, 128 : i32
      %get3A_432 = arith.constant 0 : index
      %get3A_433 = arith.index_cast %multiple_of3A_431 : i32 to index
      %get3A_434 = vector.load %arg6[%get3A_432, %get3A_433] : memref<32x100000xf32, #tpu.memory_space<vmem>>, vector<32x128xf32>
      %eq3A_435 = vector.broadcast %get3A_404 : i32 to vector<32x1xi32>
      %eq3A_436 = arith.cmpi eq, %get3A_10, %eq3A_435 : vector<32x1xi32>
      %and3A_437 = arith.andi %eq3A_436, %and3A_46 : vector<32x1xi1>
      %lt3A_438 = arith.cmpi slt, %add3A_393, %get3A_20 : i32
      %and3A_439 = vector.broadcast %lt3A_438 : i1 to vector<32x1xi1>
      %and3A_440 = arith.andi %and3A_437, %and3A_439 : vector<32x1xi1>
      %jit3A_441 = arith.constant 0.000000e+00 : f32
      %broadcast_in_dim3A_442 = vector.broadcast %jit3A_441 : f32 to vector<32x1xf32>
      %select_n3A_443 = arith.select %and3A_440, %get3A_13, %broadcast_in_dim3A_442 : vector<32x1xi1>, vector<32x1xf32>
      %jit3A_444 = arith.constant 128 : i32
      %eq3A_445 = arith.constant 0 : i32
      %eq3A_446 = arith.cmpi eq, %jit3A_444, %eq3A_445 : i32
      %jit3A_447 = arith.constant 1 : i32
      %select_n3A_448 = arith.select %eq3A_446, %jit3A_447, %jit3A_444 : i32
      %rem3A_449 = arith.remsi %get3A_400, %select_n3A_448 : i32
      %ne3A_450 = arith.constant 0 : i32
      %ne3A_451 = arith.cmpi ne, %rem3A_449, %ne3A_450 : i32
      %lt3A_452 = arith.constant 0 : i32
      %lt3A_453 = arith.cmpi slt, %rem3A_449, %lt3A_452 : i32
      %lt3A_454 = arith.constant 0 : i32
      %lt3A_455 = arith.cmpi slt, %select_n3A_448, %lt3A_454 : i32
      %ne3A_456 = arith.xori %lt3A_453, %lt3A_455 : i1
      %and3A_457 = arith.andi %ne3A_456, %ne3A_451 : i1
      %add3A_458 = arith.addi %rem3A_449, %select_n3A_448 : i32
      %select_n3A_459 = arith.select %and3A_457, %add3A_458, %rem3A_449 : i32
      %eq3A_460 = vector.broadcast %select_n3A_459 : i32 to vector<32x128xi32>
      %eq3A_461 = arith.cmpi eq, %iota3A, %eq3A_460 : vector<32x128xi32>
      %mul3A_462 = vector.broadcast %select_n3A_443 : vector<32x1xf32> to vector<32x128xf32>
      %mul3A_463 = arith.mulf %get3A_434, %mul3A_462 : vector<32x128xf32>
      %jit3A_464 = arith.constant 0.000000e+00 : f32
      %broadcast_in_dim3A_465 = vector.broadcast %jit3A_464 : f32 to vector<32x128xf32>
      %select_n3A_466 = arith.select %eq3A_461, %mul3A_463, %broadcast_in_dim3A_465 : vector<32x128xi1>, vector<32x128xf32>
      %add3A_467 = arith.addf %add3A_389, %select_n3A_466 : vector<32x128xf32>
      %mul3A_468 = arith.constant 16 : i32
      %mul3A_469 = arith.muli %while3A_79, %mul3A_468 : i32
      %add3A_470 = arith.constant 5 : i32
      %add3A_471 = arith.addi %mul3A_469, %add3A_470 : i32
      %sub3A_472 = arith.constant 1 : i32
      %sub3A_473 = arith.subi %get3A_20, %sub3A_472 : i32
      %min3A_474 = arith.minsi %add3A_471, %sub3A_473 : i32
      %get3A_475 = arith.constant 0 : index
      %get3A_476 = arith.constant 0 : index
      %get3A_477 = arith.index_cast %min3A_474 : i32 to index
      %get3A_478 = memref.load %arg2[%get3A_475, %get3A_476, %get3A_477] : memref<1x1x1024xi32, #tpu.memory_space<smem>>
      %get3A_479 = arith.constant 0 : index
      %get3A_480 = arith.constant 0 : index
      %get3A_481 = arith.index_cast %min3A_474 : i32 to index
      %get3A_482 = memref.load %arg3[%get3A_479, %get3A_480, %get3A_481] : memref<1x1x1024xi32, #tpu.memory_space<smem>>
      %jit3A_483 = arith.constant 128 : i32
      %div3A_484 = arith.divsi %get3A_478, %jit3A_483 : i32
      %sign3A_485 = arith.constant 0 : i32
      %sign3A_486 = arith.cmpi sgt, %get3A_478, %sign3A_485 : i32
      %sign3A_487 = arith.extui %sign3A_486 : i1 to i32
      %sign3A_488 = arith.constant 0 : i32
      %sign3A_489 = arith.cmpi slt, %get3A_478, %sign3A_488 : i32
      %sign3A_490 = arith.extui %sign3A_489 : i1 to i32
      %sign3A_491 = arith.subi %sign3A_487, %sign3A_490 : i32
      %sign3A_492 = arith.constant 0 : i32
      %sign3A_493 = arith.cmpi sgt, %jit3A_483, %sign3A_492 : i32
      %sign3A_494 = arith.extui %sign3A_493 : i1 to i32
      %sign3A_495 = arith.constant 0 : i32
      %sign3A_496 = arith.cmpi slt, %jit3A_483, %sign3A_495 : i32
      %sign3A_497 = arith.extui %sign3A_496 : i1 to i32
      %sign3A_498 = arith.subi %sign3A_494, %sign3A_497 : i32
      %ne3A_499 = arith.cmpi ne, %sign3A_491, %sign3A_498 : i32
      %rem3A_500 = arith.remsi %get3A_478, %jit3A_483 : i32
      %ne3A_501 = arith.constant 0 : i32
      %ne3A_502 = arith.cmpi ne, %rem3A_500, %ne3A_501 : i32
      %and3A_503 = arith.andi %ne3A_499, %ne3A_502 : i1
      %sub3A_504 = arith.constant 1 : i32
      %sub3A_505 = arith.subi %div3A_484, %sub3A_504 : i32
      %select_n3A_506 = arith.select %and3A_503, %sub3A_505, %div3A_484 : i32
      %mul3A_507 = arith.constant 128 : i32
      %mul3A_508 = arith.muli %select_n3A_506, %mul3A_507 : i32
      %multiple_of3A_509 = tpu.assume_multiple %mul3A_508, 128 : i32
      %get3A_510 = arith.constant 0 : index
      %get3A_511 = arith.index_cast %multiple_of3A_509 : i32 to index
      %get3A_512 = vector.load %arg6[%get3A_510, %get3A_511] : memref<32x100000xf32, #tpu.memory_space<vmem>>, vector<32x128xf32>
      %eq3A_513 = vector.broadcast %get3A_482 : i32 to vector<32x1xi32>
      %eq3A_514 = arith.cmpi eq, %get3A_10, %eq3A_513 : vector<32x1xi32>
      %and3A_515 = arith.andi %eq3A_514, %and3A_46 : vector<32x1xi1>
      %lt3A_516 = arith.cmpi slt, %add3A_471, %get3A_20 : i32
      %and3A_517 = vector.broadcast %lt3A_516 : i1 to vector<32x1xi1>
      %and3A_518 = arith.andi %and3A_515, %and3A_517 : vector<32x1xi1>
      %jit3A_519 = arith.constant 0.000000e+00 : f32
      %broadcast_in_dim3A_520 = vector.broadcast %jit3A_519 : f32 to vector<32x1xf32>
      %select_n3A_521 = arith.select %and3A_518, %get3A_13, %broadcast_in_dim3A_520 : vector<32x1xi1>, vector<32x1xf32>
      %jit3A_522 = arith.constant 128 : i32
      %eq3A_523 = arith.constant 0 : i32
      %eq3A_524 = arith.cmpi eq, %jit3A_522, %eq3A_523 : i32
      %jit3A_525 = arith.constant 1 : i32
      %select_n3A_526 = arith.select %eq3A_524, %jit3A_525, %jit3A_522 : i32
      %rem3A_527 = arith.remsi %get3A_478, %select_n3A_526 : i32
      %ne3A_528 = arith.constant 0 : i32
      %ne3A_529 = arith.cmpi ne, %rem3A_527, %ne3A_528 : i32
      %lt3A_530 = arith.constant 0 : i32
      %lt3A_531 = arith.cmpi slt, %rem3A_527, %lt3A_530 : i32
      %lt3A_532 = arith.constant 0 : i32
      %lt3A_533 = arith.cmpi slt, %select_n3A_526, %lt3A_532 : i32
      %ne3A_534 = arith.xori %lt3A_531, %lt3A_533 : i1
      %and3A_535 = arith.andi %ne3A_534, %ne3A_529 : i1
      %add3A_536 = arith.addi %rem3A_527, %select_n3A_526 : i32
      %select_n3A_537 = arith.select %and3A_535, %add3A_536, %rem3A_527 : i32
      %eq3A_538 = vector.broadcast %select_n3A_537 : i32 to vector<32x128xi32>
      %eq3A_539 = arith.cmpi eq, %iota3A, %eq3A_538 : vector<32x128xi32>
      %mul3A_540 = vector.broadcast %select_n3A_521 : vector<32x1xf32> to vector<32x128xf32>
      %mul3A_541 = arith.mulf %get3A_512, %mul3A_540 : vector<32x128xf32>
      %jit3A_542 = arith.constant 0.000000e+00 : f32
      %broadcast_in_dim3A_543 = vector.broadcast %jit3A_542 : f32 to vector<32x128xf32>
      %select_n3A_544 = arith.select %eq3A_539, %mul3A_541, %broadcast_in_dim3A_543 : vector<32x128xi1>, vector<32x128xf32>
      %add3A_545 = arith.addf %add3A_467, %select_n3A_544 : vector<32x128xf32>
      %mul3A_546 = arith.constant 16 : i32
      %mul3A_547 = arith.muli %while3A_79, %mul3A_546 : i32
      %add3A_548 = arith.constant 6 : i32
      %add3A_549 = arith.addi %mul3A_547, %add3A_548 : i32
      %sub3A_550 = arith.constant 1 : i32
      %sub3A_551 = arith.subi %get3A_20, %sub3A_550 : i32
      %min3A_552 = arith.minsi %add3A_549, %sub3A_551 : i32
      %get3A_553 = arith.constant 0 : index
      %get3A_554 = arith.constant 0 : index
      %get3A_555 = arith.index_cast %min3A_552 : i32 to index
      %get3A_556 = memref.load %arg2[%get3A_553, %get3A_554, %get3A_555] : memref<1x1x1024xi32, #tpu.memory_space<smem>>
      %get3A_557 = arith.constant 0 : index
      %get3A_558 = arith.constant 0 : index
      %get3A_559 = arith.index_cast %min3A_552 : i32 to index
      %get3A_560 = memref.load %arg3[%get3A_557, %get3A_558, %get3A_559] : memref<1x1x1024xi32, #tpu.memory_space<smem>>
      %jit3A_561 = arith.constant 128 : i32
      %div3A_562 = arith.divsi %get3A_556, %jit3A_561 : i32
      %sign3A_563 = arith.constant 0 : i32
      %sign3A_564 = arith.cmpi sgt, %get3A_556, %sign3A_563 : i32
      %sign3A_565 = arith.extui %sign3A_564 : i1 to i32
      %sign3A_566 = arith.constant 0 : i32
      %sign3A_567 = arith.cmpi slt, %get3A_556, %sign3A_566 : i32
      %sign3A_568 = arith.extui %sign3A_567 : i1 to i32
      %sign3A_569 = arith.subi %sign3A_565, %sign3A_568 : i32
      %sign3A_570 = arith.constant 0 : i32
      %sign3A_571 = arith.cmpi sgt, %jit3A_561, %sign3A_570 : i32
      %sign3A_572 = arith.extui %sign3A_571 : i1 to i32
      %sign3A_573 = arith.constant 0 : i32
      %sign3A_574 = arith.cmpi slt, %jit3A_561, %sign3A_573 : i32
      %sign3A_575 = arith.extui %sign3A_574 : i1 to i32
      %sign3A_576 = arith.subi %sign3A_572, %sign3A_575 : i32
      %ne3A_577 = arith.cmpi ne, %sign3A_569, %sign3A_576 : i32
      %rem3A_578 = arith.remsi %get3A_556, %jit3A_561 : i32
      %ne3A_579 = arith.constant 0 : i32
      %ne3A_580 = arith.cmpi ne, %rem3A_578, %ne3A_579 : i32
      %and3A_581 = arith.andi %ne3A_577, %ne3A_580 : i1
      %sub3A_582 = arith.constant 1 : i32
      %sub3A_583 = arith.subi %div3A_562, %sub3A_582 : i32
      %select_n3A_584 = arith.select %and3A_581, %sub3A_583, %div3A_562 : i32
      %mul3A_585 = arith.constant 128 : i32
      %mul3A_586 = arith.muli %select_n3A_584, %mul3A_585 : i32
      %multiple_of3A_587 = tpu.assume_multiple %mul3A_586, 128 : i32
      %get3A_588 = arith.constant 0 : index
      %get3A_589 = arith.index_cast %multiple_of3A_587 : i32 to index
      %get3A_590 = vector.load %arg6[%get3A_588, %get3A_589] : memref<32x100000xf32, #tpu.memory_space<vmem>>, vector<32x128xf32>
      %eq3A_591 = vector.broadcast %get3A_560 : i32 to vector<32x1xi32>
      %eq3A_592 = arith.cmpi eq, %get3A_10, %eq3A_591 : vector<32x1xi32>
      %and3A_593 = arith.andi %eq3A_592, %and3A_46 : vector<32x1xi1>
      %lt3A_594 = arith.cmpi slt, %add3A_549, %get3A_20 : i32
      %and3A_595 = vector.broadcast %lt3A_594 : i1 to vector<32x1xi1>
      %and3A_596 = arith.andi %and3A_593, %and3A_595 : vector<32x1xi1>
      %jit3A_597 = arith.constant 0.000000e+00 : f32
      %broadcast_in_dim3A_598 = vector.broadcast %jit3A_597 : f32 to vector<32x1xf32>
      %select_n3A_599 = arith.select %and3A_596, %get3A_13, %broadcast_in_dim3A_598 : vector<32x1xi1>, vector<32x1xf32>
      %jit3A_600 = arith.constant 128 : i32
      %eq3A_601 = arith.constant 0 : i32
      %eq3A_602 = arith.cmpi eq, %jit3A_600, %eq3A_601 : i32
      %jit3A_603 = arith.constant 1 : i32
      %select_n3A_604 = arith.select %eq3A_602, %jit3A_603, %jit3A_600 : i32
      %rem3A_605 = arith.remsi %get3A_556, %select_n3A_604 : i32
      %ne3A_606 = arith.constant 0 : i32
      %ne3A_607 = arith.cmpi ne, %rem3A_605, %ne3A_606 : i32
      %lt3A_608 = arith.constant 0 : i32
      %lt3A_609 = arith.cmpi slt, %rem3A_605, %lt3A_608 : i32
      %lt3A_610 = arith.constant 0 : i32
      %lt3A_611 = arith.cmpi slt, %select_n3A_604, %lt3A_610 : i32
      %ne3A_612 = arith.xori %lt3A_609, %lt3A_611 : i1
      %and3A_613 = arith.andi %ne3A_612, %ne3A_607 : i1
      %add3A_614 = arith.addi %rem3A_605, %select_n3A_604 : i32
      %select_n3A_615 = arith.select %and3A_613, %add3A_614, %rem3A_605 : i32
      %eq3A_616 = vector.broadcast %select_n3A_615 : i32 to vector<32x128xi32>
      %eq3A_617 = arith.cmpi eq, %iota3A, %eq3A_616 : vector<32x128xi32>
      %mul3A_618 = vector.broadcast %select_n3A_599 : vector<32x1xf32> to vector<32x128xf32>
      %mul3A_619 = arith.mulf %get3A_590, %mul3A_618 : vector<32x128xf32>
      %jit3A_620 = arith.constant 0.000000e+00 : f32
      %broadcast_in_dim3A_621 = vector.broadcast %jit3A_620 : f32 to vector<32x128xf32>
      %select_n3A_622 = arith.select %eq3A_617, %mul3A_619, %broadcast_in_dim3A_621 : vector<32x128xi1>, vector<32x128xf32>
      %add3A_623 = arith.addf %add3A_545, %select_n3A_622 : vector<32x128xf32>
      %mul3A_624 = arith.constant 16 : i32
      %mul3A_625 = arith.muli %while3A_79, %mul3A_624 : i32
      %add3A_626 = arith.constant 7 : i32
      %add3A_627 = arith.addi %mul3A_625, %add3A_626 : i32
      %sub3A_628 = arith.constant 1 : i32
      %sub3A_629 = arith.subi %get3A_20, %sub3A_628 : i32
      %min3A_630 = arith.minsi %add3A_627, %sub3A_629 : i32
      %get3A_631 = arith.constant 0 : index
      %get3A_632 = arith.constant 0 : index
      %get3A_633 = arith.index_cast %min3A_630 : i32 to index
      %get3A_634 = memref.load %arg2[%get3A_631, %get3A_632, %get3A_633] : memref<1x1x1024xi32, #tpu.memory_space<smem>>
      %get3A_635 = arith.constant 0 : index
      %get3A_636 = arith.constant 0 : index
      %get3A_637 = arith.index_cast %min3A_630 : i32 to index
      %get3A_638 = memref.load %arg3[%get3A_635, %get3A_636, %get3A_637] : memref<1x1x1024xi32, #tpu.memory_space<smem>>
      %jit3A_639 = arith.constant 128 : i32
      %div3A_640 = arith.divsi %get3A_634, %jit3A_639 : i32
      %sign3A_641 = arith.constant 0 : i32
      %sign3A_642 = arith.cmpi sgt, %get3A_634, %sign3A_641 : i32
      %sign3A_643 = arith.extui %sign3A_642 : i1 to i32
      %sign3A_644 = arith.constant 0 : i32
      %sign3A_645 = arith.cmpi slt, %get3A_634, %sign3A_644 : i32
      %sign3A_646 = arith.extui %sign3A_645 : i1 to i32
      %sign3A_647 = arith.subi %sign3A_643, %sign3A_646 : i32
      %sign3A_648 = arith.constant 0 : i32
      %sign3A_649 = arith.cmpi sgt, %jit3A_639, %sign3A_648 : i32
      %sign3A_650 = arith.extui %sign3A_649 : i1 to i32
      %sign3A_651 = arith.constant 0 : i32
      %sign3A_652 = arith.cmpi slt, %jit3A_639, %sign3A_651 : i32
      %sign3A_653 = arith.extui %sign3A_652 : i1 to i32
      %sign3A_654 = arith.subi %sign3A_650, %sign3A_653 : i32
      %ne3A_655 = arith.cmpi ne, %sign3A_647, %sign3A_654 : i32
      %rem3A_656 = arith.remsi %get3A_634, %jit3A_639 : i32
      %ne3A_657 = arith.constant 0 : i32
      %ne3A_658 = arith.cmpi ne, %rem3A_656, %ne3A_657 : i32
      %and3A_659 = arith.andi %ne3A_655, %ne3A_658 : i1
      %sub3A_660 = arith.constant 1 : i32
      %sub3A_661 = arith.subi %div3A_640, %sub3A_660 : i32
      %select_n3A_662 = arith.select %and3A_659, %sub3A_661, %div3A_640 : i32
      %mul3A_663 = arith.constant 128 : i32
      %mul3A_664 = arith.muli %select_n3A_662, %mul3A_663 : i32
      %multiple_of3A_665 = tpu.assume_multiple %mul3A_664, 128 : i32
      %get3A_666 = arith.constant 0 : index
      %get3A_667 = arith.index_cast %multiple_of3A_665 : i32 to index
      %get3A_668 = vector.load %arg6[%get3A_666, %get3A_667] : memref<32x100000xf32, #tpu.memory_space<vmem>>, vector<32x128xf32>
      %eq3A_669 = vector.broadcast %get3A_638 : i32 to vector<32x1xi32>
      %eq3A_670 = arith.cmpi eq, %get3A_10, %eq3A_669 : vector<32x1xi32>
      %and3A_671 = arith.andi %eq3A_670, %and3A_46 : vector<32x1xi1>
      %lt3A_672 = arith.cmpi slt, %add3A_627, %get3A_20 : i32
      %and3A_673 = vector.broadcast %lt3A_672 : i1 to vector<32x1xi1>
      %and3A_674 = arith.andi %and3A_671, %and3A_673 : vector<32x1xi1>
      %jit3A_675 = arith.constant 0.000000e+00 : f32
      %broadcast_in_dim3A_676 = vector.broadcast %jit3A_675 : f32 to vector<32x1xf32>
      %select_n3A_677 = arith.select %and3A_674, %get3A_13, %broadcast_in_dim3A_676 : vector<32x1xi1>, vector<32x1xf32>
      %jit3A_678 = arith.constant 128 : i32
      %eq3A_679 = arith.constant 0 : i32
      %eq3A_680 = arith.cmpi eq, %jit3A_678, %eq3A_679 : i32
      %jit3A_681 = arith.constant 1 : i32
      %select_n3A_682 = arith.select %eq3A_680, %jit3A_681, %jit3A_678 : i32
      %rem3A_683 = arith.remsi %get3A_634, %select_n3A_682 : i32
      %ne3A_684 = arith.constant 0 : i32
      %ne3A_685 = arith.cmpi ne, %rem3A_683, %ne3A_684 : i32
      %lt3A_686 = arith.constant 0 : i32
      %lt3A_687 = arith.cmpi slt, %rem3A_683, %lt3A_686 : i32
      %lt3A_688 = arith.constant 0 : i32
      %lt3A_689 = arith.cmpi slt, %select_n3A_682, %lt3A_688 : i32
      %ne3A_690 = arith.xori %lt3A_687, %lt3A_689 : i1
      %and3A_691 = arith.andi %ne3A_690, %ne3A_685 : i1
      %add3A_692 = arith.addi %rem3A_683, %select_n3A_682 : i32
      %select_n3A_693 = arith.select %and3A_691, %add3A_692, %rem3A_683 : i32
      %eq3A_694 = vector.broadcast %select_n3A_693 : i32 to vector<32x128xi32>
      %eq3A_695 = arith.cmpi eq, %iota3A, %eq3A_694 : vector<32x128xi32>
      %mul3A_696 = vector.broadcast %select_n3A_677 : vector<32x1xf32> to vector<32x128xf32>
      %mul3A_697 = arith.mulf %get3A_668, %mul3A_696 : vector<32x128xf32>
      %jit3A_698 = arith.constant 0.000000e+00 : f32
      %broadcast_in_dim3A_699 = vector.broadcast %jit3A_698 : f32 to vector<32x128xf32>
      %select_n3A_700 = arith.select %eq3A_695, %mul3A_697, %broadcast_in_dim3A_699 : vector<32x128xi1>, vector<32x128xf32>
      %add3A_701 = arith.addf %add3A_623, %select_n3A_700 : vector<32x128xf32>
      %mul3A_702 = arith.constant 16 : i32
      %mul3A_703 = arith.muli %while3A_79, %mul3A_702 : i32
      %add3A_704 = arith.constant 8 : i32
      %add3A_705 = arith.addi %mul3A_703, %add3A_704 : i32
      %sub3A_706 = arith.constant 1 : i32
      %sub3A_707 = arith.subi %get3A_20, %sub3A_706 : i32
      %min3A_708 = arith.minsi %add3A_705, %sub3A_707 : i32
      %get3A_709 = arith.constant 0 : index
      %get3A_710 = arith.constant 0 : index
      %get3A_711 = arith.index_cast %min3A_708 : i32 to index
      %get3A_712 = memref.load %arg2[%get3A_709, %get3A_710, %get3A_711] : memref<1x1x1024xi32, #tpu.memory_space<smem>>
      %get3A_713 = arith.constant 0 : index
      %get3A_714 = arith.constant 0 : index
      %get3A_715 = arith.index_cast %min3A_708 : i32 to index
      %get3A_716 = memref.load %arg3[%get3A_713, %get3A_714, %get3A_715] : memref<1x1x1024xi32, #tpu.memory_space<smem>>
      %jit3A_717 = arith.constant 128 : i32
      %div3A_718 = arith.divsi %get3A_712, %jit3A_717 : i32
      %sign3A_719 = arith.constant 0 : i32
      %sign3A_720 = arith.cmpi sgt, %get3A_712, %sign3A_719 : i32
      %sign3A_721 = arith.extui %sign3A_720 : i1 to i32
      %sign3A_722 = arith.constant 0 : i32
      %sign3A_723 = arith.cmpi slt, %get3A_712, %sign3A_722 : i32
      %sign3A_724 = arith.extui %sign3A_723 : i1 to i32
      %sign3A_725 = arith.subi %sign3A_721, %sign3A_724 : i32
      %sign3A_726 = arith.constant 0 : i32
      %sign3A_727 = arith.cmpi sgt, %jit3A_717, %sign3A_726 : i32
      %sign3A_728 = arith.extui %sign3A_727 : i1 to i32
      %sign3A_729 = arith.constant 0 : i32
      %sign3A_730 = arith.cmpi slt, %jit3A_717, %sign3A_729 : i32
      %sign3A_731 = arith.extui %sign3A_730 : i1 to i32
      %sign3A_732 = arith.subi %sign3A_728, %sign3A_731 : i32
      %ne3A_733 = arith.cmpi ne, %sign3A_725, %sign3A_732 : i32
      %rem3A_734 = arith.remsi %get3A_712, %jit3A_717 : i32
      %ne3A_735 = arith.constant 0 : i32
      %ne3A_736 = arith.cmpi ne, %rem3A_734, %ne3A_735 : i32
      %and3A_737 = arith.andi %ne3A_733, %ne3A_736 : i1
      %sub3A_738 = arith.constant 1 : i32
      %sub3A_739 = arith.subi %div3A_718, %sub3A_738 : i32
      %select_n3A_740 = arith.select %and3A_737, %sub3A_739, %div3A_718 : i32
      %mul3A_741 = arith.constant 128 : i32
      %mul3A_742 = arith.muli %select_n3A_740, %mul3A_741 : i32
      %multiple_of3A_743 = tpu.assume_multiple %mul3A_742, 128 : i32
      %get3A_744 = arith.constant 0 : index
      %get3A_745 = arith.index_cast %multiple_of3A_743 : i32 to index
      %get3A_746 = vector.load %arg6[%get3A_744, %get3A_745] : memref<32x100000xf32, #tpu.memory_space<vmem>>, vector<32x128xf32>
      %eq3A_747 = vector.broadcast %get3A_716 : i32 to vector<32x1xi32>
      %eq3A_748 = arith.cmpi eq, %get3A_10, %eq3A_747 : vector<32x1xi32>
      %and3A_749 = arith.andi %eq3A_748, %and3A_46 : vector<32x1xi1>
      %lt3A_750 = arith.cmpi slt, %add3A_705, %get3A_20 : i32
      %and3A_751 = vector.broadcast %lt3A_750 : i1 to vector<32x1xi1>
      %and3A_752 = arith.andi %and3A_749, %and3A_751 : vector<32x1xi1>
      %jit3A_753 = arith.constant 0.000000e+00 : f32
      %broadcast_in_dim3A_754 = vector.broadcast %jit3A_753 : f32 to vector<32x1xf32>
      %select_n3A_755 = arith.select %and3A_752, %get3A_13, %broadcast_in_dim3A_754 : vector<32x1xi1>, vector<32x1xf32>
      %jit3A_756 = arith.constant 128 : i32
      %eq3A_757 = arith.constant 0 : i32
      %eq3A_758 = arith.cmpi eq, %jit3A_756, %eq3A_757 : i32
      %jit3A_759 = arith.constant 1 : i32
      %select_n3A_760 = arith.select %eq3A_758, %jit3A_759, %jit3A_756 : i32
      %rem3A_761 = arith.remsi %get3A_712, %select_n3A_760 : i32
      %ne3A_762 = arith.constant 0 : i32
      %ne3A_763 = arith.cmpi ne, %rem3A_761, %ne3A_762 : i32
      %lt3A_764 = arith.constant 0 : i32
      %lt3A_765 = arith.cmpi slt, %rem3A_761, %lt3A_764 : i32
      %lt3A_766 = arith.constant 0 : i32
      %lt3A_767 = arith.cmpi slt, %select_n3A_760, %lt3A_766 : i32
      %ne3A_768 = arith.xori %lt3A_765, %lt3A_767 : i1
      %and3A_769 = arith.andi %ne3A_768, %ne3A_763 : i1
      %add3A_770 = arith.addi %rem3A_761, %select_n3A_760 : i32
      %select_n3A_771 = arith.select %and3A_769, %add3A_770, %rem3A_761 : i32
      %eq3A_772 = vector.broadcast %select_n3A_771 : i32 to vector<32x128xi32>
      %eq3A_773 = arith.cmpi eq, %iota3A, %eq3A_772 : vector<32x128xi32>
      %mul3A_774 = vector.broadcast %select_n3A_755 : vector<32x1xf32> to vector<32x128xf32>
      %mul3A_775 = arith.mulf %get3A_746, %mul3A_774 : vector<32x128xf32>
      %jit3A_776 = arith.constant 0.000000e+00 : f32
      %broadcast_in_dim3A_777 = vector.broadcast %jit3A_776 : f32 to vector<32x128xf32>
      %select_n3A_778 = arith.select %eq3A_773, %mul3A_775, %broadcast_in_dim3A_777 : vector<32x128xi1>, vector<32x128xf32>
      %add3A_779 = arith.addf %add3A_701, %select_n3A_778 : vector<32x128xf32>
      %mul3A_780 = arith.constant 16 : i32
      %mul3A_781 = arith.muli %while3A_79, %mul3A_780 : i32
      %add3A_782 = arith.constant 9 : i32
      %add3A_783 = arith.addi %mul3A_781, %add3A_782 : i32
      %sub3A_784 = arith.constant 1 : i32
      %sub3A_785 = arith.subi %get3A_20, %sub3A_784 : i32
      %min3A_786 = arith.minsi %add3A_783, %sub3A_785 : i32
      %get3A_787 = arith.constant 0 : index
      %get3A_788 = arith.constant 0 : index
      %get3A_789 = arith.index_cast %min3A_786 : i32 to index
      %get3A_790 = memref.load %arg2[%get3A_787, %get3A_788, %get3A_789] : memref<1x1x1024xi32, #tpu.memory_space<smem>>
      %get3A_791 = arith.constant 0 : index
      %get3A_792 = arith.constant 0 : index
      %get3A_793 = arith.index_cast %min3A_786 : i32 to index
      %get3A_794 = memref.load %arg3[%get3A_791, %get3A_792, %get3A_793] : memref<1x1x1024xi32, #tpu.memory_space<smem>>
      %jit3A_795 = arith.constant 128 : i32
      %div3A_796 = arith.divsi %get3A_790, %jit3A_795 : i32
      %sign3A_797 = arith.constant 0 : i32
      %sign3A_798 = arith.cmpi sgt, %get3A_790, %sign3A_797 : i32
      %sign3A_799 = arith.extui %sign3A_798 : i1 to i32
      %sign3A_800 = arith.constant 0 : i32
      %sign3A_801 = arith.cmpi slt, %get3A_790, %sign3A_800 : i32
      %sign3A_802 = arith.extui %sign3A_801 : i1 to i32
      %sign3A_803 = arith.subi %sign3A_799, %sign3A_802 : i32
      %sign3A_804 = arith.constant 0 : i32
      %sign3A_805 = arith.cmpi sgt, %jit3A_795, %sign3A_804 : i32
      %sign3A_806 = arith.extui %sign3A_805 : i1 to i32
      %sign3A_807 = arith.constant 0 : i32
      %sign3A_808 = arith.cmpi slt, %jit3A_795, %sign3A_807 : i32
      %sign3A_809 = arith.extui %sign3A_808 : i1 to i32
      %sign3A_810 = arith.subi %sign3A_806, %sign3A_809 : i32
      %ne3A_811 = arith.cmpi ne, %sign3A_803, %sign3A_810 : i32
      %rem3A_812 = arith.remsi %get3A_790, %jit3A_795 : i32
      %ne3A_813 = arith.constant 0 : i32
      %ne3A_814 = arith.cmpi ne, %rem3A_812, %ne3A_813 : i32
      %and3A_815 = arith.andi %ne3A_811, %ne3A_814 : i1
      %sub3A_816 = arith.constant 1 : i32
      %sub3A_817 = arith.subi %div3A_796, %sub3A_816 : i32
      %select_n3A_818 = arith.select %and3A_815, %sub3A_817, %div3A_796 : i32
      %mul3A_819 = arith.constant 128 : i32
      %mul3A_820 = arith.muli %select_n3A_818, %mul3A_819 : i32
      %multiple_of3A_821 = tpu.assume_multiple %mul3A_820, 128 : i32
      %get3A_822 = arith.constant 0 : index
      %get3A_823 = arith.index_cast %multiple_of3A_821 : i32 to index
      %get3A_824 = vector.load %arg6[%get3A_822, %get3A_823] : memref<32x100000xf32, #tpu.memory_space<vmem>>, vector<32x128xf32>
      %eq3A_825 = vector.broadcast %get3A_794 : i32 to vector<32x1xi32>
      %eq3A_826 = arith.cmpi eq, %get3A_10, %eq3A_825 : vector<32x1xi32>
      %and3A_827 = arith.andi %eq3A_826, %and3A_46 : vector<32x1xi1>
      %lt3A_828 = arith.cmpi slt, %add3A_783, %get3A_20 : i32
      %and3A_829 = vector.broadcast %lt3A_828 : i1 to vector<32x1xi1>
      %and3A_830 = arith.andi %and3A_827, %and3A_829 : vector<32x1xi1>
      %jit3A_831 = arith.constant 0.000000e+00 : f32
      %broadcast_in_dim3A_832 = vector.broadcast %jit3A_831 : f32 to vector<32x1xf32>
      %select_n3A_833 = arith.select %and3A_830, %get3A_13, %broadcast_in_dim3A_832 : vector<32x1xi1>, vector<32x1xf32>
      %jit3A_834 = arith.constant 128 : i32
      %eq3A_835 = arith.constant 0 : i32
      %eq3A_836 = arith.cmpi eq, %jit3A_834, %eq3A_835 : i32
      %jit3A_837 = arith.constant 1 : i32
      %select_n3A_838 = arith.select %eq3A_836, %jit3A_837, %jit3A_834 : i32
      %rem3A_839 = arith.remsi %get3A_790, %select_n3A_838 : i32
      %ne3A_840 = arith.constant 0 : i32
      %ne3A_841 = arith.cmpi ne, %rem3A_839, %ne3A_840 : i32
      %lt3A_842 = arith.constant 0 : i32
      %lt3A_843 = arith.cmpi slt, %rem3A_839, %lt3A_842 : i32
      %lt3A_844 = arith.constant 0 : i32
      %lt3A_845 = arith.cmpi slt, %select_n3A_838, %lt3A_844 : i32
      %ne3A_846 = arith.xori %lt3A_843, %lt3A_845 : i1
      %and3A_847 = arith.andi %ne3A_846, %ne3A_841 : i1
      %add3A_848 = arith.addi %rem3A_839, %select_n3A_838 : i32
      %select_n3A_849 = arith.select %and3A_847, %add3A_848, %rem3A_839 : i32
      %eq3A_850 = vector.broadcast %select_n3A_849 : i32 to vector<32x128xi32>
      %eq3A_851 = arith.cmpi eq, %iota3A, %eq3A_850 : vector<32x128xi32>
      %mul3A_852 = vector.broadcast %select_n3A_833 : vector<32x1xf32> to vector<32x128xf32>
      %mul3A_853 = arith.mulf %get3A_824, %mul3A_852 : vector<32x128xf32>
      %jit3A_854 = arith.constant 0.000000e+00 : f32
      %broadcast_in_dim3A_855 = vector.broadcast %jit3A_854 : f32 to vector<32x128xf32>
      %select_n3A_856 = arith.select %eq3A_851, %mul3A_853, %broadcast_in_dim3A_855 : vector<32x128xi1>, vector<32x128xf32>
      %add3A_857 = arith.addf %add3A_779, %select_n3A_856 : vector<32x128xf32>
      %mul3A_858 = arith.constant 16 : i32
      %mul3A_859 = arith.muli %while3A_79, %mul3A_858 : i32
      %add3A_860 = arith.constant 10 : i32
      %add3A_861 = arith.addi %mul3A_859, %add3A_860 : i32
      %sub3A_862 = arith.constant 1 : i32
      %sub3A_863 = arith.subi %get3A_20, %sub3A_862 : i32
      %min3A_864 = arith.minsi %add3A_861, %sub3A_863 : i32
      %get3A_865 = arith.constant 0 : index
      %get3A_866 = arith.constant 0 : index
      %get3A_867 = arith.index_cast %min3A_864 : i32 to index
      %get3A_868 = memref.load %arg2[%get3A_865, %get3A_866, %get3A_867] : memref<1x1x1024xi32, #tpu.memory_space<smem>>
      %get3A_869 = arith.constant 0 : index
      %get3A_870 = arith.constant 0 : index
      %get3A_871 = arith.index_cast %min3A_864 : i32 to index
      %get3A_872 = memref.load %arg3[%get3A_869, %get3A_870, %get3A_871] : memref<1x1x1024xi32, #tpu.memory_space<smem>>
      %jit3A_873 = arith.constant 128 : i32
      %div3A_874 = arith.divsi %get3A_868, %jit3A_873 : i32
      %sign3A_875 = arith.constant 0 : i32
      %sign3A_876 = arith.cmpi sgt, %get3A_868, %sign3A_875 : i32
      %sign3A_877 = arith.extui %sign3A_876 : i1 to i32
      %sign3A_878 = arith.constant 0 : i32
      %sign3A_879 = arith.cmpi slt, %get3A_868, %sign3A_878 : i32
      %sign3A_880 = arith.extui %sign3A_879 : i1 to i32
      %sign3A_881 = arith.subi %sign3A_877, %sign3A_880 : i32
      %sign3A_882 = arith.constant 0 : i32
      %sign3A_883 = arith.cmpi sgt, %jit3A_873, %sign3A_882 : i32
      %sign3A_884 = arith.extui %sign3A_883 : i1 to i32
      %sign3A_885 = arith.constant 0 : i32
      %sign3A_886 = arith.cmpi slt, %jit3A_873, %sign3A_885 : i32
      %sign3A_887 = arith.extui %sign3A_886 : i1 to i32
      %sign3A_888 = arith.subi %sign3A_884, %sign3A_887 : i32
      %ne3A_889 = arith.cmpi ne, %sign3A_881, %sign3A_888 : i32
      %rem3A_890 = arith.remsi %get3A_868, %jit3A_873 : i32
      %ne3A_891 = arith.constant 0 : i32
      %ne3A_892 = arith.cmpi ne, %rem3A_890, %ne3A_891 : i32
      %and3A_893 = arith.andi %ne3A_889, %ne3A_892 : i1
      %sub3A_894 = arith.constant 1 : i32
      %sub3A_895 = arith.subi %div3A_874, %sub3A_894 : i32
      %select_n3A_896 = arith.select %and3A_893, %sub3A_895, %div3A_874 : i32
      %mul3A_897 = arith.constant 128 : i32
      %mul3A_898 = arith.muli %select_n3A_896, %mul3A_897 : i32
      %multiple_of3A_899 = tpu.assume_multiple %mul3A_898, 128 : i32
      %get3A_900 = arith.constant 0 : index
      %get3A_901 = arith.index_cast %multiple_of3A_899 : i32 to index
      %get3A_902 = vector.load %arg6[%get3A_900, %get3A_901] : memref<32x100000xf32, #tpu.memory_space<vmem>>, vector<32x128xf32>
      %eq3A_903 = vector.broadcast %get3A_872 : i32 to vector<32x1xi32>
      %eq3A_904 = arith.cmpi eq, %get3A_10, %eq3A_903 : vector<32x1xi32>
      %and3A_905 = arith.andi %eq3A_904, %and3A_46 : vector<32x1xi1>
      %lt3A_906 = arith.cmpi slt, %add3A_861, %get3A_20 : i32
      %and3A_907 = vector.broadcast %lt3A_906 : i1 to vector<32x1xi1>
      %and3A_908 = arith.andi %and3A_905, %and3A_907 : vector<32x1xi1>
      %jit3A_909 = arith.constant 0.000000e+00 : f32
      %broadcast_in_dim3A_910 = vector.broadcast %jit3A_909 : f32 to vector<32x1xf32>
      %select_n3A_911 = arith.select %and3A_908, %get3A_13, %broadcast_in_dim3A_910 : vector<32x1xi1>, vector<32x1xf32>
      %jit3A_912 = arith.constant 128 : i32
      %eq3A_913 = arith.constant 0 : i32
      %eq3A_914 = arith.cmpi eq, %jit3A_912, %eq3A_913 : i32
      %jit3A_915 = arith.constant 1 : i32
      %select_n3A_916 = arith.select %eq3A_914, %jit3A_915, %jit3A_912 : i32
      %rem3A_917 = arith.remsi %get3A_868, %select_n3A_916 : i32
      %ne3A_918 = arith.constant 0 : i32
      %ne3A_919 = arith.cmpi ne, %rem3A_917, %ne3A_918 : i32
      %lt3A_920 = arith.constant 0 : i32
      %lt3A_921 = arith.cmpi slt, %rem3A_917, %lt3A_920 : i32
      %lt3A_922 = arith.constant 0 : i32
      %lt3A_923 = arith.cmpi slt, %select_n3A_916, %lt3A_922 : i32
      %ne3A_924 = arith.xori %lt3A_921, %lt3A_923 : i1
      %and3A_925 = arith.andi %ne3A_924, %ne3A_919 : i1
      %add3A_926 = arith.addi %rem3A_917, %select_n3A_916 : i32
      %select_n3A_927 = arith.select %and3A_925, %add3A_926, %rem3A_917 : i32
      %eq3A_928 = vector.broadcast %select_n3A_927 : i32 to vector<32x128xi32>
      %eq3A_929 = arith.cmpi eq, %iota3A, %eq3A_928 : vector<32x128xi32>
      %mul3A_930 = vector.broadcast %select_n3A_911 : vector<32x1xf32> to vector<32x128xf32>
      %mul3A_931 = arith.mulf %get3A_902, %mul3A_930 : vector<32x128xf32>
      %jit3A_932 = arith.constant 0.000000e+00 : f32
      %broadcast_in_dim3A_933 = vector.broadcast %jit3A_932 : f32 to vector<32x128xf32>
      %select_n3A_934 = arith.select %eq3A_929, %mul3A_931, %broadcast_in_dim3A_933 : vector<32x128xi1>, vector<32x128xf32>
      %add3A_935 = arith.addf %add3A_857, %select_n3A_934 : vector<32x128xf32>
      %mul3A_936 = arith.constant 16 : i32
      %mul3A_937 = arith.muli %while3A_79, %mul3A_936 : i32
      %add3A_938 = arith.constant 11 : i32
      %add3A_939 = arith.addi %mul3A_937, %add3A_938 : i32
      %sub3A_940 = arith.constant 1 : i32
      %sub3A_941 = arith.subi %get3A_20, %sub3A_940 : i32
      %min3A_942 = arith.minsi %add3A_939, %sub3A_941 : i32
      %get3A_943 = arith.constant 0 : index
      %get3A_944 = arith.constant 0 : index
      %get3A_945 = arith.index_cast %min3A_942 : i32 to index
      %get3A_946 = memref.load %arg2[%get3A_943, %get3A_944, %get3A_945] : memref<1x1x1024xi32, #tpu.memory_space<smem>>
      %get3A_947 = arith.constant 0 : index
      %get3A_948 = arith.constant 0 : index
      %get3A_949 = arith.index_cast %min3A_942 : i32 to index
      %get3A_950 = memref.load %arg3[%get3A_947, %get3A_948, %get3A_949] : memref<1x1x1024xi32, #tpu.memory_space<smem>>
      %jit3A_951 = arith.constant 128 : i32
      %div3A_952 = arith.divsi %get3A_946, %jit3A_951 : i32
      %sign3A_953 = arith.constant 0 : i32
      %sign3A_954 = arith.cmpi sgt, %get3A_946, %sign3A_953 : i32
      %sign3A_955 = arith.extui %sign3A_954 : i1 to i32
      %sign3A_956 = arith.constant 0 : i32
      %sign3A_957 = arith.cmpi slt, %get3A_946, %sign3A_956 : i32
      %sign3A_958 = arith.extui %sign3A_957 : i1 to i32
      %sign3A_959 = arith.subi %sign3A_955, %sign3A_958 : i32
      %sign3A_960 = arith.constant 0 : i32
      %sign3A_961 = arith.cmpi sgt, %jit3A_951, %sign3A_960 : i32
      %sign3A_962 = arith.extui %sign3A_961 : i1 to i32
      %sign3A_963 = arith.constant 0 : i32
      %sign3A_964 = arith.cmpi slt, %jit3A_951, %sign3A_963 : i32
      %sign3A_965 = arith.extui %sign3A_964 : i1 to i32
      %sign3A_966 = arith.subi %sign3A_962, %sign3A_965 : i32
      %ne3A_967 = arith.cmpi ne, %sign3A_959, %sign3A_966 : i32
      %rem3A_968 = arith.remsi %get3A_946, %jit3A_951 : i32
      %ne3A_969 = arith.constant 0 : i32
      %ne3A_970 = arith.cmpi ne, %rem3A_968, %ne3A_969 : i32
      %and3A_971 = arith.andi %ne3A_967, %ne3A_970 : i1
      %sub3A_972 = arith.constant 1 : i32
      %sub3A_973 = arith.subi %div3A_952, %sub3A_972 : i32
      %select_n3A_974 = arith.select %and3A_971, %sub3A_973, %div3A_952 : i32
      %mul3A_975 = arith.constant 128 : i32
      %mul3A_976 = arith.muli %select_n3A_974, %mul3A_975 : i32
      %multiple_of3A_977 = tpu.assume_multiple %mul3A_976, 128 : i32
      %get3A_978 = arith.constant 0 : index
      %get3A_979 = arith.index_cast %multiple_of3A_977 : i32 to index
      %get3A_980 = vector.load %arg6[%get3A_978, %get3A_979] : memref<32x100000xf32, #tpu.memory_space<vmem>>, vector<32x128xf32>
      %eq3A_981 = vector.broadcast %get3A_950 : i32 to vector<32x1xi32>
      %eq3A_982 = arith.cmpi eq, %get3A_10, %eq3A_981 : vector<32x1xi32>
      %and3A_983 = arith.andi %eq3A_982, %and3A_46 : vector<32x1xi1>
      %lt3A_984 = arith.cmpi slt, %add3A_939, %get3A_20 : i32
      %and3A_985 = vector.broadcast %lt3A_984 : i1 to vector<32x1xi1>
      %and3A_986 = arith.andi %and3A_983, %and3A_985 : vector<32x1xi1>
      %jit3A_987 = arith.constant 0.000000e+00 : f32
      %broadcast_in_dim3A_988 = vector.broadcast %jit3A_987 : f32 to vector<32x1xf32>
      %select_n3A_989 = arith.select %and3A_986, %get3A_13, %broadcast_in_dim3A_988 : vector<32x1xi1>, vector<32x1xf32>
      %jit3A_990 = arith.constant 128 : i32
      %eq3A_991 = arith.constant 0 : i32
      %eq3A_992 = arith.cmpi eq, %jit3A_990, %eq3A_991 : i32
      %jit3A_993 = arith.constant 1 : i32
      %select_n3A_994 = arith.select %eq3A_992, %jit3A_993, %jit3A_990 : i32
      %rem3A_995 = arith.remsi %get3A_946, %select_n3A_994 : i32
      %ne3A_996 = arith.constant 0 : i32
      %ne3A_997 = arith.cmpi ne, %rem3A_995, %ne3A_996 : i32
      %lt3A_998 = arith.constant 0 : i32
      %lt3A_999 = arith.cmpi slt, %rem3A_995, %lt3A_998 : i32
      %lt3A_1000 = arith.constant 0 : i32
      %lt3A_1001 = arith.cmpi slt, %select_n3A_994, %lt3A_1000 : i32
      %ne3A_1002 = arith.xori %lt3A_999, %lt3A_1001 : i1
      %and3A_1003 = arith.andi %ne3A_1002, %ne3A_997 : i1
      %add3A_1004 = arith.addi %rem3A_995, %select_n3A_994 : i32
      %select_n3A_1005 = arith.select %and3A_1003, %add3A_1004, %rem3A_995 : i32
      %eq3A_1006 = vector.broadcast %select_n3A_1005 : i32 to vector<32x128xi32>
      %eq3A_1007 = arith.cmpi eq, %iota3A, %eq3A_1006 : vector<32x128xi32>
      %mul3A_1008 = vector.broadcast %select_n3A_989 : vector<32x1xf32> to vector<32x128xf32>
      %mul3A_1009 = arith.mulf %get3A_980, %mul3A_1008 : vector<32x128xf32>
      %jit3A_1010 = arith.constant 0.000000e+00 : f32
      %broadcast_in_dim3A_1011 = vector.broadcast %jit3A_1010 : f32 to vector<32x128xf32>
      %select_n3A_1012 = arith.select %eq3A_1007, %mul3A_1009, %broadcast_in_dim3A_1011 : vector<32x128xi1>, vector<32x128xf32>
      %add3A_1013 = arith.addf %add3A_935, %select_n3A_1012 : vector<32x128xf32>
      %mul3A_1014 = arith.constant 16 : i32
      %mul3A_1015 = arith.muli %while3A_79, %mul3A_1014 : i32
      %add3A_1016 = arith.constant 12 : i32
      %add3A_1017 = arith.addi %mul3A_1015, %add3A_1016 : i32
      %sub3A_1018 = arith.constant 1 : i32
      %sub3A_1019 = arith.subi %get3A_20, %sub3A_1018 : i32
      %min3A_1020 = arith.minsi %add3A_1017, %sub3A_1019 : i32
      %get3A_1021 = arith.constant 0 : index
      %get3A_1022 = arith.constant 0 : index
      %get3A_1023 = arith.index_cast %min3A_1020 : i32 to index
      %get3A_1024 = memref.load %arg2[%get3A_1021, %get3A_1022, %get3A_1023] : memref<1x1x1024xi32, #tpu.memory_space<smem>>
      %get3A_1025 = arith.constant 0 : index
      %get3A_1026 = arith.constant 0 : index
      %get3A_1027 = arith.index_cast %min3A_1020 : i32 to index
      %get3A_1028 = memref.load %arg3[%get3A_1025, %get3A_1026, %get3A_1027] : memref<1x1x1024xi32, #tpu.memory_space<smem>>
      %jit3A_1029 = arith.constant 128 : i32
      %div3A_1030 = arith.divsi %get3A_1024, %jit3A_1029 : i32
      %sign3A_1031 = arith.constant 0 : i32
      %sign3A_1032 = arith.cmpi sgt, %get3A_1024, %sign3A_1031 : i32
      %sign3A_1033 = arith.extui %sign3A_1032 : i1 to i32
      %sign3A_1034 = arith.constant 0 : i32
      %sign3A_1035 = arith.cmpi slt, %get3A_1024, %sign3A_1034 : i32
      %sign3A_1036 = arith.extui %sign3A_1035 : i1 to i32
      %sign3A_1037 = arith.subi %sign3A_1033, %sign3A_1036 : i32
      %sign3A_1038 = arith.constant 0 : i32
      %sign3A_1039 = arith.cmpi sgt, %jit3A_1029, %sign3A_1038 : i32
      %sign3A_1040 = arith.extui %sign3A_1039 : i1 to i32
      %sign3A_1041 = arith.constant 0 : i32
      %sign3A_1042 = arith.cmpi slt, %jit3A_1029, %sign3A_1041 : i32
      %sign3A_1043 = arith.extui %sign3A_1042 : i1 to i32
      %sign3A_1044 = arith.subi %sign3A_1040, %sign3A_1043 : i32
      %ne3A_1045 = arith.cmpi ne, %sign3A_1037, %sign3A_1044 : i32
      %rem3A_1046 = arith.remsi %get3A_1024, %jit3A_1029 : i32
      %ne3A_1047 = arith.constant 0 : i32
      %ne3A_1048 = arith.cmpi ne, %rem3A_1046, %ne3A_1047 : i32
      %and3A_1049 = arith.andi %ne3A_1045, %ne3A_1048 : i1
      %sub3A_1050 = arith.constant 1 : i32
      %sub3A_1051 = arith.subi %div3A_1030, %sub3A_1050 : i32
      %select_n3A_1052 = arith.select %and3A_1049, %sub3A_1051, %div3A_1030 : i32
      %mul3A_1053 = arith.constant 128 : i32
      %mul3A_1054 = arith.muli %select_n3A_1052, %mul3A_1053 : i32
      %multiple_of3A_1055 = tpu.assume_multiple %mul3A_1054, 128 : i32
      %get3A_1056 = arith.constant 0 : index
      %get3A_1057 = arith.index_cast %multiple_of3A_1055 : i32 to index
      %get3A_1058 = vector.load %arg6[%get3A_1056, %get3A_1057] : memref<32x100000xf32, #tpu.memory_space<vmem>>, vector<32x128xf32>
      %eq3A_1059 = vector.broadcast %get3A_1028 : i32 to vector<32x1xi32>
      %eq3A_1060 = arith.cmpi eq, %get3A_10, %eq3A_1059 : vector<32x1xi32>
      %and3A_1061 = arith.andi %eq3A_1060, %and3A_46 : vector<32x1xi1>
      %lt3A_1062 = arith.cmpi slt, %add3A_1017, %get3A_20 : i32
      %and3A_1063 = vector.broadcast %lt3A_1062 : i1 to vector<32x1xi1>
      %and3A_1064 = arith.andi %and3A_1061, %and3A_1063 : vector<32x1xi1>
      %jit3A_1065 = arith.constant 0.000000e+00 : f32
      %broadcast_in_dim3A_1066 = vector.broadcast %jit3A_1065 : f32 to vector<32x1xf32>
      %select_n3A_1067 = arith.select %and3A_1064, %get3A_13, %broadcast_in_dim3A_1066 : vector<32x1xi1>, vector<32x1xf32>
      %jit3A_1068 = arith.constant 128 : i32
      %eq3A_1069 = arith.constant 0 : i32
      %eq3A_1070 = arith.cmpi eq, %jit3A_1068, %eq3A_1069 : i32
      %jit3A_1071 = arith.constant 1 : i32
      %select_n3A_1072 = arith.select %eq3A_1070, %jit3A_1071, %jit3A_1068 : i32
      %rem3A_1073 = arith.remsi %get3A_1024, %select_n3A_1072 : i32
      %ne3A_1074 = arith.constant 0 : i32
      %ne3A_1075 = arith.cmpi ne, %rem3A_1073, %ne3A_1074 : i32
      %lt3A_1076 = arith.constant 0 : i32
      %lt3A_1077 = arith.cmpi slt, %rem3A_1073, %lt3A_1076 : i32
      %lt3A_1078 = arith.constant 0 : i32
      %lt3A_1079 = arith.cmpi slt, %select_n3A_1072, %lt3A_1078 : i32
      %ne3A_1080 = arith.xori %lt3A_1077, %lt3A_1079 : i1
      %and3A_1081 = arith.andi %ne3A_1080, %ne3A_1075 : i1
      %add3A_1082 = arith.addi %rem3A_1073, %select_n3A_1072 : i32
      %select_n3A_1083 = arith.select %and3A_1081, %add3A_1082, %rem3A_1073 : i32
      %eq3A_1084 = vector.broadcast %select_n3A_1083 : i32 to vector<32x128xi32>
      %eq3A_1085 = arith.cmpi eq, %iota3A, %eq3A_1084 : vector<32x128xi32>
      %mul3A_1086 = vector.broadcast %select_n3A_1067 : vector<32x1xf32> to vector<32x128xf32>
      %mul3A_1087 = arith.mulf %get3A_1058, %mul3A_1086 : vector<32x128xf32>
      %jit3A_1088 = arith.constant 0.000000e+00 : f32
      %broadcast_in_dim3A_1089 = vector.broadcast %jit3A_1088 : f32 to vector<32x128xf32>
      %select_n3A_1090 = arith.select %eq3A_1085, %mul3A_1087, %broadcast_in_dim3A_1089 : vector<32x128xi1>, vector<32x128xf32>
      %add3A_1091 = arith.addf %add3A_1013, %select_n3A_1090 : vector<32x128xf32>
      %mul3A_1092 = arith.constant 16 : i32
      %mul3A_1093 = arith.muli %while3A_79, %mul3A_1092 : i32
      %add3A_1094 = arith.constant 13 : i32
      %add3A_1095 = arith.addi %mul3A_1093, %add3A_1094 : i32
      %sub3A_1096 = arith.constant 1 : i32
      %sub3A_1097 = arith.subi %get3A_20, %sub3A_1096 : i32
      %min3A_1098 = arith.minsi %add3A_1095, %sub3A_1097 : i32
      %get3A_1099 = arith.constant 0 : index
      %get3A_1100 = arith.constant 0 : index
      %get3A_1101 = arith.index_cast %min3A_1098 : i32 to index
      %get3A_1102 = memref.load %arg2[%get3A_1099, %get3A_1100, %get3A_1101] : memref<1x1x1024xi32, #tpu.memory_space<smem>>
      %get3A_1103 = arith.constant 0 : index
      %get3A_1104 = arith.constant 0 : index
      %get3A_1105 = arith.index_cast %min3A_1098 : i32 to index
      %get3A_1106 = memref.load %arg3[%get3A_1103, %get3A_1104, %get3A_1105] : memref<1x1x1024xi32, #tpu.memory_space<smem>>
      %jit3A_1107 = arith.constant 128 : i32
      %div3A_1108 = arith.divsi %get3A_1102, %jit3A_1107 : i32
      %sign3A_1109 = arith.constant 0 : i32
      %sign3A_1110 = arith.cmpi sgt, %get3A_1102, %sign3A_1109 : i32
      %sign3A_1111 = arith.extui %sign3A_1110 : i1 to i32
      %sign3A_1112 = arith.constant 0 : i32
      %sign3A_1113 = arith.cmpi slt, %get3A_1102, %sign3A_1112 : i32
      %sign3A_1114 = arith.extui %sign3A_1113 : i1 to i32
      %sign3A_1115 = arith.subi %sign3A_1111, %sign3A_1114 : i32
      %sign3A_1116 = arith.constant 0 : i32
      %sign3A_1117 = arith.cmpi sgt, %jit3A_1107, %sign3A_1116 : i32
      %sign3A_1118 = arith.extui %sign3A_1117 : i1 to i32
      %sign3A_1119 = arith.constant 0 : i32
      %sign3A_1120 = arith.cmpi slt, %jit3A_1107, %sign3A_1119 : i32
      %sign3A_1121 = arith.extui %sign3A_1120 : i1 to i32
      %sign3A_1122 = arith.subi %sign3A_1118, %sign3A_1121 : i32
      %ne3A_1123 = arith.cmpi ne, %sign3A_1115, %sign3A_1122 : i32
      %rem3A_1124 = arith.remsi %get3A_1102, %jit3A_1107 : i32
      %ne3A_1125 = arith.constant 0 : i32
      %ne3A_1126 = arith.cmpi ne, %rem3A_1124, %ne3A_1125 : i32
      %and3A_1127 = arith.andi %ne3A_1123, %ne3A_1126 : i1
      %sub3A_1128 = arith.constant 1 : i32
      %sub3A_1129 = arith.subi %div3A_1108, %sub3A_1128 : i32
      %select_n3A_1130 = arith.select %and3A_1127, %sub3A_1129, %div3A_1108 : i32
      %mul3A_1131 = arith.constant 128 : i32
      %mul3A_1132 = arith.muli %select_n3A_1130, %mul3A_1131 : i32
      %multiple_of3A_1133 = tpu.assume_multiple %mul3A_1132, 128 : i32
      %get3A_1134 = arith.constant 0 : index
      %get3A_1135 = arith.index_cast %multiple_of3A_1133 : i32 to index
      %get3A_1136 = vector.load %arg6[%get3A_1134, %get3A_1135] : memref<32x100000xf32, #tpu.memory_space<vmem>>, vector<32x128xf32>
      %eq3A_1137 = vector.broadcast %get3A_1106 : i32 to vector<32x1xi32>
      %eq3A_1138 = arith.cmpi eq, %get3A_10, %eq3A_1137 : vector<32x1xi32>
      %and3A_1139 = arith.andi %eq3A_1138, %and3A_46 : vector<32x1xi1>
      %lt3A_1140 = arith.cmpi slt, %add3A_1095, %get3A_20 : i32
      %and3A_1141 = vector.broadcast %lt3A_1140 : i1 to vector<32x1xi1>
      %and3A_1142 = arith.andi %and3A_1139, %and3A_1141 : vector<32x1xi1>
      %jit3A_1143 = arith.constant 0.000000e+00 : f32
      %broadcast_in_dim3A_1144 = vector.broadcast %jit3A_1143 : f32 to vector<32x1xf32>
      %select_n3A_1145 = arith.select %and3A_1142, %get3A_13, %broadcast_in_dim3A_1144 : vector<32x1xi1>, vector<32x1xf32>
      %jit3A_1146 = arith.constant 128 : i32
      %eq3A_1147 = arith.constant 0 : i32
      %eq3A_1148 = arith.cmpi eq, %jit3A_1146, %eq3A_1147 : i32
      %jit3A_1149 = arith.constant 1 : i32
      %select_n3A_1150 = arith.select %eq3A_1148, %jit3A_1149, %jit3A_1146 : i32
      %rem3A_1151 = arith.remsi %get3A_1102, %select_n3A_1150 : i32
      %ne3A_1152 = arith.constant 0 : i32
      %ne3A_1153 = arith.cmpi ne, %rem3A_1151, %ne3A_1152 : i32
      %lt3A_1154 = arith.constant 0 : i32
      %lt3A_1155 = arith.cmpi slt, %rem3A_1151, %lt3A_1154 : i32
      %lt3A_1156 = arith.constant 0 : i32
      %lt3A_1157 = arith.cmpi slt, %select_n3A_1150, %lt3A_1156 : i32
      %ne3A_1158 = arith.xori %lt3A_1155, %lt3A_1157 : i1
      %and3A_1159 = arith.andi %ne3A_1158, %ne3A_1153 : i1
      %add3A_1160 = arith.addi %rem3A_1151, %select_n3A_1150 : i32
      %select_n3A_1161 = arith.select %and3A_1159, %add3A_1160, %rem3A_1151 : i32
      %eq3A_1162 = vector.broadcast %select_n3A_1161 : i32 to vector<32x128xi32>
      %eq3A_1163 = arith.cmpi eq, %iota3A, %eq3A_1162 : vector<32x128xi32>
      %mul3A_1164 = vector.broadcast %select_n3A_1145 : vector<32x1xf32> to vector<32x128xf32>
      %mul3A_1165 = arith.mulf %get3A_1136, %mul3A_1164 : vector<32x128xf32>
      %jit3A_1166 = arith.constant 0.000000e+00 : f32
      %broadcast_in_dim3A_1167 = vector.broadcast %jit3A_1166 : f32 to vector<32x128xf32>
      %select_n3A_1168 = arith.select %eq3A_1163, %mul3A_1165, %broadcast_in_dim3A_1167 : vector<32x128xi1>, vector<32x128xf32>
      %add3A_1169 = arith.addf %add3A_1091, %select_n3A_1168 : vector<32x128xf32>
      %mul3A_1170 = arith.constant 16 : i32
      %mul3A_1171 = arith.muli %while3A_79, %mul3A_1170 : i32
      %add3A_1172 = arith.constant 14 : i32
      %add3A_1173 = arith.addi %mul3A_1171, %add3A_1172 : i32
      %sub3A_1174 = arith.constant 1 : i32
      %sub3A_1175 = arith.subi %get3A_20, %sub3A_1174 : i32
      %min3A_1176 = arith.minsi %add3A_1173, %sub3A_1175 : i32
      %get3A_1177 = arith.constant 0 : index
      %get3A_1178 = arith.constant 0 : index
      %get3A_1179 = arith.index_cast %min3A_1176 : i32 to index
      %get3A_1180 = memref.load %arg2[%get3A_1177, %get3A_1178, %get3A_1179] : memref<1x1x1024xi32, #tpu.memory_space<smem>>
      %get3A_1181 = arith.constant 0 : index
      %get3A_1182 = arith.constant 0 : index
      %get3A_1183 = arith.index_cast %min3A_1176 : i32 to index
      %get3A_1184 = memref.load %arg3[%get3A_1181, %get3A_1182, %get3A_1183] : memref<1x1x1024xi32, #tpu.memory_space<smem>>
      %jit3A_1185 = arith.constant 128 : i32
      %div3A_1186 = arith.divsi %get3A_1180, %jit3A_1185 : i32
      %sign3A_1187 = arith.constant 0 : i32
      %sign3A_1188 = arith.cmpi sgt, %get3A_1180, %sign3A_1187 : i32
      %sign3A_1189 = arith.extui %sign3A_1188 : i1 to i32
      %sign3A_1190 = arith.constant 0 : i32
      %sign3A_1191 = arith.cmpi slt, %get3A_1180, %sign3A_1190 : i32
      %sign3A_1192 = arith.extui %sign3A_1191 : i1 to i32
      %sign3A_1193 = arith.subi %sign3A_1189, %sign3A_1192 : i32
      %sign3A_1194 = arith.constant 0 : i32
      %sign3A_1195 = arith.cmpi sgt, %jit3A_1185, %sign3A_1194 : i32
      %sign3A_1196 = arith.extui %sign3A_1195 : i1 to i32
      %sign3A_1197 = arith.constant 0 : i32
      %sign3A_1198 = arith.cmpi slt, %jit3A_1185, %sign3A_1197 : i32
      %sign3A_1199 = arith.extui %sign3A_1198 : i1 to i32
      %sign3A_1200 = arith.subi %sign3A_1196, %sign3A_1199 : i32
      %ne3A_1201 = arith.cmpi ne, %sign3A_1193, %sign3A_1200 : i32
      %rem3A_1202 = arith.remsi %get3A_1180, %jit3A_1185 : i32
      %ne3A_1203 = arith.constant 0 : i32
      %ne3A_1204 = arith.cmpi ne, %rem3A_1202, %ne3A_1203 : i32
      %and3A_1205 = arith.andi %ne3A_1201, %ne3A_1204 : i1
      %sub3A_1206 = arith.constant 1 : i32
      %sub3A_1207 = arith.subi %div3A_1186, %sub3A_1206 : i32
      %select_n3A_1208 = arith.select %and3A_1205, %sub3A_1207, %div3A_1186 : i32
      %mul3A_1209 = arith.constant 128 : i32
      %mul3A_1210 = arith.muli %select_n3A_1208, %mul3A_1209 : i32
      %multiple_of3A_1211 = tpu.assume_multiple %mul3A_1210, 128 : i32
      %get3A_1212 = arith.constant 0 : index
      %get3A_1213 = arith.index_cast %multiple_of3A_1211 : i32 to index
      %get3A_1214 = vector.load %arg6[%get3A_1212, %get3A_1213] : memref<32x100000xf32, #tpu.memory_space<vmem>>, vector<32x128xf32>
      %eq3A_1215 = vector.broadcast %get3A_1184 : i32 to vector<32x1xi32>
      %eq3A_1216 = arith.cmpi eq, %get3A_10, %eq3A_1215 : vector<32x1xi32>
      %and3A_1217 = arith.andi %eq3A_1216, %and3A_46 : vector<32x1xi1>
      %lt3A_1218 = arith.cmpi slt, %add3A_1173, %get3A_20 : i32
      %and3A_1219 = vector.broadcast %lt3A_1218 : i1 to vector<32x1xi1>
      %and3A_1220 = arith.andi %and3A_1217, %and3A_1219 : vector<32x1xi1>
      %jit3A_1221 = arith.constant 0.000000e+00 : f32
      %broadcast_in_dim3A_1222 = vector.broadcast %jit3A_1221 : f32 to vector<32x1xf32>
      %select_n3A_1223 = arith.select %and3A_1220, %get3A_13, %broadcast_in_dim3A_1222 : vector<32x1xi1>, vector<32x1xf32>
      %jit3A_1224 = arith.constant 128 : i32
      %eq3A_1225 = arith.constant 0 : i32
      %eq3A_1226 = arith.cmpi eq, %jit3A_1224, %eq3A_1225 : i32
      %jit3A_1227 = arith.constant 1 : i32
      %select_n3A_1228 = arith.select %eq3A_1226, %jit3A_1227, %jit3A_1224 : i32
      %rem3A_1229 = arith.remsi %get3A_1180, %select_n3A_1228 : i32
      %ne3A_1230 = arith.constant 0 : i32
      %ne3A_1231 = arith.cmpi ne, %rem3A_1229, %ne3A_1230 : i32
      %lt3A_1232 = arith.constant 0 : i32
      %lt3A_1233 = arith.cmpi slt, %rem3A_1229, %lt3A_1232 : i32
      %lt3A_1234 = arith.constant 0 : i32
      %lt3A_1235 = arith.cmpi slt, %select_n3A_1228, %lt3A_1234 : i32
      %ne3A_1236 = arith.xori %lt3A_1233, %lt3A_1235 : i1
      %and3A_1237 = arith.andi %ne3A_1236, %ne3A_1231 : i1
      %add3A_1238 = arith.addi %rem3A_1229, %select_n3A_1228 : i32
      %select_n3A_1239 = arith.select %and3A_1237, %add3A_1238, %rem3A_1229 : i32
      %eq3A_1240 = vector.broadcast %select_n3A_1239 : i32 to vector<32x128xi32>
      %eq3A_1241 = arith.cmpi eq, %iota3A, %eq3A_1240 : vector<32x128xi32>
      %mul3A_1242 = vector.broadcast %select_n3A_1223 : vector<32x1xf32> to vector<32x128xf32>
      %mul3A_1243 = arith.mulf %get3A_1214, %mul3A_1242 : vector<32x128xf32>
      %jit3A_1244 = arith.constant 0.000000e+00 : f32
      %broadcast_in_dim3A_1245 = vector.broadcast %jit3A_1244 : f32 to vector<32x128xf32>
      %select_n3A_1246 = arith.select %eq3A_1241, %mul3A_1243, %broadcast_in_dim3A_1245 : vector<32x128xi1>, vector<32x128xf32>
      %add3A_1247 = arith.addf %add3A_1169, %select_n3A_1246 : vector<32x128xf32>
      %mul3A_1248 = arith.constant 16 : i32
      %mul3A_1249 = arith.muli %while3A_79, %mul3A_1248 : i32
      %add3A_1250 = arith.constant 15 : i32
      %add3A_1251 = arith.addi %mul3A_1249, %add3A_1250 : i32
      %sub3A_1252 = arith.constant 1 : i32
      %sub3A_1253 = arith.subi %get3A_20, %sub3A_1252 : i32
      %min3A_1254 = arith.minsi %add3A_1251, %sub3A_1253 : i32
      %get3A_1255 = arith.constant 0 : index
      %get3A_1256 = arith.constant 0 : index
      %get3A_1257 = arith.index_cast %min3A_1254 : i32 to index
      %get3A_1258 = memref.load %arg2[%get3A_1255, %get3A_1256, %get3A_1257] : memref<1x1x1024xi32, #tpu.memory_space<smem>>
      %get3A_1259 = arith.constant 0 : index
      %get3A_1260 = arith.constant 0 : index
      %get3A_1261 = arith.index_cast %min3A_1254 : i32 to index
      %get3A_1262 = memref.load %arg3[%get3A_1259, %get3A_1260, %get3A_1261] : memref<1x1x1024xi32, #tpu.memory_space<smem>>
      %jit3A_1263 = arith.constant 128 : i32
      %div3A_1264 = arith.divsi %get3A_1258, %jit3A_1263 : i32
      %sign3A_1265 = arith.constant 0 : i32
      %sign3A_1266 = arith.cmpi sgt, %get3A_1258, %sign3A_1265 : i32
      %sign3A_1267 = arith.extui %sign3A_1266 : i1 to i32
      %sign3A_1268 = arith.constant 0 : i32
      %sign3A_1269 = arith.cmpi slt, %get3A_1258, %sign3A_1268 : i32
      %sign3A_1270 = arith.extui %sign3A_1269 : i1 to i32
      %sign3A_1271 = arith.subi %sign3A_1267, %sign3A_1270 : i32
      %sign3A_1272 = arith.constant 0 : i32
      %sign3A_1273 = arith.cmpi sgt, %jit3A_1263, %sign3A_1272 : i32
      %sign3A_1274 = arith.extui %sign3A_1273 : i1 to i32
      %sign3A_1275 = arith.constant 0 : i32
      %sign3A_1276 = arith.cmpi slt, %jit3A_1263, %sign3A_1275 : i32
      %sign3A_1277 = arith.extui %sign3A_1276 : i1 to i32
      %sign3A_1278 = arith.subi %sign3A_1274, %sign3A_1277 : i32
      %ne3A_1279 = arith.cmpi ne, %sign3A_1271, %sign3A_1278 : i32
      %rem3A_1280 = arith.remsi %get3A_1258, %jit3A_1263 : i32
      %ne3A_1281 = arith.constant 0 : i32
      %ne3A_1282 = arith.cmpi ne, %rem3A_1280, %ne3A_1281 : i32
      %and3A_1283 = arith.andi %ne3A_1279, %ne3A_1282 : i1
      %sub3A_1284 = arith.constant 1 : i32
      %sub3A_1285 = arith.subi %div3A_1264, %sub3A_1284 : i32
      %select_n3A_1286 = arith.select %and3A_1283, %sub3A_1285, %div3A_1264 : i32
      %mul3A_1287 = arith.constant 128 : i32
      %mul3A_1288 = arith.muli %select_n3A_1286, %mul3A_1287 : i32
      %multiple_of3A_1289 = tpu.assume_multiple %mul3A_1288, 128 : i32
      %get3A_1290 = arith.constant 0 : index
      %get3A_1291 = arith.index_cast %multiple_of3A_1289 : i32 to index
      %get3A_1292 = vector.load %arg6[%get3A_1290, %get3A_1291] : memref<32x100000xf32, #tpu.memory_space<vmem>>, vector<32x128xf32>
      %eq3A_1293 = vector.broadcast %get3A_1262 : i32 to vector<32x1xi32>
      %eq3A_1294 = arith.cmpi eq, %get3A_10, %eq3A_1293 : vector<32x1xi32>
      %and3A_1295 = arith.andi %eq3A_1294, %and3A_46 : vector<32x1xi1>
      %lt3A_1296 = arith.cmpi slt, %add3A_1251, %get3A_20 : i32
      %and3A_1297 = vector.broadcast %lt3A_1296 : i1 to vector<32x1xi1>
      %and3A_1298 = arith.andi %and3A_1295, %and3A_1297 : vector<32x1xi1>
      %jit3A_1299 = arith.constant 0.000000e+00 : f32
      %broadcast_in_dim3A_1300 = vector.broadcast %jit3A_1299 : f32 to vector<32x1xf32>
      %select_n3A_1301 = arith.select %and3A_1298, %get3A_13, %broadcast_in_dim3A_1300 : vector<32x1xi1>, vector<32x1xf32>
      %jit3A_1302 = arith.constant 128 : i32
      %eq3A_1303 = arith.constant 0 : i32
      %eq3A_1304 = arith.cmpi eq, %jit3A_1302, %eq3A_1303 : i32
      %jit3A_1305 = arith.constant 1 : i32
      %select_n3A_1306 = arith.select %eq3A_1304, %jit3A_1305, %jit3A_1302 : i32
      %rem3A_1307 = arith.remsi %get3A_1258, %select_n3A_1306 : i32
      %ne3A_1308 = arith.constant 0 : i32
      %ne3A_1309 = arith.cmpi ne, %rem3A_1307, %ne3A_1308 : i32
      %lt3A_1310 = arith.constant 0 : i32
      %lt3A_1311 = arith.cmpi slt, %rem3A_1307, %lt3A_1310 : i32
      %lt3A_1312 = arith.constant 0 : i32
      %lt3A_1313 = arith.cmpi slt, %select_n3A_1306, %lt3A_1312 : i32
      %ne3A_1314 = arith.xori %lt3A_1311, %lt3A_1313 : i1
      %and3A_1315 = arith.andi %ne3A_1314, %ne3A_1309 : i1
      %add3A_1316 = arith.addi %rem3A_1307, %select_n3A_1306 : i32
      %select_n3A_1317 = arith.select %and3A_1315, %add3A_1316, %rem3A_1307 : i32
      %eq3A_1318 = vector.broadcast %select_n3A_1317 : i32 to vector<32x128xi32>
      %eq3A_1319 = arith.cmpi eq, %iota3A, %eq3A_1318 : vector<32x128xi32>
      %mul3A_1320 = vector.broadcast %select_n3A_1301 : vector<32x1xf32> to vector<32x128xf32>
      %mul3A_1321 = arith.mulf %get3A_1292, %mul3A_1320 : vector<32x128xf32>
      %jit3A_1322 = arith.constant 0.000000e+00 : f32
      %broadcast_in_dim3A_1323 = vector.broadcast %jit3A_1322 : f32 to vector<32x128xf32>
      %select_n3A_1324 = arith.select %eq3A_1319, %mul3A_1321, %broadcast_in_dim3A_1323 : vector<32x128xi1>, vector<32x128xf32>
      %add3A_1325 = arith.addf %add3A_1247, %select_n3A_1324 : vector<32x128xf32>
      scf.yield %add3A_1325 : vector<32x128xf32>
    }
    %get3A_57 = arith.constant 0 : index
    %get3A_58 = arith.constant 0 : index
    %get3A_59 = memref.load %arg8[%get3A_57, %get3A_58] : memref<1x1xf32, #tpu.memory_space<smem>>
    %reduce_sum3A_60 = vector.shape_cast %add3A : vector<32x1xf32> to vector<1x32x1xf32>
    %reduce_sum3A_61 = arith.constant dense<0.000000e+00> : vector<1xf32>
    %reduce_sum3A_62 = vector.multi_reduction <add>, %reduce_sum3A_60, %reduce_sum3A_61 [1, 2] : vector<1x32x1xf32> to vector<1xf32>
    %reduce_sum3A_63 = vector.shape_cast %reduce_sum3A_62 : vector<1xf32> to vector<1x1x1xf32>
    %reduce_sum3A_64 = vector.extract %reduce_sum3A_63[0, 0, 0] : f32 from vector<1x1x1xf32>
    %add3A_65 = arith.addf %get3A_59, %reduce_sum3A_64 : f32
    %reduce_sum3A_66 = vector.shape_cast %while3A_56 : vector<32x128xf32> to vector<1x32x128xf32>
    %reduce_sum3A_67 = arith.constant dense<0.000000e+00> : vector<1xf32>
    %reduce_sum3A_68 = vector.multi_reduction <add>, %reduce_sum3A_66, %reduce_sum3A_67 [1, 2] : vector<1x32x128xf32> to vector<1xf32>
    %reduce_sum3A_69 = vector.shape_cast %reduce_sum3A_68 : vector<1xf32> to vector<1x1x1xf32>
    %reduce_sum3A_70 = vector.extract %reduce_sum3A_69[0, 0, 0] : f32 from vector<1x1x1xf32>
    %sub3A_71 = arith.subf %add3A_65, %reduce_sum3A_70 : f32
    %swap3A = arith.constant 0 : index
    %swap3A_72 = arith.constant 0 : index
    %swap3A_73 = memref.load %arg8[%swap3A, %swap3A_72] : memref<1x1xf32, #tpu.memory_space<smem>>
    memref.store %sub3A_71, %arg8[%swap3A, %swap3A_72] : memref<1x1xf32, #tpu.memory_space<smem>>
    %eq3A_74 = arith.constant 31 : i32
    %eq3A_75 = arith.cmpi eq, %arg0, %eq3A_74 : i32
    %convert_element_type3A_76 = arith.extui %eq3A_75 : i1 to i32
    %cond3A_77 = arith.constant 0 : i32
    %cond3A_78 = arith.cmpi ne, %convert_element_type3A_76, %cond3A_77 : i32
    scf.if %cond3A_78 {
      %get3A_79 = arith.constant 0 : index
      %get3A_80 = arith.constant 0 : index
      %get3A_81 = memref.load %arg8[%get3A_79, %get3A_80] : memref<1x1xf32, #tpu.memory_space<smem>>
      %div3A_82 = arith.constant 1.024000e+03 : f32
      %div3A_83 = arith.divf %get3A_81, %div3A_82 : f32
      %broadcast_in_dim3A_84 = vector.broadcast %div3A_83 : f32 to vector<1x1xf32>
      %swap3A_85 = arith.constant 0 : index
      %swap3A_86 = arith.constant 0 : index
      %swap3A_87 = vector.load %arg7[%swap3A_85, %swap3A_86] : memref<1x1xf32, #tpu.memory_space<vmem>>, vector<1x1xf32>
      tpu.vector_store %arg7[%swap3A_85, %swap3A_86], %broadcast_in_dim3A_84 {strides = array<i32>} : memref<1x1xf32, #tpu.memory_space<vmem>>, vector<1x1xf32>,
    } else {
    }
    return
  }
  func.func @transform_0(%arg0: i32) -> (i32, i32, i32) {
    %c0_i32 = arith.constant 0 : i32
    %c0_i32_0 = arith.constant 0 : i32
    %c0_i32_1 = arith.constant 0 : i32
    return %arg0, %c0_i32, %c0_i32_0 : i32, i32, i32
  }
  func.func @transform_1(%arg0: i32) -> (i32, i32, i32) {
    %c0_i32 = arith.constant 0 : i32
    %c0_i32_0 = arith.constant 0 : i32
    %c0_i32_1 = arith.constant 0 : i32
    return %arg0, %c0_i32, %c0_i32_0 : i32, i32, i32
  }
  func.func @transform_2(%arg0: i32) -> (i32, i32, i32) {
    %c0_i32 = arith.constant 0 : i32
    %c0_i32_0 = arith.constant 0 : i32
    %c0_i32_1 = arith.constant 0 : i32
    return %arg0, %c0_i32, %c0_i32_0 : i32, i32, i32
  }
  func.func @transform_3(%arg0: i32) -> (i32, i32) {
    %c0_i32 = arith.constant 0 : i32
    %c0_i32_0 = arith.constant 0 : i32
    return %arg0, %c0_i32 : i32, i32
  }
  func.func @transform_4(%arg0: i32) -> (i32, i32) {
    %c0_i32 = arith.constant 0 : i32
    %c0_i32_0 = arith.constant 0 : i32
    return %arg0, %c0_i32 : i32, i32
  }
  func.func @transform_5(%arg0: i32) -> (i32, i32) {
    %c0_i32 = arith.constant 0 : i32
    %c0_i32_0 = arith.constant 0 : i32
    return %arg0, %c0_i32 : i32, i32
  }
  func.func @transform_6(%arg0: i32) -> (i32, i32) {
    %c0_i32 = arith.constant 0 : i32
    %c0_i32_0 = arith.constant 0 : i32
    %c0_i32_1 = arith.constant 0 : i32
    return %c0_i32, %c0_i32_0 : i32, i32
  }
}

</mosaic_0001>

<sc_bundles>
// kernel: kernel.5.cloned.1.call-start
scs
__scs_entry_jumppad:
0x0: {  	(pc) =	sbr.rel $0x88, $3  }
0x1: {  	(tag) =	ssettag $0x0;
	lr =	simm.s32 $0x1  }
0x2: {  	[smem:$0x3F9E] =	sst lr;
	_ =	strace $0xD0000000  }
0x3: {  	_ = 	snop  }
0x4: {  	_ = 	snop  }
0x5: {  	_ = 	snop  }
0x6: {  	_ = 	snop  }
0x7: {  	_ = 	snop  }
__scs_overlays_trampoline_lowered:
0x8: {  	[smem:$0x3FAD] =	sst s0  }
0x9: {  	[smem:$0x3FAE] =	sst s1  }
0xa: {  	[smem:$0x3FAF] =	sst s2  }
0xb: {  	[smem:$0x3FB0] =	sst s3  }
0xc: {  	[smem:$0x3FB1] =	sst s4  }
0xd: {  	[smem:$0x3FB2] =	sst s5  }
0xe: {  	[smem:$0x3FB3] =	sst s6  }
0xf: {  	[smem:$0x3FB4] =	sst s7  }
0x10: {  	[smem:$0x3FB5] =	sst s8  }
0x11: {  	[smem:$0x3FB6] =	sst s9;
	s0 =	simm.s32 @!p0 $0x0  }
0x12: {  	s1 =	sld [smem:$0x3F9C];
	s0 =	simm.s32 @p0 $0x1  }
0x13: {  	[smem:$0x3FB7] =	sst s0;
	s0 =	simm.s32 @!p1 $0x0  }
0x14: {  	s2 =	sld [smem:$0x3F9B];
	s0 =	simm.s32 @p1 $0x1  }
0x15: {  	[smem:$0x3FB8] =	sst s0;
	s0 =	simm.s32 @!p2 $0x0  }
0x16: {  	s3 =	sld [smem:$0x3FDB];
	s0 =	simm.s32 @p2 $0x1  }
0x17: {  	s4 =	simm.s32 $0x1BF5;
	[smem:$0x3FBA] =	sst s0  }
0x18: {  	s0 =	sld [smem:$0x3F9D];
	_ =	swait.ge [sflag:s4], $0x0  }
0x19: {  	s7 =	sld [smem:$0x3F9E]  }
0x1a: {  	s8 =	sadd.s32 $0xFFFFE003, lr  }
0x1b: {  	s9 =	sadd.s32 $0xFFFFFEF7, lr;
	s5 =	simm.s32 $0xFFFFFFFF;
	p2 =	slt.u32 s8, $0xFFFFF086  }
0x1c: {  	p1 =	slt.u32 s9, $0xF7A;
	s5 =	simm.s32 @!p2 $0x0  }
0x1d: {  	s5 =	simm.s32 @p1 $0x1;
	p0 =	seq.s32 s7, s2  }
0x1e: {  	s7 =	smul.u32 @!p0 $0xF7A, s2;
	p2 =	seq.s32 @!p0 s5, $0x0  }
0x1f: {  	s9 =	smul.u32 $0xF7A, s1;
	s8 =	simm.s32 @!p0 $0x1BF5;
	p2 =	por !p2, p0  }
0x20: {  	[sflag:s8] =	ssyncset.s32 @!p0 $0xFFFFF086;
	s6 =	sadd.s32 @!p0 s3, s7;
	s7 =	simm.s32 @!p0 $0x108  }
0x21: {  	s3 =	sadd.s32 s3, s9;
	s6 =	sadd.s32 @!p0 $0x88, s6;
	s7 =	simm.s32 @p2 $0x1082  }
0x22: {  	[simem:s7], [sflag:s8] =	dma.local @!p0 [hbm:s6], $0xF7A  }
0x23: {  	s9 =	sor.u32 $0xD0000000, s2;
	s6 =	simm.s32 $0x108;
	_ =	swait.ge @!p0 [sflag:s8], $0x0  }
0x24: {  	s3 =	sadd.s32 $0x88, s3;
	s6 =	simm.s32 @!p1 $0x1082;
	[sflag:s4] =	ssyncset.s32 $0xFFFFF086  }
0x25: {  	[simem:s6], [sflag:s4] =	dma.local [hbm:s3], $0xF7A  }
0x26: {  	[smem:$0x3F9E] =	sst s1;
	(tag) =	ssettag s2;
	_ =	strace s9  }
0x27: {  	s1 =	sld [smem:$0x3FAE]  }
0x28: {  	s2 =	sld [smem:$0x3FAF]  }
0x29: {  	s4 =	sld [smem:$0x3FB1]  }
0x2a: {  	p0 =	seq.s32 s5, $0x0;
	s5 =	sld [smem:$0x3FB2]  }
0x2b: {  	s6 =	sld [smem:$0x3FB3]  }
0x2c: {  	s7 =	sld [smem:$0x3FB4]  }
0x2d: {  	s3 =	simm.s32 $0x108;
	s8 =	sld [smem:$0x3FB5]  }
0x2e: {  	s3 =	simm.s32 @!p0 $0x1082;
	s9 =	sld [smem:$0x3FB6]  }
0x2f: {  	lr =	sadd.s32 s0, s3;
	s0 =	sld [smem:$0x3FAD]  }
0x30: {  	s3 =	sld [smem:$0x3FB0]  }
0x31: {  	[smem:$0x3FB9] =	sst s10  }
0x32: {  	s10 =	sld [smem:$0x3FB7];
	_ =	sdelay $0x3  }
0x33: {  	p0 =	seq.s32 s10, $0x1;
	s10 =	sld [smem:$0x3FB9];
	_ =	sdelay $0x3  }
0x34: {  	[smem:$0x3FB9] =	sst s10  }
0x35: {  	s10 =	sld [smem:$0x3FB8];
	_ =	sdelay $0x3  }
0x36: {  	p1 =	seq.s32 s10, $0x1;
	s10 =	sld [smem:$0x3FB9];
	_ =	sdelay $0x3  }
0x37: {  	[smem:$0x3FB9] =	sst s10  }
0x38: {  	s10 =	sld [smem:$0x3FBA]  }
0x39: {  	_ = 	snop;
	(pc) =	sbr.ind lr, $3  }
0x3a: {  	_ = 	snop  }
0x3b: {  	_ = 	snop  }
0x3c: {  	p2 =	seq.s32 s10, $0x1;
	s10 =	sld [smem:$0x3FB9]  }
0x3d: {  	_ =	shalt  }
0x3e: {  	_ =	shalt  }
0x3f: {  	_ =	shalt  }
0x40: {  	_ =	shalt  }
0x41: {  	_ =	shalt  }
0x42: {  	_ =	shalt  }
0x43: {  	_ =	shalt  }
0x44: {  	_ =	shalt  }
0x45: {  	_ =	shalt  }
0x46: {  	_ =	shalt  }
0x47: {  	_ =	shalt  }
0x48: {  	_ =	shalt  }
0x49: {  	_ =	shalt  }
0x4a: {  	_ =	shalt  }
0x4b: {  	_ =	shalt  }
0x4c: {  	_ =	shalt  }
0x4d: {  	_ =	shalt  }
0x4e: {  	_ =	shalt  }
0x4f: {  	_ =	shalt  }
0x50: {  	_ =	shalt  }
0x51: {  	_ =	shalt  }
0x52: {  	_ =	shalt  }
0x53: {  	_ =	shalt  }
0x54: {  	_ =	shalt  }
0x55: {  	_ =	shalt  }
0x56: {  	_ =	shalt  }
0x57: {  	_ =	shalt  }
0x58: {  	_ =	shalt  }
0x59: {  	_ =	shalt  }
0x5a: {  	_ =	shalt  }
0x5b: {  	_ =	shalt  }
0x5c: {  	_ =	shalt  }
0x5d: {  	_ =	shalt  }
0x5e: {  	_ =	shalt  }
0x5f: {  	_ =	shalt  }
0x60: {  	_ =	shalt  }
0x61: {  	_ =	shalt  }
0x62: {  	_ =	shalt  }
0x63: {  	_ =	shalt  }
0x64: {  	_ =	shalt  }
0x65: {  	_ =	shalt  }
0x66: {  	_ =	shalt  }
0x67: {  	_ =	shalt  }
0x68: {  	_ =	shalt  }
0x69: {  	_ =	shalt  }
0x6a: {  	_ =	shalt  }
0x6b: {  	_ =	shalt  }
0x6c: {  	_ =	shalt  }
0x6d: {  	_ =	shalt  }
0x6e: {  	_ =	shalt  }
0x6f: {  	_ =	shalt  }
0x70: {  	_ =	shalt  }
0x71: {  	_ =	shalt  }
0x72: {  	_ =	shalt  }
0x73: {  	_ =	shalt  }
0x74: {  	_ =	shalt  }
0x75: {  	_ =	shalt  }
0x76: {  	_ =	shalt  }
0x77: {  	_ =	shalt  }
0x78: {  	_ =	shalt  }
0x79: {  	_ =	shalt  }
0x7a: {  	_ =	shalt  }
0x7b: {  	_ =	shalt  }
0x7c: {  	_ =	shalt  }
0x7d: {  	_ =	shalt  }
0x7e: {  	_ =	shalt  }
0x7f: {  	_ =	shalt  }
0x80: {  	_ =	shalt  }
0x81: {  	_ =	shalt  }
0x82: {  	_ =	shalt  }
0x83: {  	_ =	shalt  }
0x84: {  	_ =	shalt  }
0x85: {  	_ =	shalt  }
0x86: {  	_ =	shalt  }
0x87: {  	_ =	shalt  }
.Lfunc_end0:
.L_simem_size_0:
called_computation_lowered:
.L_overlay_start_0:
0x88: {  	s2 =	sld [smem:$0x3FD9]  }
0x89: {  	s3 =	sld [smem:$0x3FFE];
	_ =	sdelay $0x1  }
0x8a: {  	s1 =	srdreg.scid  }
0x8b: {  	s0 =	sand.u32 $0x1, s1  }
0x8c: {  	s17 =	sshll.u32 s0, $0xA;
	s2 =	sadd.s32 s3, s2  }
0x8d: {  	s2 =	sadd.s32 s2, s17  }
0x8e: {  	[smem:$0x3FC5] =	sst s2  }
0x8f: {  	_ = 	snop  }
0x90: {  	s2 =	sld [smem:$0x3FC8]  }
0x91: {  	s18 =	sld [smem:$0x3FC7];
	(tm) =	ssettm $0x1  }
0x92: {  	s4 =	sld [smem:$0x3FFB];
	_ =	sdelay $0x3  }
0x93: {  	_ =	strace s4  }
0x94: {  	s4 =	sld [smem:$0x3FFC];
	_ =	sdelay $0x3  }
0x95: {  	_ =	strace s4  }
0x96: {  	s4 =	sld [smem:$0x3FFD];
	_ =	sdelay $0x3  }
0x97: {  	_ =	strace s4  }
0x98: {  	_ =	strace $0x8FFFFFFF  }
0x99: {  	s19 =	sld [smem:$0x3FDB];
	_ =	sdelay $0x1  }
0x9a: {  	s5 =	simm.s32 $_scs_section_size  }
0x9b: {  	s6 =	simm.s32 $_size__tile_overlayer_lowered;
	s7 =	simm.s32 $_tile_overlayer_lowered  }
0x9c: {  	s22 =	simm.s32 $0x1BFF;
	s21 =	sshll.u32 s7, $0x1;
	s4 =	sadd.s32 s5, s19  }
0x9d: {  	s8 =	simm.s32 $0x0;
	s20 =	sshll.u32 s6, $0x1;
	s6 =	sadd.s32 s21, s4  }
0x9e: {  	[timem:s8], [sflag:s22] =	dma.local [hbm:s6], s20  }
0x9f: {  	_ =	swait.ge [sflag:s22], s20  }
0xa0: {  	s5 =	ssub.s32 $0x0, s20;
	[sflag:s22] =	ssyncset.done $0x0  }
0xa1: {  	[sflag:s22] =	ssyncadd.s32 s5;
	_ =	sdelay $0x1  }
0xa2: {  	s23 =	simm.s32 $0x1B8B  }
0xa3: {  	_ =	swait.ge [sflag:s23], $0x1  }
0xa4: {  	[sflag:s23] =	ssyncset.done $0x0  }
0xa5: {  	s25 =	simm.s32 $0x1B8E;
	s24 =	sld [smem:$0x3FFE];
	[sflag:s23] =	ssyncadd.s32 $0xFFFFFFFF  }
0xa6: {  	s26 =	simm.s32 $execute0_lowered;
	[smem:$0x3FD2] =	sst s25  }
0xa7: {  	s6 =	sshll.u32 s26, $0x1;
	_ =	strace $0x80000046;
	[dreg:$0x1] =	wrdreg $0xFFFFFFFF  }
0xa8: {  	s28 =	simm.s32 $_size_execute0_lowered;
	s4 =	sadd.s32 s4, s6;
	[dreg:$0x0] =	wrdreg $0x0  }
0xa9: {  	s6 =	sshll.u32 s28, $0x1;
	[dreg:$0x2] =	wrdreg s4  }
0xaa: {  	[dreg:$0x3] =	wrdreg s6  }
0xab: {  	[dreg:$0x4] =	wrdreg $0xC0  }
0xac: {  	_ =	task [dreg:s8], $0x5FFFF  }
0xad: {  	[dreg:$0x1] =	wrdreg $0xFFFFFFFF  }
0xae: {  	[dreg:$0x0] =	wrdreg $0x60  }
0xaf: {  	[dreg:$0x2] =	wrdreg s2  }
0xb0: {  	[dreg:$0x3] =	wrdreg s18  }
0xb1: {  	[dreg:$0x4] =	wrdreg s24  }
0xb2: {  	[dreg:$0x5] =	wrdreg $0x9  }
0xb3: {  	_ =	task.clear_ibuf [dreg:s8], $0x6FFFF;
	_ =	strace $0x90000046  }
0xb4: {  	s29 =	simm.s32 $0x9;
	_ =	strace $0x80000048  }
0xb5: {  	_ =	swait.ge [sflag:s29], $0x1  }
0xb6: {  	[sflag:s29] =	ssyncadd.s32 $0xFFFFFFFF  }
0xb7: {  	_ =	strace $0x90000048  }
0xb8: {  	_ =	sfence  }
0xb9: {  	s30 =	sld [smem:$0x0];
	_ =	sdelay $0x2  }
0xba: {  	s31 =	sshll.u32 s1, $0xD;
	s1 =	sshrl.u32 s1, $0x2  }
0xbb: {  	s3 =	sand.u32 $0x4000, s31;
	s1 =	sadd.s32 s1, s30  }
0xbc: {  	s0 =	sor.u32 s3, s0;
	s1 =	sshll.u32 s1, $0x11  }
0xbd: {  	s0 =	sor.u32 s1, s0  }
0xbe: {  	s0 =	sadd.s32 $0x8F2B, s0  }
0xbf: {  	[sflag:s0] =	ssyncadd.remote.s32 $0x1  }
0xc0: {  	_ =	sfence.sel $0xFFFF  }
0xc1: {  	[dreg:$0x0] =	wrdreg $0xFFFFFFFF;
	(pc) =	sbr.abs _section_cstart, $3  }
0xc2: {  	[dreg:$0x1] =	wrdreg $0xFFFFFFFF  }
0xc3: {  	_ =	task.clear_ibuf [dreg:s8], $0x2FFFF;
	_ =	strace $0x9FFFFFFF  }
0xc4: {  	(tm) =	ssettm $0x7FFFFFFF  }
0xc5: {  	_ =	shalt  }
tec
execute0_lowered:
.L_overlay_start_1:
0x0: {  	(tag) =	ssettag $0x1  }
0x1: {  	s1 =	rddreg [dreg:$0x0]  }
0x2: {  	s2 =	rddreg [dreg:$0x1]  }
0x3: {  	s6 =	rddreg [dreg:$0x2]  }
0x4: {  	s0 =	rddreg [dreg:$0x3];
	s5 =	srdreg.scid  }
0x5: {  	s4 =	simm.s32 $0x0;
	s3 =	stileid.u32;
	s12 =	simm.s32 $0x400  }
0x6: {  	s13 =	simm.s32 $0x880;
	s15 =	simm.s32 $0x1580;
	s16 =	simm.s32 $0x80  }
0x7: {  	s17 =	simm.s32 $0xC80;
	s18 =	simm.s32 $0x1100;
	s19 =	simm.s32 $0x0  }
0x8: {  	s7 =	sand.u32 $0x1, s5;
	[smem:$0x7FF] =	sst s4;
	s28 =	sshll.u32 s3, $0x8  }
0x9: {  	s29 =	sshrl.u32 s3, $0x2;
	s5 =	sadd.s32 $0x5A00, s6;
	s8 =	sshll.u32 s7, $0x7  }
0xa: {  	_ =	strace $0x80000047;
	s9 =	sshll.u32 s29, $0xA;
	s8 =	sor.u32 s8, s28  }
0xb: {  	s11 =	sshll.u32 s29, $0xD;
	s7 =	ssub.s32 $0x2, s7;
	s10 =	sand.u32 $0x380, s8  }
0xc: {  	s30 =	sshrl.u32 s7, $0x1;
	s9 =	sor.u32 s9, s10;
	s10 =	sor.u32 s11, s10  }
0xd: {  	s31 =	ssub.s32 s7, s30;
	s9 =	sshrl.u32 s9, $0x3;
	s10 =	sshrl.u32 s10, $0x3  }
0xe: {  	s11 =	simm.s32 $0x1;
	s9 =	sadd.s32 s9, s6;
	s10 =	sadd.s32 s10, s6  }
0xf: {  	s6 =	sshrl.u32 s8, $0x2;
	s7 =	sadd.s32 $0xBC00, s9;
	s8 =	sadd.s32 $0x9C00, s10  }
0x10: {  	v0 =	vimm.s32 $0x0;
	s9 =	sadd.s32 $0xAC00, s10;
	s10 =	smax.u32 s31, $0x1;
	s14 =	sor.u32 $0x400, s6  }
.LBB2_1:
0x11: {  	[tilespmem:s4], [sflag:$0x1] =	stream.linear.gather [hbm4b:s1+s4], $0x400, $0x38;
	[tilespmem:$0x1600] =	vst v63  }
0x12: {  	_ =	swait.ge [sflag:s11], $0x400  }
0x13: {  	[sflag:s11] =	ssyncset.done $0x0  }
0x14: {  	[sflag:s11] =	ssyncadd.s32 $0xFFFFFC00  }
0x15: {  	[tilespmem:s12], [sflag:$0x1] =	stream.linear.gather [hbm4b:s2+s4], $0x400, $0x38;
	[tilespmem:$0x1600] =	vst v63  }
0x16: {  	_ =	swait.ge [sflag:s11], $0x400  }
0x17: {  	[sflag:s11] =	ssyncset.done $0x0  }
0x18: {  	[sflag:s11] =	ssyncadd.s32 $0xFFFFFC00  }
0x19: {  	[tilespmem:s13], [sflag:$0x1] =	stream.linear.gather [hbm4b:s5+s4], $0x400, $0x38;
	[tilespmem:$0x1600] =	vst v63  }
0x1a: {  	_ =	swait.ge [sflag:s11], $0x400  }
0x1b: {  	[sflag:s11] =	ssyncset.done $0x0  }
0x1c: {  	[sflag:s11] =	ssyncadd.s32 $0xFFFFFC00  }
0x1d: {  	v2 =	vld.msk [tilespmem:s14+$0x0 ss:$0x0], $0xffff  }
0x1e: {  	s20 =	simm.s32 $0x0;
	v3 =	vld.msk [tilespmem:s6+$0x401 ss:$0x0], $0xffff  }
0x1f: {  	v1 =	vld [tilespmem:s20+$0x400]  }
0x20: {  	v4 =	vld.msk [tilespmem:s6+$0x402 ss:$0x0], $0xffff  }
0x21: {  	v5 =	vld.msk [tilespmem:s6+$0x403 ss:$0x0], $0xffff  }
0x22: {  	v6 =	vld.msk [tilespmem:s6+$0x404 ss:$0x0], $0xffff  }
0x23: {  	v7 =	vld.msk [tilespmem:s6+$0x405 ss:$0x0], $0xffff  }
0x24: {  	v8 =	vld.msk [tilespmem:s6+$0x406 ss:$0x0], $0xffff;
	vm0 =	veq.s32 v1, v2;
	vm1 =	veq.s32 v1, v3  }
0x25: {  	v9 =	vld.msk [tilespmem:s6+$0x407 ss:$0x0], $0xffff;
	vm9 =	veq.s32 v1, v4;
	vm0 =	vmor vm0, vm1  }
0x26: {  	v10 =	vld.msk [tilespmem:s6+$0x408 ss:$0x0], $0xffff;
	vm10 =	veq.s32 v1, v5;
	vm0 =	vmor vm9, vm0  }
0x27: {  	v11 =	vld.msk [tilespmem:s6+$0x409 ss:$0x0], $0xffff;
	vm11 =	veq.s32 v1, v6;
	vm0 =	vmor vm10, vm0  }
0x28: {  	v12 =	vld.msk [tilespmem:s6+$0x40A ss:$0x0], $0xffff;
	vm12 =	veq.s32 v1, v7;
	vm0 =	vmor vm11, vm0  }
0x29: {  	v13 =	vld.msk [tilespmem:s6+$0x40B ss:$0x0], $0xffff;
	vm13 =	veq.s32 v1, v8;
	vm0 =	vmor vm12, vm0  }
0x2a: {  	v14 =	vld.msk [tilespmem:s6+$0x40C ss:$0x0], $0xffff;
	vm14 =	veq.s32 v1, v9;
	vm0 =	vmor vm13, vm0  }
0x2b: {  	v15 =	vld.msk [tilespmem:s6+$0x40D ss:$0x0], $0xffff;
	vm15 =	veq.s32 v1, v10;
	vm0 =	vmor vm14, vm0  }
0x2c: {  	v16 =	vld.msk [tilespmem:s6+$0x40E ss:$0x0], $0xffff;
	vm4 =	veq.s32 v1, v11;
	vm0 =	vmor vm15, vm0  }
0x2d: {  	v17 =	vld.msk [tilespmem:s6+$0x40F ss:$0x0], $0xffff;
	vm5 =	veq.s32 v1, v12;
	vm0 =	vmor vm4, vm0  }
0x2e: {  	v18 =	vld.msk [tilespmem:s6+$0x410 ss:$0x0], $0xffff;
	vm6 =	veq.s32 v1, v13;
	vm0 =	vmor vm5, vm0  }
0x2f: {  	v19 =	vld.msk [tilespmem:s6+$0x411 ss:$0x0], $0xffff;
	vm7 =	veq.s32 v1, v14;
	vm0 =	vmor vm6, vm0  }
0x30: {  	v20 =	vld.msk [tilespmem:s6+$0x412 ss:$0x0], $0xffff;
	vm8 =	veq.s32 v1, v15;
	vm0 =	vmor vm7, vm0  }
0x31: {  	v21 =	vld.msk [tilespmem:s6+$0x413 ss:$0x0], $0xffff;
	vm9 =	veq.s32 v1, v16;
	vm0 =	vmor vm8, vm0  }
0x32: {  	v22 =	vld.msk [tilespmem:s6+$0x414 ss:$0x0], $0xffff;
	vm10 =	veq.s32 v1, v17;
	vm0 =	vmor vm9, vm0  }
0x33: {  	v23 =	vld.msk [tilespmem:s6+$0x415 ss:$0x0], $0xffff;
	vm11 =	veq.s32 v1, v18;
	vm0 =	vmor vm10, vm0  }
0x34: {  	v24 =	vld.msk [tilespmem:s6+$0x416 ss:$0x0], $0xffff;
	vm12 =	veq.s32 v1, v19;
	vm0 =	vmor vm11, vm0  }
0x35: {  	v25 =	vld.msk [tilespmem:s6+$0x417 ss:$0x0], $0xffff;
	vm13 =	veq.s32 v1, v20;
	vm0 =	vmor vm12, vm0  }
0x36: {  	v26 =	vld.msk [tilespmem:s6+$0x418 ss:$0x0], $0xffff;
	vm14 =	veq.s32 v1, v21;
	vm0 =	vmor vm13, vm0  }
0x37: {  	v27 =	vld.msk [tilespmem:s6+$0x419 ss:$0x0], $0xffff;
	vm15 =	veq.s32 v1, v22;
	vm0 =	vmor vm14, vm0  }
0x38: {  	v28 =	vld.msk [tilespmem:s6+$0x41A ss:$0x0], $0xffff;
	vm4 =	veq.s32 v1, v23;
	vm0 =	vmor vm15, vm0  }
0x39: {  	v29 =	vld.msk [tilespmem:s6+$0x41B ss:$0x0], $0xffff;
	vm5 =	veq.s32 v1, v24;
	vm0 =	vmor vm4, vm0  }
0x3a: {  	v30 =	vld.msk [tilespmem:s6+$0x41C ss:$0x0], $0xffff;
	vm6 =	veq.s32 v1, v25;
	vm0 =	vmor vm5, vm0  }
0x3b: {  	v31 =	vld.msk [tilespmem:s6+$0x41D ss:$0x0], $0xffff;
	vm7 =	veq.s32 v1, v26;
	vm0 =	vmor vm6, vm0  }
0x3c: {  	v32 =	vld.msk [tilespmem:s6+$0x41E ss:$0x0], $0xffff;
	vm8 =	veq.s32 v1, v27;
	vm0 =	vmor vm7, vm0  }
0x3d: {  	v33 =	vld.msk [tilespmem:s6+$0x41F ss:$0x0], $0xffff;
	vm9 =	veq.s32 v1, v28;
	vm0 =	vmor vm8, vm0  }
0x3e: {  	v34 =	vld [tilespmem:s20+$0x880];
	vm10 =	veq.s32 v1, v29;
	vm0 =	vmor vm9, vm0  }
0x3f: {  	vm11 =	veq.s32 v1, v30;
	vm0 =	vmor vm10, vm0  }
0x40: {  	vm12 =	veq.s32 v1, v31;
	vm0 =	vmor vm11, vm0  }
0x41: {  	vm13 =	veq.s32 v1, v32;
	vm0 =	vmor vm12, vm0  }
0x42: {  	vm14 =	veq.s32 v1, v33;
	vm0 =	vmor vm13, vm0  }
0x43: {  	vm15 =	vgt.f32 v34, $0.0e+00;
	vm0 =	vmor vm14, vm0  }
0x44: {  	vm0 =	vmand vm15, vm0  }
0x45: {  	v50 =	vsel vm0, $0x1, v0  }
0x46: {  	(v2sf) =	vpush v50, $0x0  }
0x47: {  	(v2sf) =	vpush v50, $0x1  }
0x48: {  	(v2sf) =	vpush v50, $0x2  }
0x49: {  	(v2sf) =	vpush v50, $0x3  }
0x4a: {  	(v2sf) =	vpush v50, $0x4  }
0x4b: {  	(v2sf) =	vpush v50, $0x5  }
0x4c: {  	(v2sf) =	vpush v50, $0x6  }
0x4d: {  	(v2sf) =	vpush v50, $0x7  }
0x4e: {  	(v2sf) =	vpush v50, $0x8  }
0x4f: {  	v35 =	vld [tilespmem:s20+$0x0];
	(v2sf) =	vpush v50, $0x9  }
0x50: {  	(v2sf) =	vpush v50, $0xA  }
0x51: {  	(v2sf) =	vpush v50, $0xB  }
0x52: {  	(v2sf) =	vpush v50, $0xC  }
0x53: {  	v36 =	vbroadcast v1, $0x0;
	(v2sf) =	vpush v50, $0xD  }
0x54: {  	v37 =	vbroadcast v35, $0x0;
	(v2sf) =	vpush v50, $0xE  }
0x55: {  	v51 =	vbroadcast v35, $0x1;
	[tilespmem:s4+$0x1100] =	vst v36;
	s26 =	spop (v2sf);
	(v2sf) =	vpush v50, $0xF  }
0x56: {  	v52 =	vbroadcast v1, $0x1;
	[tilespmem:s4+$0xC80] =	vst v37;
	s20 =	sadd.s32 $0x0, s26;
	s21 =	spop (v2sf)  }
0x57: {  	v53 =	vbroadcast v35, $0x2;
	[tilespmem:s20+$0xC80] =	vst v51;
	s21 =	sadd.s32 s21, s20;
	s22 =	spop (v2sf)  }
0x58: {  	v54 =	vbroadcast v1, $0x2;
	[tilespmem:s20+$0x1100] =	vst v52;
	s31 =	sadd.s32 s22, s21;
	s25 =	spop (v2sf)  }
0x59: {  	v55 =	vbroadcast v35, $0x3;
	[tilespmem:s21+$0xC80] =	vst v53;
	s22 =	sadd.s32 s25, s31;
	s23 =	spop (v2sf)  }
0x5a: {  	v56 =	vbroadcast v1, $0x3;
	[tilespmem:s21+$0x1100] =	vst v54;
	s21 =	sadd.s32 s23, s22;
	s26 =	spop (v2sf)  }
0x5b: {  	v57 =	vbroadcast v35, $0x4;
	[tilespmem:s31+$0xC80] =	vst v55;
	s23 =	sadd.s32 s26, s21;
	s24 =	spop (v2sf)  }
0x5c: {  	v58 =	vbroadcast v1, $0x4;
	[tilespmem:s31+$0x1100] =	vst v56;
	s26 =	sadd.s32 s24, s23;
	s31 =	spop (v2sf)  }
0x5d: {  	v59 =	vbroadcast v35, $0x5;
	[tilespmem:s22+$0xC80] =	vst v57;
	s30 =	sadd.s32 s31, s26;
	s24 =	spop (v2sf)  }
0x5e: {  	v60 =	vbroadcast v1, $0x5;
	[tilespmem:s22+$0x1100] =	vst v58;
	s28 =	sadd.s32 s24, s30;
	s25 =	spop (v2sf)  }
0x5f: {  	v61 =	vbroadcast v35, $0x6;
	[tilespmem:s21+$0xC80] =	vst v59;
	s29 =	sadd.s32 s25, s28;
	s31 =	spop (v2sf)  }
0x60: {  	v62 =	vbroadcast v1, $0x6;
	[tilespmem:s21+$0x1100] =	vst v60;
	s24 =	sadd.s32 s31, s29;
	s21 =	spop (v2sf)  }
0x61: {  	v63 =	vbroadcast v35, $0x7;
	[tilespmem:s23+$0xC80] =	vst v61;
	s25 =	sadd.s32 s21, s24;
	s22 =	spop (v2sf)  }
0x62: {  	v39 =	vbroadcast v1, $0x7;
	[tilespmem:s23+$0x1100] =	vst v62;
	s22 =	sadd.s32 s22, s25;
	s23 =	spop (v2sf)  }
0x63: {  	v38 =	vbroadcast v35, $0x8;
	v37 =	vbroadcast v35, $0x9;
	[tilespmem:s26+$0xC80] =	vst v63;
	s23 =	sadd.s32 s23, s22;
	s31 =	spop (v2sf)  }
0x64: {  	v36 =	vbroadcast v1, $0x8;
	v34 =	vbroadcast v1, $0x9;
	s20 =	simm.s32 $0x40;
	[tilespmem:s26+$0x1100] =	vst v39;
	s26 =	sadd.s32 s31, s23;
	s21 =	spop (v2sf)  }
.LBB2_2:
0x65: {  	p0 =	sne.s32 s20, $0xFC0  }
0x66: {  	[tilespmem:s30+$0xC80] =	vst v38;
	s21 =	sadd.s32 s21, s26;
	s31 =	smov.u32 s20;
	s20 =	sadd.s32 $0x40, s20  }
0x67: {  	[tilespmem:s30+$0x1100] =	vst v36  }
0x68: {  	v36 =	vbroadcast v35, $0xA;
	[tilespmem:s28+$0xC80] =	vst v37;
	v37 =	vbroadcast v1, $0xA  }
0x69: {  	[tilespmem:s28+$0x1100] =	vst v34  }
0x6a: {  	v34 =	vbroadcast v35, $0xB;
	[tilespmem:s29+$0xC80] =	vst v36;
	v36 =	vbroadcast v1, $0xB  }
0x6b: {  	[tilespmem:s29+$0x1100] =	vst v37  }
0x6c: {  	v37 =	vbroadcast v1, $0xC;
	[tilespmem:s24+$0xC80] =	vst v34;
	v34 =	vbroadcast v35, $0xC  }
0x6d: {  	[tilespmem:s24+$0x1100] =	vst v36  }
0x6e: {  	v36 =	vbroadcast v1, $0xD;
	[tilespmem:s25+$0xC80] =	vst v34;
	v34 =	vbroadcast v35, $0xD  }
0x6f: {  	[tilespmem:s25+$0x1100] =	vst v37  }
0x70: {  	v37 =	vbroadcast v1, $0xE;
	[tilespmem:s22+$0xC80] =	vst v34;
	v34 =	vbroadcast v35, $0xE  }
0x71: {  	[tilespmem:s22+$0x1100] =	vst v36  }
0x72: {  	v1 =	vbroadcast v1, $0xF;
	[tilespmem:s23+$0xC80] =	vst v34;
	v34 =	vbroadcast v35, $0xF  }
0x73: {  	[tilespmem:s23+$0x1100] =	vst v37  }
0x74: {  	[tilespmem:s26+$0xC80] =	vst v34  }
0x75: {  	s22 =	sshra.s32 s31, $0x2;
	[tilespmem:s26+$0x1100] =	vst v1  }
0x76: {  	v1 =	vld [tilespmem:s22+$0x400];
	_ =	sdelay $0x4  }
0x77: {  	vm0 =	veq.s32 v1, v2;
	vm1 =	veq.s32 v1, v3;
	v36 =	vbroadcast v1, $0x0  }
0x78: {  	v34 =	vbroadcast v1, $0x9;
	vm0 =	vmor vm0, vm1;
	vm1 =	veq.s32 v1, v4  }
0x79: {  	vm0 =	vmor vm1, vm0;
	vm1 =	veq.s32 v1, v5  }
0x7a: {  	vm0 =	vmor vm1, vm0;
	vm1 =	veq.s32 v1, v6  }
0x7b: {  	vm0 =	vmor vm1, vm0;
	vm1 =	veq.s32 v1, v7  }
0x7c: {  	vm0 =	vmor vm1, vm0;
	vm1 =	veq.s32 v1, v8  }
0x7d: {  	vm0 =	vmor vm1, vm0;
	vm1 =	veq.s32 v1, v9  }
0x7e: {  	vm0 =	vmor vm1, vm0;
	vm1 =	veq.s32 v1, v10  }
0x7f: {  	vm0 =	vmor vm1, vm0;
	vm1 =	veq.s32 v1, v11  }
0x80: {  	vm0 =	vmor vm1, vm0;
	vm1 =	veq.s32 v1, v12  }
0x81: {  	vm0 =	vmor vm1, vm0;
	vm1 =	veq.s32 v1, v13  }
0x82: {  	vm0 =	vmor vm1, vm0;
	vm1 =	veq.s32 v1, v14  }
0x83: {  	vm0 =	vmor vm1, vm0;
	vm1 =	veq.s32 v1, v15  }
0x84: {  	vm0 =	vmor vm1, vm0;
	vm1 =	veq.s32 v1, v16  }
0x85: {  	vm0 =	vmor vm1, vm0;
	vm1 =	veq.s32 v1, v17  }
0x86: {  	vm0 =	vmor vm1, vm0;
	vm1 =	veq.s32 v1, v18  }
0x87: {  	vm0 =	vmor vm1, vm0;
	vm1 =	veq.s32 v1, v19  }
0x88: {  	vm0 =	vmor vm1, vm0;
	vm1 =	veq.s32 v1, v20  }
0x89: {  	vm0 =	vmor vm1, vm0;
	vm1 =	veq.s32 v1, v21  }
0x8a: {  	vm0 =	vmor vm1, vm0;
	vm1 =	veq.s32 v1, v22  }
0x8b: {  	vm0 =	vmor vm1, vm0;
	vm1 =	veq.s32 v1, v23  }
0x8c: {  	vm0 =	vmor vm1, vm0;
	vm1 =	veq.s32 v1, v24  }
0x8d: {  	vm0 =	vmor vm1, vm0;
	vm1 =	veq.s32 v1, v25  }
0x8e: {  	vm0 =	vmor vm1, vm0;
	vm1 =	veq.s32 v1, v26  }
0x8f: {  	vm0 =	vmor vm1, vm0;
	vm1 =	veq.s32 v1, v27  }
0x90: {  	vm0 =	vmor vm1, vm0;
	vm1 =	veq.s32 v1, v28  }
0x91: {  	v35 =	vld [tilespmem:s22+$0x880];
	vm0 =	vmor vm1, vm0;
	vm1 =	veq.s32 v1, v29  }
0x92: {  	vm0 =	vmor vm1, vm0;
	vm1 =	veq.s32 v1, v30  }
0x93: {  	vm0 =	vmor vm1, vm0;
	vm1 =	veq.s32 v1, v31  }
0x94: {  	vm0 =	vmor vm1, vm0;
	vm1 =	veq.s32 v1, v32  }
0x95: {  	vm0 =	vmor vm1, vm0;
	vm1 =	veq.s32 v1, v33  }
0x96: {  	vm0 =	vmor vm1, vm0;
	vm1 =	vgt.f32 v35, $0.0e+00  }
0x97: {  	vm0 =	vmand vm1, vm0  }
0x98: {  	v38 =	vsel vm0, $0x1, v0  }
0x99: {  	(v2sf) =	vpush v38, $0x0  }
0x9a: {  	(v2sf) =	vpush v38, $0x1  }
0x9b: {  	(v2sf) =	vpush v38, $0x2  }
0x9c: {  	(v2sf) =	vpush v38, $0x3  }
0x9d: {  	(v2sf) =	vpush v38, $0x4  }
0x9e: {  	(v2sf) =	vpush v38, $0x5  }
0x9f: {  	(v2sf) =	vpush v38, $0x6  }
0xa0: {  	(v2sf) =	vpush v38, $0x7  }
0xa1: {  	(v2sf) =	vpush v38, $0x8  }
0xa2: {  	v35 =	vld [tilespmem:s22+$0x0];
	(v2sf) =	vpush v38, $0x9  }
0xa3: {  	(v2sf) =	vpush v38, $0xA  }
0xa4: {  	(v2sf) =	vpush v38, $0xB  }
0xa5: {  	(v2sf) =	vpush v38, $0xC  }
0xa6: {  	(v2sf) =	vpush v38, $0xD  }
0xa7: {  	v39 =	vbroadcast v35, $0x0;
	v37 =	vbroadcast v35, $0x9;
	(v2sf) =	vpush v38, $0xE  }
0xa8: {  	v40 =	vbroadcast v1, $0x1;
	[tilespmem:s21+$0x1100] =	vst v36;
	v36 =	vbroadcast v35, $0x1;
	s22 =	spop (v2sf);
	(v2sf) =	vpush v38, $0xF  }
0xa9: {  	[tilespmem:s21+$0xC80] =	vst v39;
	s21 =	sadd.s32 s21, s22;
	s22 =	spop (v2sf)  }
0xaa: {  	v38 =	vbroadcast v1, $0x2;
	[tilespmem:s21+$0xC80] =	vst v36;
	s22 =	sadd.s32 s22, s21;
	v36 =	vbroadcast v35, $0x2;
	s23 =	spop (v2sf)  }
0xab: {  	[tilespmem:s21+$0x1100] =	vst v40;
	s21 =	sadd.s32 s23, s22;
	s23 =	spop (v2sf)  }
0xac: {  	v39 =	vbroadcast v1, $0x3;
	[tilespmem:s22+$0xC80] =	vst v36;
	v36 =	vbroadcast v35, $0x3;
	s23 =	sadd.s32 s23, s21;
	s24 =	spop (v2sf)  }
0xad: {  	[tilespmem:s22+$0x1100] =	vst v38;
	s22 =	sadd.s32 s24, s23;
	s24 =	spop (v2sf)  }
0xae: {  	v38 =	vbroadcast v1, $0x4;
	[tilespmem:s21+$0xC80] =	vst v36;
	v36 =	vbroadcast v35, $0x4;
	s26 =	sadd.s32 s24, s22;
	s24 =	spop (v2sf)  }
0xaf: {  	[tilespmem:s21+$0x1100] =	vst v39;
	s21 =	sadd.s32 s24, s26;
	s24 =	spop (v2sf)  }
0xb0: {  	v39 =	vbroadcast v1, $0x5;
	[tilespmem:s23+$0xC80] =	vst v36;
	v36 =	vbroadcast v35, $0x5;
	s30 =	sadd.s32 s24, s21;
	s24 =	spop (v2sf)  }
0xb1: {  	[tilespmem:s23+$0x1100] =	vst v38;
	s28 =	sadd.s32 s24, s30;
	s23 =	spop (v2sf)  }
0xb2: {  	v38 =	vbroadcast v1, $0x6;
	[tilespmem:s22+$0xC80] =	vst v36;
	v36 =	vbroadcast v35, $0x6;
	s29 =	sadd.s32 s23, s28;
	s23 =	spop (v2sf)  }
.Ltmp0:
0xb3: {  	[tilespmem:s22+$0x1100] =	vst v39;
	s24 =	sadd.s32 s23, s29;
	s22 =	spop (v2sf);
	(pc) =	sbr.rel @p0 .LBB2_2-.Ltmp0, $4  }
0xb4: {  	v39 =	vbroadcast v1, $0x7;
	[tilespmem:s26+$0xC80] =	vst v36;
	v36 =	vbroadcast v35, $0x7;
	s25 =	sadd.s32 s22, s24;
	s22 =	spop (v2sf)  }
0xb5: {  	[tilespmem:s26+$0x1100] =	vst v38;
	s22 =	sadd.s32 s22, s25;
	s23 =	spop (v2sf)  }
0xb6: {  	v38 =	vbroadcast v35, $0x8;
	[tilespmem:s21+$0xC80] =	vst v36;
	v36 =	vbroadcast v1, $0x8;
	s23 =	sadd.s32 s23, s22;
	s26 =	spop (v2sf)  }
0xb7: {  	[tilespmem:s21+$0x1100] =	vst v39;
	s26 =	sadd.s32 s26, s23;
	s21 =	spop (v2sf)  }
0xb8: {  	[tilespmem:s30+$0xC80] =	vst v38  }
0xb9: {  	[tilespmem:s30+$0x1100] =	vst v36  }
0xba: {  	v2 =	vbroadcast v35, $0xA;
	[tilespmem:s28+$0xC80] =	vst v37  }
0xbb: {  	v3 =	vbroadcast v1, $0xA;
	[tilespmem:s28+$0x1100] =	vst v34  }
0xbc: {  	v4 =	vbroadcast v1, $0xB;
	[tilespmem:s29+$0xC80] =	vst v2  }
0xbd: {  	v2 =	vbroadcast v35, $0xB;
	[tilespmem:s29+$0x1100] =	vst v3  }
0xbe: {  	v3 =	vbroadcast v1, $0xC;
	[tilespmem:s24+$0x1100] =	vst v4  }
0xbf: {  	[tilespmem:s24+$0xC80] =	vst v2;
	v2 =	vbroadcast v35, $0xC  }
0xc0: {  	v63 =	vbroadcast v1, $0xD;
	[tilespmem:s25+$0x1100] =	vst v3  }
0xc1: {  	[tilespmem:s25+$0xC80] =	vst v2;
	v2 =	vbroadcast v35, $0xD  }
0xc2: {  	v3 =	vbroadcast v1, $0xE;
	[tilespmem:s22+$0x1100] =	vst v63  }
0xc3: {  	[tilespmem:s22+$0xC80] =	vst v2;
	v2 =	vbroadcast v35, $0xE  }
0xc4: {  	v1 =	vbroadcast v1, $0xF;
	[tilespmem:s23+$0x1100] =	vst v3  }
0xc5: {  	[tilespmem:s23+$0xC80] =	vst v2;
	v2 =	vbroadcast v35, $0xF  }
0xc6: {  	s20 =	sadd.s32 s21, s26;
	[tilespmem:s26+$0x1100] =	vst v1  }
0xc7: {  	v1 =	vmov s20;
	[tilespmem:s26+$0xC80] =	vst v2  }
0xc8: {  	[tilespmem:$0x1580] =	vst v1  }
0xc9: {  	[hbm4b:s7+s4] =	stream.linear.scatter [tilespmem:s15], [sflag:$0x1], $0x80, $0x38;
	[tilespmem:$0x1600] =	vst v63  }
0xca: {  	_ =	swait.ge [sflag:s11], $0x80  }
0xcb: {  	[sflag:s11] =	ssyncset.done $0x0  }
0xcc: {  	[sflag:s11] =	ssyncadd.s32 $0xFFFFFF80  }
0xcd: {  	[hbm4b:s8+s16] =	stream.strided.scatter [tilespmem:s17], [sflag:$0x1], $0x400, s12, s16, $0x38;
	[tilespmem:$0x1600] =	vst v63  }
0xce: {  	s19 =	sadd.s32 $0x1, s19;
	_ =	swait.ge [sflag:s11], $0x400  }
0xcf: {  	p0 =	sne.s32 s19, s10;
	[sflag:s11] =	ssyncset.done $0x0  }
.Ltmp1:
0xd0: {  	[sflag:s11] =	ssyncadd.s32 $0xFFFFFC00;
	(pc) =	sbr.rel @p0 .LBB2_1-.Ltmp1, $4  }
0xd1: {  	[hbm4b:s9+s16] =	stream.strided.scatter [tilespmem:s18], [sflag:$0x1], $0x400, s12, s16, $0x38;
	[tilespmem:$0x1600] =	vst v63  }
0xd2: {  	_ =	swait.ge [sflag:s11], $0x400  }
0xd3: {  	[sflag:s11] =	ssyncset.done $0x0  }
0xd4: {  	[sflag:s11] =	ssyncadd.s32 $0xFFFFFC00  }
0xd5: {  	_ =	sfence.sel $0x180000  }
0xd6: {  	[bflag:$0x0] =	sbarrier.arrive $0xFFFF  }
0xd7: {  	p0 =	sne.s32 s3, $0x0;
	_ =	strace $0x90000047  }
0xd8: {  	s0 =	sadd.s32 @!p0 $0x100000, s0;
	[bflag:$0x2] =	sbarrier.arrive $0xFFFF  }
0xd9: {  	[sflag:s0] =	ssyncadd.tile.s32 @!p0 $0x1;
	_ =	shalt  }
.Lfunc_end2:
_tile_overlayer_lowered:
.L_overlay_start_2:
0xda: {  	(tag) =	ssettag $0x2  }
0xdb: {  	s0 =	rddreg [dreg:$0x0];
	s2 =	stileid.u32  }
0xdc: {  	s1 =	rddreg [dreg:$0x1];
	p0 =	sne.s32 s2, $0x0  }
0xdd: {  	s3 =	rddreg [dreg:$0x2];
	[bflag:$0x3] =	sbarrier.arrive $0xFFFF;
	s2 =	simm.s32 @!p0 $0x1C01  }
0xde: {  	[timem:s3], [sflag:s2] =	dma.local @!p0 [hbm:s0], s1  }
0xdf: {  	s0 =	simm.s32 @!p0 $0x1  }
0xe0: {  	_ =	swait.ge @!p0 [sflag:s0], s1  }
0xe1: {  	s1 =	ssub.s32 @!p0 $0x0, s1;
	[sflag:s0] =	ssyncset.done @!p0 $0x0  }
0xe2: {  	[sflag:s0] =	ssyncadd.s32 @!p0 s1  }
0xe3: {  	[bflag:$0x3] =	sbarrier.arrive $0xFFFF  }
0xe4: {  	_ =	shalt  }

</sc_bundles>
